<compile_context>
chip_gen: v7x
topology: tpu7x:2x2x1
jax: 0.10.2.dev20260603
libtpu: 0.0.44.dev20260713+nightly
codegen_flags: <defaults>
</compile_context>

<pallas_src>
import functools

import jax
import jax.numpy as jnp
from jax import lax
from jax.experimental import pallas as pl
from jax.experimental.pallas import tpu as pltpu
from jax.experimental.pallas import tpu_sc as plsc

N = 10000
E = 320000
G = 64
NP = 10240
EP = 327680
CH = 128
NC, NS = 2, 16
K2 = EP // (NS * CH)
RPT = NP // NS
D1 = 136
D2 = 256
DQ = 64
NQ = 4
BR = 1280
GRID = NP // BR

_mesh = plsc.VectorSubcoreMesh(
    core_axis_name="c", subcore_axis_name="s", num_cores=NC, num_subcores=NS)
_sc_params = pltpu.CompilerParams(use_tc_tiling_on_sc=False)


@functools.partial(
    pl.kernel,
    out_type=(jax.ShapeDtypeStruct((NC * NP, DQ), jnp.float32),
              jax.ShapeDtypeStruct((NP, 8), jnp.float32),
              jax.ShapeDtypeStruct((NP, 8), jnp.float32)),
    mesh=_mesh,
    scratch_types=[
        pltpu.VMEM((K2, CH), jnp.int32),
        pltpu.VMEM((K2, CH), jnp.int32),
        pltpu.VMEM((CH, DQ), jnp.float32),
        pltpu.VMEM((CH, DQ), jnp.float32),
        pltpu.VMEM((CH, 8), jnp.float32),
        pltpu.VMEM((CH, 8), jnp.float32),
        pltpu.VMEM((CH, 8), jnp.float32),
        pltpu.VMEM_SHARED((NP, DQ), jnp.float32),
        pltpu.VMEM_SHARED((NC * NP, 8), jnp.float32),
        pltpu.SemaphoreType.DMA,
        pltpu.SemaphoreType.DMA,
        pltpu.SemaphoreType.DMA,
        pltpu.SemaphoreType.DMA,
    ],
    compiler_params=_sc_params,
)
def _sc_pass1(featA, featB, gidx, sidx, zq, z8, ones8,
              out_a, out_b, out_deg,
              gslab, sslab, buf0, buf1, bufb0, bufb1, onesb, acc, acc8,
              sem0, sem1, semb0, semb1):
    c = lax.axis_index("c")
    s = lax.axis_index("s")
    r0 = s * RPT
    pltpu.sync_copy(zq.at[pl.ds(r0, RPT)], acc.at[pl.ds(r0, RPT)])
    pltpu.sync_copy(z8.at[pl.ds(r0, RPT)], acc8.at[pl.ds(c * NP + r0, RPT)])
    pltpu.sync_copy(ones8, onesb)
    pltpu.sync_copy(gidx.at[c * NS + s], gslab)
    pltpu.sync_copy(sidx.at[s], sslab)
    plsc.subcore_barrier()

    pltpu.async_copy(featA.at[gslab.at[0]], buf0, sem0)

    @pl.when(c == 0)
    def _():
        pltpu.async_copy(featB.at[gslab.at[0]], bufb0, semb0)
        pltpu.async_copy(featB.at[gslab.at[1]], bufb1, semb1)

    def small(j, bb, sb):
        @pl.when(c == 0)
        def _():
            pltpu.make_async_copy(featB.at[gslab.at[j]], bb, sb).wait()
            pltpu.sync_copy(bb, acc8.at[sslab.at[j]], add=True)

            @pl.when(j + 2 < K2)
            def _():
                pltpu.async_copy(featB.at[gslab.at[j + 2]], bb, sb)

        @pl.when(c == 1)
        def _():
            pltpu.sync_copy(onesb, acc8.at[gslab.at[j]], add=True)

    def body(j2, carry):
        j = 2 * j2
        pltpu.async_copy(featA.at[gslab.at[j + 1]], buf1, sem1)
        pltpu.make_async_copy(featA.at[gslab.at[j]], buf0, sem0).wait()
        pltpu.sync_copy(buf0, acc.at[sslab.at[j]], add=True)
        small(j, bufb0, semb0)

        @pl.when(j + 2 < K2)
        def _():
            pltpu.async_copy(featA.at[gslab.at[j + 2]], buf0, sem0)

        pltpu.make_async_copy(featA.at[gslab.at[j + 1]], buf1, sem1).wait()
        pltpu.sync_copy(buf1, acc.at[sslab.at[j + 1]], add=True)
        small(j + 1, bufb1, semb1)
        return carry

    lax.fori_loop(0, K2 // 2, body, 0)
    plsc.subcore_barrier()
    pltpu.sync_copy(acc.at[pl.ds(r0, RPT)], out_a.at[pl.ds(c * NP + r0, RPT)])

    @pl.when(c == 0)
    def _():
        pltpu.sync_copy(acc8.at[pl.ds(r0, RPT)], out_b.at[pl.ds(r0, RPT)])

    @pl.when(c == 1)
    def _():
        pltpu.sync_copy(acc8.at[pl.ds(NP + r0, RPT)],
                        out_deg.at[pl.ds(r0, RPT)])


@functools.partial(
    pl.kernel,
    out_type=jax.ShapeDtypeStruct((NQ * NP, DQ), jnp.float32),
    mesh=_mesh,
    scratch_types=[
        pltpu.VMEM((K2, CH), jnp.int32),
        pltpu.VMEM((K2, CH), jnp.int32),
        pltpu.VMEM((CH, DQ), jnp.float32),
        pltpu.VMEM((CH, DQ), jnp.float32),
        pltpu.VMEM_SHARED((NP, DQ), jnp.float32),
        pltpu.SemaphoreType.DMA,
        pltpu.SemaphoreType.DMA,
    ],
    compiler_params=_sc_params,
)
def _sc_agg(table, gidx, sidx, zq, out, gslab, sslab, buf0, buf1, acc,
            sem0, sem1):
    c = lax.axis_index("c")
    s = lax.axis_index("s")
    r0 = s * RPT
    pltpu.sync_copy(sidx.at[s], sslab)
    for q in range(2):
        v = 2 * q + c
        pltpu.sync_copy(gidx.at[v * NS + s], gslab)
        pltpu.sync_copy(zq.at[pl.ds(r0, RPT)], acc.at[pl.ds(r0, RPT)])
        plsc.subcore_barrier()

        pltpu.async_copy(table.at[gslab.at[0]], buf0, sem0)

        def body(j2, carry):
            j = 2 * j2
            pltpu.async_copy(table.at[gslab.at[j + 1]], buf1, sem1)
            pltpu.make_async_copy(table.at[gslab.at[j]], buf0, sem0).wait()
            pltpu.sync_copy(buf0, acc.at[sslab.at[j]], add=True)

            @pl.when(j + 2 < K2)
            def _():
                pltpu.async_copy(table.at[gslab.at[j + 2]], buf0, sem0)

            pltpu.make_async_copy(table.at[gslab.at[j + 1]], buf1,
                                  sem1).wait()
            pltpu.sync_copy(buf1, acc.at[sslab.at[j + 1]], add=True)
            return carry

        lax.fori_loop(0, K2 // 2, body, 0)
        plsc.subcore_barrier()
        pltpu.sync_copy(acc.at[pl.ds(r0, RPT)],
                        out.at[pl.ds(v * NP + r0, RPT)])


def _split_q(ms_ref, ms):
    for j in range(NQ):
        ms_ref[j, :, :] = ms[:, j * DQ:(j + 1) * DQ]


def _cat_q(ref):
    return jnp.concatenate([ref[j] for j in range(NQ)], axis=1)


def _tc0_body(sa_ref, sb_ref, degs_ref, w_ref, ms_ref, rdeg_ref):
    sa = jnp.concatenate([sa_ref[0], sa_ref[1]], axis=1)
    sb = sb_ref[...]
    s2 = (jnp.sum(sa * sa, axis=1, keepdims=True)
          + jnp.sum(sb * sb, axis=1, keepdims=True))
    h = jnp.concatenate([sa, sb], axis=1) * lax.rsqrt(
        jnp.where(s2 > 0, s2, 1.0))
    deg = degs_ref[:, 0:1] + 1.0
    rdeg = lax.rsqrt(deg)
    m = jnp.dot(h, w_ref[...], preferred_element_type=jnp.float32)
    _split_q(ms_ref, m * rdeg)
    rdeg_ref[...] = jnp.broadcast_to(rdeg, (BR, 128))


def _tc_layer0(sumsa, sumsb, degs, w0p):
    return pl.pallas_call(
        _tc0_body,
        grid=(GRID,),
        in_specs=[
            pl.BlockSpec((NC, BR, DQ), lambda i: (0, i, 0)),
            pl.BlockSpec((BR, 8), lambda i: (i, 0)),
            pl.BlockSpec((BR, 8), lambda i: (i, 0)),
            pl.BlockSpec((D1, D2), lambda i: (0, 0)),
        ],
        out_specs=[
            pl.BlockSpec((NQ, BR, DQ), lambda i: (0, i, 0)),
            pl.BlockSpec((BR, 128), lambda i: (i, 0)),
        ],
        out_shape=[
            jax.ShapeDtypeStruct((NQ, NP, DQ), jnp.float32),
            jax.ShapeDtypeStruct((NP, 128), jnp.float32),
        ],
    )(sumsa, sumsb, degs, w0p)


def _tck_body(agg_ref, msp_ref, rdeg_ref, w_ref, b_ref, ms_ref):
    rdeg = rdeg_ref[:, 0:1]
    pre = (_cat_q(agg_ref) + _cat_q(msp_ref)) * rdeg + b_ref[0:1, :]
    h = jnp.maximum(pre, 0.0)
    m = jnp.dot(h, w_ref[...], preferred_element_type=jnp.float32)
    _split_q(ms_ref, m * rdeg)


def _tc_layer(agg, msp, rdegb, w, b):
    return pl.pallas_call(
        _tck_body,
        grid=(GRID,),
        in_specs=[
            pl.BlockSpec((NQ, BR, DQ), lambda i: (0, i, 0)),
            pl.BlockSpec((NQ, BR, DQ), lambda i: (0, i, 0)),
            pl.BlockSpec((BR, 128), lambda i: (i, 0)),
            pl.BlockSpec((D2, D2), lambda i: (0, 0)),
            pl.BlockSpec((1, D2), lambda i: (0, 0)),
        ],
        out_specs=pl.BlockSpec((NQ, BR, DQ), lambda i: (0, i, 0)),
        out_shape=jax.ShapeDtypeStruct((NQ, NP, DQ), jnp.float32),
    )(agg, msp, rdegb, w, b)


def _tcf_body(agg_ref, msp_ref, rdeg_ref, b_ref, wl_ref, bl_ref, batch_ref,
              out_ref, pacc, cacc):
    i = pl.program_id(0)
    rdeg = rdeg_ref[:, 0:1]
    pre = (_cat_q(agg_ref) + _cat_q(msp_ref)) * rdeg + b_ref[0:1, :]
    h = jnp.maximum(pre, 0.0)
    bt = batch_ref[0, 0, :]
    gid = lax.broadcasted_iota(jnp.int32, (BR, G), 1)
    oh = (bt[:, None] == gid).astype(jnp.float32)
    pc = lax.dot_general(oh, h, (((0,), (0,)), ((), ())),
                         preferred_element_type=jnp.float32,
                         precision=lax.Precision.HIGHEST)
    ones = jnp.ones((BR, 128), jnp.float32)
    cn = lax.dot_general(oh, ones, (((0,), (0,)), ((), ())),
                         preferred_element_type=jnp.float32,
                         precision=lax.Precision.HIGHEST)

    @pl.when(i == 0)
    def _():
        pacc[...] = jnp.zeros((G, D2), jnp.float32)
        cacc[...] = jnp.zeros((G, 128), jnp.float32)

    pacc[...] += pc
    cacc[...] += cn

    @pl.when(i == GRID - 1)
    def _():
        pooled = pacc[...] / jnp.maximum(cacc[:, 0:1], 1.0)
        out_ref[...] = jnp.dot(
            pooled, wl_ref[...],
            preferred_element_type=jnp.float32) + bl_ref[...]


def _tc_final(agg, msp, rdegb, b, wlp, blb, batchp):
    return pl.pallas_call(
        _tcf_body,
        grid=(GRID,),
        in_specs=[
            pl.BlockSpec((NQ, BR, DQ), lambda i: (0, i, 0)),
            pl.BlockSpec((NQ, BR, DQ), lambda i: (0, i, 0)),
            pl.BlockSpec((BR, 128), lambda i: (i, 0)),
            pl.BlockSpec((1, D2), lambda i: (0, 0)),
            pl.BlockSpec((D2, 128), lambda i: (0, 0)),
            pl.BlockSpec((1, 128), lambda i: (0, 0)),
            pl.BlockSpec((1, 1, BR), lambda i: (i, 0, 0)),
        ],
        out_specs=pl.BlockSpec((G, 128), lambda i: (0, 0)),
        out_shape=jax.ShapeDtypeStruct((G, 128), jnp.float32),
        scratch_shapes=[
            pltpu.VMEM((G, D2), jnp.float32),
            pltpu.VMEM((G, 128), jnp.float32),
        ],
    )(agg, msp, rdegb, b, wlp, blb, batchp)


def kernel(x, pos, z, W0, b0, W1, b1, W2, b2, Wl, bl, edge_index, batch):
    f32 = jnp.float32
    xh = jnp.pad(x, ((0, NP - N), (0, 0))).reshape(
        NP, NC, DQ).transpose(1, 0, 2).reshape(NC * NP, DQ)
    featsB = jnp.pad(jnp.concatenate([pos, z[:, None]], axis=1),
                     ((0, NP - N), (0, 4)))
    src = jnp.pad(edge_index[0], (0, EP - E), constant_values=N)
    dst = jnp.pad(edge_index[1], (0, EP - E), constant_values=N)
    gidx1 = (dst[None, :]
             + (jnp.arange(NC, dtype=jnp.int32) * NP)[:, None]).reshape(
                 NC * NS, K2, CH)
    sidx1 = src.reshape(NS, K2, CH)
    gidx2 = (src[None, :]
             + (jnp.arange(NQ, dtype=jnp.int32) * NP)[:, None]).reshape(
                 NQ * NS, K2, CH)
    sidx2 = dst.reshape(NS, K2, CH)
    z8 = jnp.zeros((NP, 8), f32)
    zq = jnp.zeros((NP, DQ), f32)
    ones8 = jnp.zeros((CH, 8), f32).at[:, 0].set(1.0)
    W0p = jnp.pad(W0, ((0, D1 - 132), (0, 0)))
    Wlp = jnp.pad(Wl, ((0, 0), (0, 127)))
    blb = jnp.broadcast_to(bl.reshape(1, 1), (1, 128))
    batchP = jnp.pad(batch, (0, NP - N), constant_values=127).reshape(
        GRID, 1, BR)

    out_a, out_b, out_deg = _sc_pass1(xh, featsB, gidx1, sidx1,
                                      zq, z8, ones8)
    ms, rdegb = _tc_layer0(out_a.reshape(NC, NP, DQ), out_b, out_deg, W0p)

    for W_, b_ in ((W1, b0), (W2, b1)):
        agg = _sc_agg(ms.reshape(NQ * NP, DQ), gidx2, sidx2, zq)
        ms = _tc_layer(agg.reshape(NQ, NP, DQ), ms, rdegb, W_,
                       b_.reshape(1, D2))

    agg = _sc_agg(ms.reshape(NQ * NP, DQ), gidx2, sidx2, zq)
    res = _tc_final(agg.reshape(NQ, NP, DQ), ms, rdegb, b2.reshape(1, D2),
                    Wlp, blb, batchP)
    return res[:, 0]

# --- scband reference (transcript-rebuilt; emitter-appended) ---
"""Pipeline reference for scband-gnn-pyg-45904610459949 (READ-ONLY COPY).

The authoritative reference and input builder live on the scoring server;
editing this copy changes nothing except your own understanding.
"""

import jax, jax.numpy as jnp
import numpy as np

N = 10000
E = 320000
G = 64
D_IN = 132
WIDTH = 256

def setup_inputs(seed: int = 0):
    key = jax.random.key(seed)
    ks = jax.random.split(key, 12)
    x = jax.random.normal(ks[0], (N, 128), dtype=jnp.float32)
    pos = jax.random.normal(ks[1], (N, 3), dtype=jnp.float32)
    z = jax.random.normal(ks[2], (N,), dtype=jnp.float32)
    edge_index = jax.random.randint(ks[3], (2, E), 0, N, dtype=jnp.int32)
    batch = jnp.sort(jax.random.randint(ks[4], (N,), 0, G, dtype=jnp.int32))
    W0 = jax.random.normal(ks[5], (D_IN, WIDTH), dtype=jnp.float32) / np.sqrt(D_IN)
    b0 = jnp.zeros((WIDTH,), jnp.float32)
    W1 = jax.random.normal(ks[6], (WIDTH, WIDTH), dtype=jnp.float32) / np.sqrt(WIDTH)
    b1 = jnp.zeros((WIDTH,), jnp.float32)
    W2 = jax.random.normal(ks[7], (WIDTH, WIDTH), dtype=jnp.float32) / np.sqrt(WIDTH)
    b2 = jnp.zeros((WIDTH,), jnp.float32)
    Wl = jax.random.normal(ks[8], (WIDTH, 1), dtype=jnp.float32) / np.sqrt(WIDTH)
    bl = jnp.zeros((1,), jnp.float32)
    return {"x": x, "pos": pos, "z": z, "W0": W0, "b0": b0, "W1": W1, "b1": b1, "W2": W2, "b2": b2, "Wl": Wl, "bl": bl, "edge_index": edge_index, "batch": batch}

def reference(x, pos, z, W0, b0, W1, b1, W2, b2, Wl, bl, edge_index, batch):
    # data.x hstack pos and z
    feats = jnp.hstack([x, pos, z[:, None]])
    # feat_mat_aggr_normed: sum of neighbor (edge dst) feats grouped by edge src, L2-normalized per row
    summed = jax.ops.segment_sum(feats[edge_index[1]], edge_index[0], num_segments=N)
    nrm = jnp.linalg.norm(summed, axis=1, keepdims=True)
    h = summed / jnp.where(nrm > 0, nrm, 1.0)
    # GCNConv stack: add self loops, symmetric normalization deg^-1/2 A_hat deg^-1/2
    ar = jnp.arange(N, dtype=edge_index.dtype)
    src = jnp.concatenate([edge_index[0], ar])
    dst = jnp.concatenate([edge_index[1], ar])
    deg = jax.ops.segment_sum(jnp.ones(src.shape, jnp.float32), dst, num_segments=N)
    enorm = jax.lax.rsqrt(deg[src]) * jax.lax.rsqrt(deg[dst])
    for W_, b_ in ((W0, b0), (W1, b1), (W2, b2)):
        m = h @ W_
        h = jax.ops.segment_sum(enorm[:, None] * m[src], dst, num_segments=N) + b_
        h = jax.nn.relu(h)
    # global_mean_pool over batch ids
    cnt = jax.ops.segment_sum(jnp.ones((N,), jnp.float32), batch, num_segments=G)
    pooled = jax.ops.segment_sum(h, batch, num_segments=G) / jnp.maximum(cnt, 1.0)[:, None]
    out = pooled @ Wl + bl
    return out.squeeze()

if __name__ == "__main__":
    import jax
    _d = setup_inputs()
    print(jax.jit(kernel)(*tuple(_d.values())))

</pallas_src>

<mosaic_0001>
#map = affine_map<(d0, d1) -> (0, 0)>
#map1 = affine_map<(d0, d1) -> (0, 0, 0)>
module attributes {stable_mosaic.version = 14 : i64} {
  func.func @_sc_pass1(%arg0: i32, %arg1: i32, %arg2: memref<20480x64xf32, #tpu.memory_space<hbm>>, %arg3: memref<10240x8xf32, #tpu.memory_space<hbm>>, %arg4: memref<32x160x128xi32, #tpu.memory_space<hbm>>, %arg5: memref<16x160x128xi32, #tpu.memory_space<hbm>>, %arg6: memref<10240x64xf32, #tpu.memory_space<hbm>>, %arg7: memref<10240x8xf32, #tpu.memory_space<hbm>>, %arg8: memref<128x8xf32, #tpu.memory_space<hbm>>, %arg9: memref<20480x64xf32, #tpu.memory_space<hbm>>, %arg10: memref<10240x8xf32, #tpu.memory_space<hbm>>, %arg11: memref<10240x8xf32, #tpu.memory_space<hbm>>, %arg12: memref<160x128xi32, #tpu.memory_space<vmem>>, %arg13: memref<160x128xi32, #tpu.memory_space<vmem>>, %arg14: memref<128x64xf32, #tpu.memory_space<vmem>>, %arg15: memref<128x64xf32, #tpu.memory_space<vmem>>, %arg16: memref<128x8xf32, #tpu.memory_space<vmem>>, %arg17: memref<128x8xf32, #tpu.memory_space<vmem>>, %arg18: memref<128x8xf32, #tpu.memory_space<vmem>>, %arg19: memref<10240x64xf32, #tpu.memory_space<vmem_shared>>, %arg20: memref<20480x8xf32, #tpu.memory_space<vmem_shared>>, %arg21: memref<!tpu.dma_semaphore, #tpu.memory_space<semaphore_mem>>, %arg22: memref<!tpu.dma_semaphore, #tpu.memory_space<semaphore_mem>>, %arg23: memref<!tpu.dma_semaphore, #tpu.memory_space<semaphore_mem>>, %arg24: memref<!tpu.dma_semaphore, #tpu.memory_space<semaphore_mem>>) attributes {dimension_semantics = [#tpu.dimension_semantics<core_parallel>, #tpu.dimension_semantics<subcore_parallel>], iteration_bounds = array<i64: 2, 16>, scalar_prefetch = 0 : i64, scratch_operands = 13 : i64, tpu.core_type = #tpu.core_type<sc_vector_subcore>, window_params = [{transform_indices = #map}, {transform_indices = #map}, {transform_indices = #map1}, {transform_indices = #map1}, {transform_indices = #map}, {transform_indices = #map}, {transform_indices = #map}, {transform_indices = #map}, {transform_indices = #map}, {transform_indices = #map}]} {
    %mul3A = arith.constant 640 : i32
    %mul3A_0 = arith.muli %arg1, %mul3A : i32
    "tpu.region"() ({
      %run_scoped3A = tpu.sem_alloc : memref<!tpu.dma_semaphore, #tpu.memory_space<semaphore_mem>>
      %dma_start3A_33 = arith.constant 0 : i32
      %dma_start3A_34 = tpu.memref_slice %arg19[%mul3A_0, %dma_start3A_33] : memref<10240x64xf32, #tpu.memory_space<vmem_shared>> -> memref<640x64xf32, #tpu.memory_space<vmem_shared>>
      %dma_start3A_35 = arith.constant 0 : i32
      %dma_start3A_36 = tpu.memref_slice %arg6[%mul3A_0, %dma_start3A_35] : memref<10240x64xf32, #tpu.memory_space<hbm>> -> memref<640x64xf32, #tpu.memory_space<hbm>>
      tpu.enqueue_dma source(%dma_start3A_36 : memref<640x64xf32, #tpu.memory_space<hbm>>) target(%dma_start3A_34 : memref<640x64xf32, #tpu.memory_space<vmem_shared>>) target_semaphore(%run_scoped3A : memref<!tpu.dma_semaphore, #tpu.memory_space<semaphore_mem>>)
      %dma_wait3A = arith.constant 0 : i32
      %dma_wait3A_37 = tpu.memref_slice %arg19[%mul3A_0, %dma_wait3A] : memref<10240x64xf32, #tpu.memory_space<vmem_shared>> -> memref<640x64xf32, #tpu.memory_space<vmem_shared>>
      %dma_wait3A_38 = arith.constant 0 : i32
      %dma_wait3A_39 = tpu.memref_slice %arg6[%mul3A_0, %dma_wait3A_38] : memref<10240x64xf32, #tpu.memory_space<hbm>> -> memref<640x64xf32, #tpu.memory_space<hbm>>
      tpu.wait_dma2 semaphore(%run_scoped3A : memref<!tpu.dma_semaphore, #tpu.memory_space<semaphore_mem>>) src(%dma_wait3A_39 : memref<640x64xf32, #tpu.memory_space<hbm>>) dst(%dma_wait3A_37 : memref<640x64xf32, #tpu.memory_space<vmem_shared>>)
      tpu.yield
    }) : () -> ()
    %mul3A_1 = arith.constant 10240 : i32
    %mul3A_2 = arith.muli %arg0, %mul3A_1 : i32
    %add3A = arith.addi %mul3A_2, %mul3A_0 : i32
    "tpu.region"() ({
      %run_scoped3A = tpu.sem_alloc : memref<!tpu.dma_semaphore, #tpu.memory_space<semaphore_mem>>
      %dma_start3A_33 = arith.constant 0 : i32
      %dma_start3A_34 = tpu.memref_slice %arg20[%add3A, %dma_start3A_33] : memref<20480x8xf32, #tpu.memory_space<vmem_shared>> -> memref<640x8xf32, #tpu.memory_space<vmem_shared>>
      %dma_start3A_35 = arith.constant 0 : i32
      %dma_start3A_36 = tpu.memref_slice %arg7[%mul3A_0, %dma_start3A_35] : memref<10240x8xf32, #tpu.memory_space<hbm>> -> memref<640x8xf32, #tpu.memory_space<hbm>>
      tpu.enqueue_dma source(%dma_start3A_36 : memref<640x8xf32, #tpu.memory_space<hbm>>) target(%dma_start3A_34 : memref<640x8xf32, #tpu.memory_space<vmem_shared>>) target_semaphore(%run_scoped3A : memref<!tpu.dma_semaphore, #tpu.memory_space<semaphore_mem>>)
      %dma_wait3A = arith.constant 0 : i32
      %dma_wait3A_37 = tpu.memref_slice %arg20[%add3A, %dma_wait3A] : memref<20480x8xf32, #tpu.memory_space<vmem_shared>> -> memref<640x8xf32, #tpu.memory_space<vmem_shared>>
      %dma_wait3A_38 = arith.constant 0 : i32
      %dma_wait3A_39 = tpu.memref_slice %arg7[%mul3A_0, %dma_wait3A_38] : memref<10240x8xf32, #tpu.memory_space<hbm>> -> memref<640x8xf32, #tpu.memory_space<hbm>>
      tpu.wait_dma2 semaphore(%run_scoped3A : memref<!tpu.dma_semaphore, #tpu.memory_space<semaphore_mem>>) src(%dma_wait3A_39 : memref<640x8xf32, #tpu.memory_space<hbm>>) dst(%dma_wait3A_37 : memref<640x8xf32, #tpu.memory_space<vmem_shared>>)
      tpu.yield
    }) : () -> ()
    "tpu.region"() ({
      %run_scoped3A = tpu.sem_alloc : memref<!tpu.dma_semaphore, #tpu.memory_space<semaphore_mem>>
      tpu.enqueue_dma source(%arg8 : memref<128x8xf32, #tpu.memory_space<hbm>>) target(%arg18 : memref<128x8xf32, #tpu.memory_space<vmem>>) target_semaphore(%run_scoped3A : memref<!tpu.dma_semaphore, #tpu.memory_space<semaphore_mem>>)
      tpu.wait_dma2 semaphore(%run_scoped3A : memref<!tpu.dma_semaphore, #tpu.memory_space<semaphore_mem>>) src(%arg8 : memref<128x8xf32, #tpu.memory_space<hbm>>) dst(%arg18 : memref<128x8xf32, #tpu.memory_space<vmem>>)
      tpu.yield
    }) : () -> ()
    %mul3A_3 = arith.constant 16 : i32
    %mul3A_4 = arith.muli %arg0, %mul3A_3 : i32
    %add3A_5 = arith.addi %mul3A_4, %arg1 : i32
    "tpu.region"() ({
      %run_scoped3A = tpu.sem_alloc : memref<!tpu.dma_semaphore, #tpu.memory_space<semaphore_mem>>
      %dma_start3A_33 = arith.constant 0 : i32
      %dma_start3A_34 = arith.constant 0 : i32
      %dma_start3A_35 = tpu.memref_slice %arg4[%add3A_5, %dma_start3A_33, %dma_start3A_34] : memref<32x160x128xi32, #tpu.memory_space<hbm>> -> memref<1x160x128xi32, #tpu.memory_space<hbm>>
      %dma_start3A_36 = tpu.memref_squeeze %dma_start3A_35 : memref<1x160x128xi32, #tpu.memory_space<hbm>> -> memref<160x128xi32, #tpu.memory_space<hbm>>
      %dma_start3A_37 = arith.constant 0 : i32
      %dma_start3A_38 = arith.constant 0 : i32
      %dma_start3A_39 = tpu.memref_slice %arg4[%add3A_5, %dma_start3A_37, %dma_start3A_38] : memref<32x160x128xi32, #tpu.memory_space<hbm>> -> memref<1x160x128xi32, #tpu.memory_space<hbm>>
      %dma_start3A_40 = tpu.memref_squeeze %dma_start3A_39 : memref<1x160x128xi32, #tpu.memory_space<hbm>> -> memref<160x128xi32, #tpu.memory_space<hbm>>
      tpu.enqueue_dma source(%dma_start3A_40 : memref<160x128xi32, #tpu.memory_space<hbm>>) target(%arg12 : memref<160x128xi32, #tpu.memory_space<vmem>>) target_semaphore(%run_scoped3A : memref<!tpu.dma_semaphore, #tpu.memory_space<semaphore_mem>>)
      %dma_wait3A = arith.constant 0 : i32
      %dma_wait3A_41 = arith.constant 0 : i32
      %dma_wait3A_42 = tpu.memref_slice %arg4[%add3A_5, %dma_wait3A, %dma_wait3A_41] : memref<32x160x128xi32, #tpu.memory_space<hbm>> -> memref<1x160x128xi32, #tpu.memory_space<hbm>>
      %dma_wait3A_43 = tpu.memref_squeeze %dma_wait3A_42 : memref<1x160x128xi32, #tpu.memory_space<hbm>> -> memref<160x128xi32, #tpu.memory_space<hbm>>
      %dma_wait3A_44 = arith.constant 0 : i32
      %dma_wait3A_45 = arith.constant 0 : i32
      %dma_wait3A_46 = tpu.memref_slice %arg4[%add3A_5, %dma_wait3A_44, %dma_wait3A_45] : memref<32x160x128xi32, #tpu.memory_space<hbm>> -> memref<1x160x128xi32, #tpu.memory_space<hbm>>
      %dma_wait3A_47 = tpu.memref_squeeze %dma_wait3A_46 : memref<1x160x128xi32, #tpu.memory_space<hbm>> -> memref<160x128xi32, #tpu.memory_space<hbm>>
      tpu.wait_dma2 semaphore(%run_scoped3A : memref<!tpu.dma_semaphore, #tpu.memory_space<semaphore_mem>>) src(%dma_wait3A_47 : memref<160x128xi32, #tpu.memory_space<hbm>>) dst(%arg12 : memref<160x128xi32, #tpu.memory_space<vmem>>)
      tpu.yield
    }) : () -> ()
    "tpu.region"() ({
      %run_scoped3A = tpu.sem_alloc : memref<!tpu.dma_semaphore, #tpu.memory_space<semaphore_mem>>
      %dma_start3A_33 = arith.constant 0 : i32
      %dma_start3A_34 = arith.constant 0 : i32
      %dma_start3A_35 = tpu.memref_slice %arg5[%arg1, %dma_start3A_33, %dma_start3A_34] : memref<16x160x128xi32, #tpu.memory_space<hbm>> -> memref<1x160x128xi32, #tpu.memory_space<hbm>>
      %dma_start3A_36 = tpu.memref_squeeze %dma_start3A_35 : memref<1x160x128xi32, #tpu.memory_space<hbm>> -> memref<160x128xi32, #tpu.memory_space<hbm>>
      %dma_start3A_37 = arith.constant 0 : i32
      %dma_start3A_38 = arith.constant 0 : i32
      %dma_start3A_39 = tpu.memref_slice %arg5[%arg1, %dma_start3A_37, %dma_start3A_38] : memref<16x160x128xi32, #tpu.memory_space<hbm>> -> memref<1x160x128xi32, #tpu.memory_space<hbm>>
      %dma_start3A_40 = tpu.memref_squeeze %dma_start3A_39 : memref<1x160x128xi32, #tpu.memory_space<hbm>> -> memref<160x128xi32, #tpu.memory_space<hbm>>
      tpu.enqueue_dma source(%dma_start3A_40 : memref<160x128xi32, #tpu.memory_space<hbm>>) target(%arg13 : memref<160x128xi32, #tpu.memory_space<vmem>>) target_semaphore(%run_scoped3A : memref<!tpu.dma_semaphore, #tpu.memory_space<semaphore_mem>>)
      %dma_wait3A = arith.constant 0 : i32
      %dma_wait3A_41 = arith.constant 0 : i32
      %dma_wait3A_42 = tpu.memref_slice %arg5[%arg1, %dma_wait3A, %dma_wait3A_41] : memref<16x160x128xi32, #tpu.memory_space<hbm>> -> memref<1x160x128xi32, #tpu.memory_space<hbm>>
      %dma_wait3A_43 = tpu.memref_squeeze %dma_wait3A_42 : memref<1x160x128xi32, #tpu.memory_space<hbm>> -> memref<160x128xi32, #tpu.memory_space<hbm>>
      %dma_wait3A_44 = arith.constant 0 : i32
      %dma_wait3A_45 = arith.constant 0 : i32
      %dma_wait3A_46 = tpu.memref_slice %arg5[%arg1, %dma_wait3A_44, %dma_wait3A_45] : memref<16x160x128xi32, #tpu.memory_space<hbm>> -> memref<1x160x128xi32, #tpu.memory_space<hbm>>
      %dma_wait3A_47 = tpu.memref_squeeze %dma_wait3A_46 : memref<1x160x128xi32, #tpu.memory_space<hbm>> -> memref<160x128xi32, #tpu.memory_space<hbm>>
      tpu.wait_dma2 semaphore(%run_scoped3A : memref<!tpu.dma_semaphore, #tpu.memory_space<semaphore_mem>>) src(%dma_wait3A_47 : memref<160x128xi32, #tpu.memory_space<hbm>>) dst(%arg13 : memref<160x128xi32, #tpu.memory_space<vmem>>)
      tpu.yield
    }) : () -> ()
    %barrier3A = arith.constant 0 : index
    tpu.barrier barrier_id(%barrier3A)
    %dma_start3A = arith.constant 0 : i32
    %dma_start3A_6 = arith.constant 0 : i32
    %dma_start3A_7 = tpu.memref_slice %arg12[%dma_start3A, %dma_start3A_6] : memref<160x128xi32, #tpu.memory_space<vmem>> -> memref<1x128xi32, #tpu.memory_space<vmem>>
    %dma_start3A_8 = tpu.memref_squeeze %dma_start3A_7 : memref<1x128xi32, #tpu.memory_space<vmem>> -> memref<128xi32, #tpu.memory_space<vmem>>
    %dma_start3A_9 = arith.constant 0 : i32
    %dma_start3A_10 = arith.constant 0 : i32
    %dma_start3A_11 = tpu.memref_slice %arg2[%dma_start3A_9, %dma_start3A_10] : memref<20480x64xf32, #tpu.memory_space<hbm>> -> memref<20480x64xf32, #tpu.memory_space<hbm>>
    tpu.enqueue_indirect_dma source(%dma_start3A_11 : memref<20480x64xf32, #tpu.memory_space<hbm>>) target(%arg14 : memref<128x64xf32, #tpu.memory_space<vmem>>) offsets(%dma_start3A_8 : memref<128xi32, #tpu.memory_space<vmem>>) semaphore(%arg21 : memref<!tpu.dma_semaphore, #tpu.memory_space<semaphore_mem>>)
    %eq3A = arith.constant 0 : i32
    %eq3A_12 = arith.cmpi eq, %arg0, %eq3A : i32
    %convert_element_type3A = arith.extui %eq3A_12 : i1 to i32
    %cond3A = arith.constant 0 : i32
    %cond3A_13 = arith.cmpi ne, %convert_element_type3A, %cond3A : i32
    scf.if %cond3A_13 {
      %dma_start3A_33 = arith.constant 0 : i32
      %dma_start3A_34 = arith.constant 0 : i32
      %dma_start3A_35 = tpu.memref_slice %arg12[%dma_start3A_33, %dma_start3A_34] : memref<160x128xi32, #tpu.memory_space<vmem>> -> memref<1x128xi32, #tpu.memory_space<vmem>>
      %dma_start3A_36 = tpu.memref_squeeze %dma_start3A_35 : memref<1x128xi32, #tpu.memory_space<vmem>> -> memref<128xi32, #tpu.memory_space<vmem>>
      %dma_start3A_37 = arith.constant 0 : i32
      %dma_start3A_38 = arith.constant 0 : i32
      %dma_start3A_39 = tpu.memref_slice %arg3[%dma_start3A_37, %dma_start3A_38] : memref<10240x8xf32, #tpu.memory_space<hbm>> -> memref<10240x8xf32, #tpu.memory_space<hbm>>
      tpu.enqueue_indirect_dma source(%dma_start3A_39 : memref<10240x8xf32, #tpu.memory_space<hbm>>) target(%arg16 : memref<128x8xf32, #tpu.memory_space<vmem>>) offsets(%dma_start3A_36 : memref<128xi32, #tpu.memory_space<vmem>>) semaphore(%arg23 : memref<!tpu.dma_semaphore, #tpu.memory_space<semaphore_mem>>)
      %dma_start3A_40 = arith.constant 1 : i32
      %dma_start3A_41 = arith.constant 0 : i32
      %dma_start3A_42 = tpu.memref_slice %arg12[%dma_start3A_40, %dma_start3A_41] : memref<160x128xi32, #tpu.memory_space<vmem>> -> memref<1x128xi32, #tpu.memory_space<vmem>>
      %dma_start3A_43 = tpu.memref_squeeze %dma_start3A_42 : memref<1x128xi32, #tpu.memory_space<vmem>> -> memref<128xi32, #tpu.memory_space<vmem>>
      %dma_start3A_44 = arith.constant 0 : i32
      %dma_start3A_45 = arith.constant 0 : i32
      %dma_start3A_46 = tpu.memref_slice %arg3[%dma_start3A_44, %dma_start3A_45] : memref<10240x8xf32, #tpu.memory_space<hbm>> -> memref<10240x8xf32, #tpu.memory_space<hbm>>
      tpu.enqueue_indirect_dma source(%dma_start3A_46 : memref<10240x8xf32, #tpu.memory_space<hbm>>) target(%arg17 : memref<128x8xf32, #tpu.memory_space<vmem>>) offsets(%dma_start3A_43 : memref<128xi32, #tpu.memory_space<vmem>>) semaphore(%arg24 : memref<!tpu.dma_semaphore, #tpu.memory_space<semaphore_mem>>)
    } else {
    }
    %scan3A = arith.constant 0 : i32
    %scan3A_14 = arith.constant 0 : i32
    %scan3A_15 = arith.constant 80 : i32
    %scan3A_16 = arith.addi %scan3A_14, %scan3A_15 : i32
    %scan3A_17 = arith.constant 1 : i32
    scf.for %scan3A_33 = %scan3A_14 to %scan3A_16 step %scan3A_17  : i32 {
      %mul3A_34 = arith.constant 2 : i32
      %mul3A_35 = arith.muli %mul3A_34, %scan3A_33 : i32
      %add3A_36 = arith.constant 1 : i32
      %add3A_37 = arith.addi %mul3A_35, %add3A_36 : i32
      %dma_start3A_38 = arith.constant 0 : i32
      %dma_start3A_39 = tpu.memref_slice %arg12[%add3A_37, %dma_start3A_38] : memref<160x128xi32, #tpu.memory_space<vmem>> -> memref<1x128xi32, #tpu.memory_space<vmem>>
      %dma_start3A_40 = tpu.memref_squeeze %dma_start3A_39 : memref<1x128xi32, #tpu.memory_space<vmem>> -> memref<128xi32, #tpu.memory_space<vmem>>
      %dma_start3A_41 = arith.constant 0 : i32
      %dma_start3A_42 = arith.constant 0 : i32
      %dma_start3A_43 = tpu.memref_slice %arg2[%dma_start3A_41, %dma_start3A_42] : memref<20480x64xf32, #tpu.memory_space<hbm>> -> memref<20480x64xf32, #tpu.memory_space<hbm>>
      tpu.enqueue_indirect_dma source(%dma_start3A_43 : memref<20480x64xf32, #tpu.memory_space<hbm>>) target(%arg15 : memref<128x64xf32, #tpu.memory_space<vmem>>) offsets(%dma_start3A_40 : memref<128xi32, #tpu.memory_space<vmem>>) semaphore(%arg22 : memref<!tpu.dma_semaphore, #tpu.memory_space<semaphore_mem>>)
      %dma_wait3A = arith.constant 0 : i32
      %dma_wait3A_44 = tpu.memref_slice %arg12[%mul3A_35, %dma_wait3A] : memref<160x128xi32, #tpu.memory_space<vmem>> -> memref<1x128xi32, #tpu.memory_space<vmem>>
      %dma_wait3A_45 = tpu.memref_squeeze %dma_wait3A_44 : memref<1x128xi32, #tpu.memory_space<vmem>> -> memref<128xi32, #tpu.memory_space<vmem>>
      %dma_wait3A_46 = arith.constant 0 : i32
      %dma_wait3A_47 = arith.constant 0 : i32
      %dma_wait3A_48 = tpu.memref_slice %arg2[%dma_wait3A_46, %dma_wait3A_47] : memref<20480x64xf32, #tpu.memory_space<hbm>> -> memref<20480x64xf32, #tpu.memory_space<hbm>>
      tpu.wait_indirect_dma semaphore(%arg21 : memref<!tpu.dma_semaphore, #tpu.memory_space<semaphore_mem>>) src(%dma_wait3A_48 : memref<20480x64xf32, #tpu.memory_space<hbm>>) dst(%arg14 : memref<128x64xf32, #tpu.memory_space<vmem>>)
      "tpu.region"() ({
        %run_scoped3A = tpu.sem_alloc : memref<!tpu.dma_semaphore, #tpu.memory_space<semaphore_mem>>
        %dma_start3A_87 = arith.constant 0 : i32
        %dma_start3A_88 = tpu.memref_slice %arg13[%mul3A_35, %dma_start3A_87] : memref<160x128xi32, #tpu.memory_space<vmem>> -> memref<1x128xi32, #tpu.memory_space<vmem>>
        %dma_start3A_89 = tpu.memref_squeeze %dma_start3A_88 : memref<1x128xi32, #tpu.memory_space<vmem>> -> memref<128xi32, #tpu.memory_space<vmem>>
        %dma_start3A_90 = arith.constant 0 : i32
        %dma_start3A_91 = arith.constant 0 : i32
        %dma_start3A_92 = tpu.memref_slice %arg19[%dma_start3A_90, %dma_start3A_91] : memref<10240x64xf32, #tpu.memory_space<vmem_shared>> -> memref<10240x64xf32, #tpu.memory_space<vmem_shared>>
        tpu.enqueue_indirect_dma source(%arg14 : memref<128x64xf32, #tpu.memory_space<vmem>>) target(%dma_start3A_92 : memref<10240x64xf32, #tpu.memory_space<vmem_shared>>) offsets(%dma_start3A_89 : memref<128xi32, #tpu.memory_space<vmem>>) semaphore(%run_scoped3A : memref<!tpu.dma_semaphore, #tpu.memory_space<semaphore_mem>>) {add = true}
        %dma_wait3A_93 = arith.constant 0 : i32
        %dma_wait3A_94 = tpu.memref_slice %arg13[%mul3A_35, %dma_wait3A_93] : memref<160x128xi32, #tpu.memory_space<vmem>> -> memref<1x128xi32, #tpu.memory_space<vmem>>
        %dma_wait3A_95 = tpu.memref_squeeze %dma_wait3A_94 : memref<1x128xi32, #tpu.memory_space<vmem>> -> memref<128xi32, #tpu.memory_space<vmem>>
        %dma_wait3A_96 = arith.constant 0 : i32
        %dma_wait3A_97 = arith.constant 0 : i32
        %dma_wait3A_98 = tpu.memref_slice %arg19[%dma_wait3A_96, %dma_wait3A_97] : memref<10240x64xf32, #tpu.memory_space<vmem_shared>> -> memref<10240x64xf32, #tpu.memory_space<vmem_shared>>
        tpu.wait_indirect_dma semaphore(%run_scoped3A : memref<!tpu.dma_semaphore, #tpu.memory_space<semaphore_mem>>) src(%arg14 : memref<128x64xf32, #tpu.memory_space<vmem>>) dst(%dma_wait3A_98 : memref<10240x64xf32, #tpu.memory_space<vmem_shared>>)
        tpu.yield
      }) : () -> ()
      %eq3A_49 = arith.constant 0 : i32
      %eq3A_50 = arith.cmpi eq, %arg0, %eq3A_49 : i32
      %convert_element_type3A_51 = arith.extui %eq3A_50 : i1 to i32
      %cond3A_52 = arith.constant 0 : i32
      %cond3A_53 = arith.cmpi ne, %convert_element_type3A_51, %cond3A_52 : i32
      scf.if %cond3A_53 {
        %dma_wait3A_87 = arith.constant 0 : i32
        %dma_wait3A_88 = tpu.memref_slice %arg12[%mul3A_35, %dma_wait3A_87] : memref<160x128xi32, #tpu.memory_space<vmem>> -> memref<1x128xi32, #tpu.memory_space<vmem>>
        %dma_wait3A_89 = tpu.memref_squeeze %dma_wait3A_88 : memref<1x128xi32, #tpu.memory_space<vmem>> -> memref<128xi32, #tpu.memory_space<vmem>>
        %dma_wait3A_90 = arith.constant 0 : i32
        %dma_wait3A_91 = arith.constant 0 : i32
        %dma_wait3A_92 = tpu.memref_slice %arg3[%dma_wait3A_90, %dma_wait3A_91] : memref<10240x8xf32, #tpu.memory_space<hbm>> -> memref<10240x8xf32, #tpu.memory_space<hbm>>
        tpu.wait_indirect_dma semaphore(%arg23 : memref<!tpu.dma_semaphore, #tpu.memory_space<semaphore_mem>>) src(%dma_wait3A_92 : memref<10240x8xf32, #tpu.memory_space<hbm>>) dst(%arg16 : memref<128x8xf32, #tpu.memory_space<vmem>>)
        "tpu.region"() ({
          %run_scoped3A = tpu.sem_alloc : memref<!tpu.dma_semaphore, #tpu.memory_space<semaphore_mem>>
          %dma_start3A_100 = arith.constant 0 : i32
          %dma_start3A_101 = tpu.memref_slice %arg13[%mul3A_35, %dma_start3A_100] : memref<160x128xi32, #tpu.memory_space<vmem>> -> memref<1x128xi32, #tpu.memory_space<vmem>>
          %dma_start3A_102 = tpu.memref_squeeze %dma_start3A_101 : memref<1x128xi32, #tpu.memory_space<vmem>> -> memref<128xi32, #tpu.memory_space<vmem>>
          %dma_start3A_103 = arith.constant 0 : i32
          %dma_start3A_104 = arith.constant 0 : i32
          %dma_start3A_105 = tpu.memref_slice %arg20[%dma_start3A_103, %dma_start3A_104] : memref<20480x8xf32, #tpu.memory_space<vmem_shared>> -> memref<20480x8xf32, #tpu.memory_space<vmem_shared>>
          tpu.enqueue_indirect_dma source(%arg16 : memref<128x8xf32, #tpu.memory_space<vmem>>) target(%dma_start3A_105 : memref<20480x8xf32, #tpu.memory_space<vmem_shared>>) offsets(%dma_start3A_102 : memref<128xi32, #tpu.memory_space<vmem>>) semaphore(%run_scoped3A : memref<!tpu.dma_semaphore, #tpu.memory_space<semaphore_mem>>) {add = true}
          %dma_wait3A_106 = arith.constant 0 : i32
          %dma_wait3A_107 = tpu.memref_slice %arg13[%mul3A_35, %dma_wait3A_106] : memref<160x128xi32, #tpu.memory_space<vmem>> -> memref<1x128xi32, #tpu.memory_space<vmem>>
          %dma_wait3A_108 = tpu.memref_squeeze %dma_wait3A_107 : memref<1x128xi32, #tpu.memory_space<vmem>> -> memref<128xi32, #tpu.memory_space<vmem>>
          %dma_wait3A_109 = arith.constant 0 : i32
          %dma_wait3A_110 = arith.constant 0 : i32
          %dma_wait3A_111 = tpu.memref_slice %arg20[%dma_wait3A_109, %dma_wait3A_110] : memref<20480x8xf32, #tpu.memory_space<vmem_shared>> -> memref<20480x8xf32, #tpu.memory_space<vmem_shared>>
          tpu.wait_indirect_dma semaphore(%run_scoped3A : memref<!tpu.dma_semaphore, #tpu.memory_space<semaphore_mem>>) src(%arg16 : memref<128x8xf32, #tpu.memory_space<vmem>>) dst(%dma_wait3A_111 : memref<20480x8xf32, #tpu.memory_space<vmem_shared>>)
          tpu.yield
        }) : () -> ()
        %add3A_93 = arith.constant 2 : i32
        %add3A_94 = arith.addi %mul3A_35, %add3A_93 : i32
        %lt3A_95 = arith.constant 160 : i32
        %lt3A_96 = arith.cmpi slt, %add3A_94, %lt3A_95 : i32
        %convert_element_type3A_97 = arith.extui %lt3A_96 : i1 to i32
        %cond3A_98 = arith.constant 0 : i32
        %cond3A_99 = arith.cmpi ne, %convert_element_type3A_97, %cond3A_98 : i32
        scf.if %cond3A_99 {
          %add3A_100 = arith.constant 2 : i32
          %add3A_101 = arith.addi %mul3A_35, %add3A_100 : i32
          %dma_start3A_102 = arith.constant 0 : i32
          %dma_start3A_103 = tpu.memref_slice %arg12[%add3A_101, %dma_start3A_102] : memref<160x128xi32, #tpu.memory_space<vmem>> -> memref<1x128xi32, #tpu.memory_space<vmem>>
          %dma_start3A_104 = tpu.memref_squeeze %dma_start3A_103 : memref<1x128xi32, #tpu.memory_space<vmem>> -> memref<128xi32, #tpu.memory_space<vmem>>
          %dma_start3A_105 = arith.constant 0 : i32
          %dma_start3A_106 = arith.constant 0 : i32
          %dma_start3A_107 = tpu.memref_slice %arg3[%dma_start3A_105, %dma_start3A_106] : memref<10240x8xf32, #tpu.memory_space<hbm>> -> memref<10240x8xf32, #tpu.memory_space<hbm>>
          tpu.enqueue_indirect_dma source(%dma_start3A_107 : memref<10240x8xf32, #tpu.memory_space<hbm>>) target(%arg16 : memref<128x8xf32, #tpu.memory_space<vmem>>) offsets(%dma_start3A_104 : memref<128xi32, #tpu.memory_space<vmem>>) semaphore(%arg23 : memref<!tpu.dma_semaphore, #tpu.memory_space<semaphore_mem>>)
        } else {
        }
      } else {
      }
      %eq3A_54 = arith.constant 1 : i32
      %eq3A_55 = arith.cmpi eq, %arg0, %eq3A_54 : i32
      %convert_element_type3A_56 = arith.extui %eq3A_55 : i1 to i32
      %cond3A_57 = arith.constant 0 : i32
      %cond3A_58 = arith.cmpi ne, %convert_element_type3A_56, %cond3A_57 : i32
      scf.if %cond3A_58 {
        "tpu.region"() ({
          %run_scoped3A = tpu.sem_alloc : memref<!tpu.dma_semaphore, #tpu.memory_space<semaphore_mem>>
          %dma_start3A_87 = arith.constant 0 : i32
          %dma_start3A_88 = tpu.memref_slice %arg12[%mul3A_35, %dma_start3A_87] : memref<160x128xi32, #tpu.memory_space<vmem>> -> memref<1x128xi32, #tpu.memory_space<vmem>>
          %dma_start3A_89 = tpu.memref_squeeze %dma_start3A_88 : memref<1x128xi32, #tpu.memory_space<vmem>> -> memref<128xi32, #tpu.memory_space<vmem>>
          %dma_start3A_90 = arith.constant 0 : i32
          %dma_start3A_91 = arith.constant 0 : i32
          %dma_start3A_92 = tpu.memref_slice %arg20[%dma_start3A_90, %dma_start3A_91] : memref<20480x8xf32, #tpu.memory_space<vmem_shared>> -> memref<20480x8xf32, #tpu.memory_space<vmem_shared>>
          tpu.enqueue_indirect_dma source(%arg18 : memref<128x8xf32, #tpu.memory_space<vmem>>) target(%dma_start3A_92 : memref<20480x8xf32, #tpu.memory_space<vmem_shared>>) offsets(%dma_start3A_89 : memref<128xi32, #tpu.memory_space<vmem>>) semaphore(%run_scoped3A : memref<!tpu.dma_semaphore, #tpu.memory_space<semaphore_mem>>) {add = true}
          %dma_wait3A_93 = arith.constant 0 : i32
          %dma_wait3A_94 = tpu.memref_slice %arg12[%mul3A_35, %dma_wait3A_93] : memref<160x128xi32, #tpu.memory_space<vmem>> -> memref<1x128xi32, #tpu.memory_space<vmem>>
          %dma_wait3A_95 = tpu.memref_squeeze %dma_wait3A_94 : memref<1x128xi32, #tpu.memory_space<vmem>> -> memref<128xi32, #tpu.memory_space<vmem>>
          %dma_wait3A_96 = arith.constant 0 : i32
          %dma_wait3A_97 = arith.constant 0 : i32
          %dma_wait3A_98 = tpu.memref_slice %arg20[%dma_wait3A_96, %dma_wait3A_97] : memref<20480x8xf32, #tpu.memory_space<vmem_shared>> -> memref<20480x8xf32, #tpu.memory_space<vmem_shared>>
          tpu.wait_indirect_dma semaphore(%run_scoped3A : memref<!tpu.dma_semaphore, #tpu.memory_space<semaphore_mem>>) src(%arg18 : memref<128x8xf32, #tpu.memory_space<vmem>>) dst(%dma_wait3A_98 : memref<20480x8xf32, #tpu.memory_space<vmem_shared>>)
          tpu.yield
        }) : () -> ()
      } else {
      }
      %add3A_59 = arith.constant 2 : i32
      %add3A_60 = arith.addi %mul3A_35, %add3A_59 : i32
      %lt3A = arith.constant 160 : i32
      %lt3A_61 = arith.cmpi slt, %add3A_60, %lt3A : i32
      %convert_element_type3A_62 = arith.extui %lt3A_61 : i1 to i32
      %cond3A_63 = arith.constant 0 : i32
      %cond3A_64 = arith.cmpi ne, %convert_element_type3A_62, %cond3A_63 : i32
      scf.if %cond3A_64 {
        %add3A_87 = arith.constant 2 : i32
        %add3A_88 = arith.addi %mul3A_35, %add3A_87 : i32
        %dma_start3A_89 = arith.constant 0 : i32
        %dma_start3A_90 = tpu.memref_slice %arg12[%add3A_88, %dma_start3A_89] : memref<160x128xi32, #tpu.memory_space<vmem>> -> memref<1x128xi32, #tpu.memory_space<vmem>>
        %dma_start3A_91 = tpu.memref_squeeze %dma_start3A_90 : memref<1x128xi32, #tpu.memory_space<vmem>> -> memref<128xi32, #tpu.memory_space<vmem>>
        %dma_start3A_92 = arith.constant 0 : i32
        %dma_start3A_93 = arith.constant 0 : i32
        %dma_start3A_94 = tpu.memref_slice %arg2[%dma_start3A_92, %dma_start3A_93] : memref<20480x64xf32, #tpu.memory_space<hbm>> -> memref<20480x64xf32, #tpu.memory_space<hbm>>
        tpu.enqueue_indirect_dma source(%dma_start3A_94 : memref<20480x64xf32, #tpu.memory_space<hbm>>) target(%arg14 : memref<128x64xf32, #tpu.memory_space<vmem>>) offsets(%dma_start3A_91 : memref<128xi32, #tpu.memory_space<vmem>>) semaphore(%arg21 : memref<!tpu.dma_semaphore, #tpu.memory_space<semaphore_mem>>)
      } else {
      }
      %add3A_65 = arith.constant 1 : i32
      %add3A_66 = arith.addi %mul3A_35, %add3A_65 : i32
      %dma_wait3A_67 = arith.constant 0 : i32
      %dma_wait3A_68 = tpu.memref_slice %arg12[%add3A_66, %dma_wait3A_67] : memref<160x128xi32, #tpu.memory_space<vmem>> -> memref<1x128xi32, #tpu.memory_space<vmem>>
      %dma_wait3A_69 = tpu.memref_squeeze %dma_wait3A_68 : memref<1x128xi32, #tpu.memory_space<vmem>> -> memref<128xi32, #tpu.memory_space<vmem>>
      %dma_wait3A_70 = arith.constant 0 : i32
      %dma_wait3A_71 = arith.constant 0 : i32
      %dma_wait3A_72 = tpu.memref_slice %arg2[%dma_wait3A_70, %dma_wait3A_71] : memref<20480x64xf32, #tpu.memory_space<hbm>> -> memref<20480x64xf32, #tpu.memory_space<hbm>>
      tpu.wait_indirect_dma semaphore(%arg22 : memref<!tpu.dma_semaphore, #tpu.memory_space<semaphore_mem>>) src(%dma_wait3A_72 : memref<20480x64xf32, #tpu.memory_space<hbm>>) dst(%arg15 : memref<128x64xf32, #tpu.memory_space<vmem>>)
      %add3A_73 = arith.constant 1 : i32
      %add3A_74 = arith.addi %mul3A_35, %add3A_73 : i32
      "tpu.region"() ({
        %run_scoped3A = tpu.sem_alloc : memref<!tpu.dma_semaphore, #tpu.memory_space<semaphore_mem>>
        %dma_start3A_87 = arith.constant 0 : i32
        %dma_start3A_88 = tpu.memref_slice %arg13[%add3A_74, %dma_start3A_87] : memref<160x128xi32, #tpu.memory_space<vmem>> -> memref<1x128xi32, #tpu.memory_space<vmem>>
        %dma_start3A_89 = tpu.memref_squeeze %dma_start3A_88 : memref<1x128xi32, #tpu.memory_space<vmem>> -> memref<128xi32, #tpu.memory_space<vmem>>
        %dma_start3A_90 = arith.constant 0 : i32
        %dma_start3A_91 = arith.constant 0 : i32
        %dma_start3A_92 = tpu.memref_slice %arg19[%dma_start3A_90, %dma_start3A_91] : memref<10240x64xf32, #tpu.memory_space<vmem_shared>> -> memref<10240x64xf32, #tpu.memory_space<vmem_shared>>
        tpu.enqueue_indirect_dma source(%arg15 : memref<128x64xf32, #tpu.memory_space<vmem>>) target(%dma_start3A_92 : memref<10240x64xf32, #tpu.memory_space<vmem_shared>>) offsets(%dma_start3A_89 : memref<128xi32, #tpu.memory_space<vmem>>) semaphore(%run_scoped3A : memref<!tpu.dma_semaphore, #tpu.memory_space<semaphore_mem>>) {add = true}
        %dma_wait3A_93 = arith.constant 0 : i32
        %dma_wait3A_94 = tpu.memref_slice %arg13[%add3A_74, %dma_wait3A_93] : memref<160x128xi32, #tpu.memory_space<vmem>> -> memref<1x128xi32, #tpu.memory_space<vmem>>
        %dma_wait3A_95 = tpu.memref_squeeze %dma_wait3A_94 : memref<1x128xi32, #tpu.memory_space<vmem>> -> memref<128xi32, #tpu.memory_space<vmem>>
        %dma_wait3A_96 = arith.constant 0 : i32
        %dma_wait3A_97 = arith.constant 0 : i32
        %dma_wait3A_98 = tpu.memref_slice %arg19[%dma_wait3A_96, %dma_wait3A_97] : memref<10240x64xf32, #tpu.memory_space<vmem_shared>> -> memref<10240x64xf32, #tpu.memory_space<vmem_shared>>
        tpu.wait_indirect_dma semaphore(%run_scoped3A : memref<!tpu.dma_semaphore, #tpu.memory_space<semaphore_mem>>) src(%arg15 : memref<128x64xf32, #tpu.memory_space<vmem>>) dst(%dma_wait3A_98 : memref<10240x64xf32, #tpu.memory_space<vmem_shared>>)
        tpu.yield
      }) : () -> ()
      %add3A_75 = arith.constant 1 : i32
      %add3A_76 = arith.addi %mul3A_35, %add3A_75 : i32
      %eq3A_77 = arith.constant 0 : i32
      %eq3A_78 = arith.cmpi eq, %arg0, %eq3A_77 : i32
      %convert_element_type3A_79 = arith.extui %eq3A_78 : i1 to i32
      %cond3A_80 = arith.constant 0 : i32
      %cond3A_81 = arith.cmpi ne, %convert_element_type3A_79, %cond3A_80 : i32
      scf.if %cond3A_81 {
        %dma_wait3A_87 = arith.constant 0 : i32
        %dma_wait3A_88 = tpu.memref_slice %arg12[%add3A_76, %dma_wait3A_87] : memref<160x128xi32, #tpu.memory_space<vmem>> -> memref<1x128xi32, #tpu.memory_space<vmem>>
        %dma_wait3A_89 = tpu.memref_squeeze %dma_wait3A_88 : memref<1x128xi32, #tpu.memory_space<vmem>> -> memref<128xi32, #tpu.memory_space<vmem>>
        %dma_wait3A_90 = arith.constant 0 : i32
        %dma_wait3A_91 = arith.constant 0 : i32
        %dma_wait3A_92 = tpu.memref_slice %arg3[%dma_wait3A_90, %dma_wait3A_91] : memref<10240x8xf32, #tpu.memory_space<hbm>> -> memref<10240x8xf32, #tpu.memory_space<hbm>>
        tpu.wait_indirect_dma semaphore(%arg24 : memref<!tpu.dma_semaphore, #tpu.memory_space<semaphore_mem>>) src(%dma_wait3A_92 : memref<10240x8xf32, #tpu.memory_space<hbm>>) dst(%arg17 : memref<128x8xf32, #tpu.memory_space<vmem>>)
        "tpu.region"() ({
          %run_scoped3A = tpu.sem_alloc : memref<!tpu.dma_semaphore, #tpu.memory_space<semaphore_mem>>
          %dma_start3A_100 = arith.constant 0 : i32
          %dma_start3A_101 = tpu.memref_slice %arg13[%add3A_76, %dma_start3A_100] : memref<160x128xi32, #tpu.memory_space<vmem>> -> memref<1x128xi32, #tpu.memory_space<vmem>>
          %dma_start3A_102 = tpu.memref_squeeze %dma_start3A_101 : memref<1x128xi32, #tpu.memory_space<vmem>> -> memref<128xi32, #tpu.memory_space<vmem>>
          %dma_start3A_103 = arith.constant 0 : i32
          %dma_start3A_104 = arith.constant 0 : i32
          %dma_start3A_105 = tpu.memref_slice %arg20[%dma_start3A_103, %dma_start3A_104] : memref<20480x8xf32, #tpu.memory_space<vmem_shared>> -> memref<20480x8xf32, #tpu.memory_space<vmem_shared>>
          tpu.enqueue_indirect_dma source(%arg17 : memref<128x8xf32, #tpu.memory_space<vmem>>) target(%dma_start3A_105 : memref<20480x8xf32, #tpu.memory_space<vmem_shared>>) offsets(%dma_start3A_102 : memref<128xi32, #tpu.memory_space<vmem>>) semaphore(%run_scoped3A : memref<!tpu.dma_semaphore, #tpu.memory_space<semaphore_mem>>) {add = true}
          %dma_wait3A_106 = arith.constant 0 : i32
          %dma_wait3A_107 = tpu.memref_slice %arg13[%add3A_76, %dma_wait3A_106] : memref<160x128xi32, #tpu.memory_space<vmem>> -> memref<1x128xi32, #tpu.memory_space<vmem>>
          %dma_wait3A_108 = tpu.memref_squeeze %dma_wait3A_107 : memref<1x128xi32, #tpu.memory_space<vmem>> -> memref<128xi32, #tpu.memory_space<vmem>>
          %dma_wait3A_109 = arith.constant 0 : i32
          %dma_wait3A_110 = arith.constant 0 : i32
          %dma_wait3A_111 = tpu.memref_slice %arg20[%dma_wait3A_109, %dma_wait3A_110] : memref<20480x8xf32, #tpu.memory_space<vmem_shared>> -> memref<20480x8xf32, #tpu.memory_space<vmem_shared>>
          tpu.wait_indirect_dma semaphore(%run_scoped3A : memref<!tpu.dma_semaphore, #tpu.memory_space<semaphore_mem>>) src(%arg17 : memref<128x8xf32, #tpu.memory_space<vmem>>) dst(%dma_wait3A_111 : memref<20480x8xf32, #tpu.memory_space<vmem_shared>>)
          tpu.yield
        }) : () -> ()
        %add3A_93 = arith.constant 2 : i32
        %add3A_94 = arith.addi %add3A_76, %add3A_93 : i32
        %lt3A_95 = arith.constant 160 : i32
        %lt3A_96 = arith.cmpi slt, %add3A_94, %lt3A_95 : i32
        %convert_element_type3A_97 = arith.extui %lt3A_96 : i1 to i32
        %cond3A_98 = arith.constant 0 : i32
        %cond3A_99 = arith.cmpi ne, %convert_element_type3A_97, %cond3A_98 : i32
        scf.if %cond3A_99 {
          %add3A_100 = arith.constant 2 : i32
          %add3A_101 = arith.addi %add3A_76, %add3A_100 : i32
          %dma_start3A_102 = arith.constant 0 : i32
          %dma_start3A_103 = tpu.memref_slice %arg12[%add3A_101, %dma_start3A_102] : memref<160x128xi32, #tpu.memory_space<vmem>> -> memref<1x128xi32, #tpu.memory_space<vmem>>
          %dma_start3A_104 = tpu.memref_squeeze %dma_start3A_103 : memref<1x128xi32, #tpu.memory_space<vmem>> -> memref<128xi32, #tpu.memory_space<vmem>>
          %dma_start3A_105 = arith.constant 0 : i32
          %dma_start3A_106 = arith.constant 0 : i32
          %dma_start3A_107 = tpu.memref_slice %arg3[%dma_start3A_105, %dma_start3A_106] : memref<10240x8xf32, #tpu.memory_space<hbm>> -> memref<10240x8xf32, #tpu.memory_space<hbm>>
          tpu.enqueue_indirect_dma source(%dma_start3A_107 : memref<10240x8xf32, #tpu.memory_space<hbm>>) target(%arg17 : memref<128x8xf32, #tpu.memory_space<vmem>>) offsets(%dma_start3A_104 : memref<128xi32, #tpu.memory_space<vmem>>) semaphore(%arg24 : memref<!tpu.dma_semaphore, #tpu.memory_space<semaphore_mem>>)
        } else {
        }
      } else {
      }
      %eq3A_82 = arith.constant 1 : i32
      %eq3A_83 = arith.cmpi eq, %arg0, %eq3A_82 : i32
      %convert_element_type3A_84 = arith.extui %eq3A_83 : i1 to i32
      %cond3A_85 = arith.constant 0 : i32
      %cond3A_86 = arith.cmpi ne, %convert_element_type3A_84, %cond3A_85 : i32
      scf.if %cond3A_86 {
        "tpu.region"() ({
          %run_scoped3A = tpu.sem_alloc : memref<!tpu.dma_semaphore, #tpu.memory_space<semaphore_mem>>
          %dma_start3A_87 = arith.constant 0 : i32
          %dma_start3A_88 = tpu.memref_slice %arg12[%add3A_76, %dma_start3A_87] : memref<160x128xi32, #tpu.memory_space<vmem>> -> memref<1x128xi32, #tpu.memory_space<vmem>>
          %dma_start3A_89 = tpu.memref_squeeze %dma_start3A_88 : memref<1x128xi32, #tpu.memory_space<vmem>> -> memref<128xi32, #tpu.memory_space<vmem>>
          %dma_start3A_90 = arith.constant 0 : i32
          %dma_start3A_91 = arith.constant 0 : i32
          %dma_start3A_92 = tpu.memref_slice %arg20[%dma_start3A_90, %dma_start3A_91] : memref<20480x8xf32, #tpu.memory_space<vmem_shared>> -> memref<20480x8xf32, #tpu.memory_space<vmem_shared>>
          tpu.enqueue_indirect_dma source(%arg18 : memref<128x8xf32, #tpu.memory_space<vmem>>) target(%dma_start3A_92 : memref<20480x8xf32, #tpu.memory_space<vmem_shared>>) offsets(%dma_start3A_89 : memref<128xi32, #tpu.memory_space<vmem>>) semaphore(%run_scoped3A : memref<!tpu.dma_semaphore, #tpu.memory_space<semaphore_mem>>) {add = true}
          %dma_wait3A_93 = arith.constant 0 : i32
          %dma_wait3A_94 = tpu.memref_slice %arg12[%add3A_76, %dma_wait3A_93] : memref<160x128xi32, #tpu.memory_space<vmem>> -> memref<1x128xi32, #tpu.memory_space<vmem>>
          %dma_wait3A_95 = tpu.memref_squeeze %dma_wait3A_94 : memref<1x128xi32, #tpu.memory_space<vmem>> -> memref<128xi32, #tpu.memory_space<vmem>>
          %dma_wait3A_96 = arith.constant 0 : i32
          %dma_wait3A_97 = arith.constant 0 : i32
          %dma_wait3A_98 = tpu.memref_slice %arg20[%dma_wait3A_96, %dma_wait3A_97] : memref<20480x8xf32, #tpu.memory_space<vmem_shared>> -> memref<20480x8xf32, #tpu.memory_space<vmem_shared>>
          tpu.wait_indirect_dma semaphore(%run_scoped3A : memref<!tpu.dma_semaphore, #tpu.memory_space<semaphore_mem>>) src(%arg18 : memref<128x8xf32, #tpu.memory_space<vmem>>) dst(%dma_wait3A_98 : memref<20480x8xf32, #tpu.memory_space<vmem_shared>>)
          tpu.yield
        }) : () -> ()
      } else {
      }
    }
    %scan3A_18 = arith.constant 80 : i32
    %barrier3A_19 = arith.constant 0 : index
    tpu.barrier barrier_id(%barrier3A_19)
    %mul3A_20 = arith.constant 10240 : i32
    %mul3A_21 = arith.muli %arg0, %mul3A_20 : i32
    %add3A_22 = arith.addi %mul3A_21, %mul3A_0 : i32
    "tpu.region"() ({
      %run_scoped3A = tpu.sem_alloc : memref<!tpu.dma_semaphore, #tpu.memory_space<semaphore_mem>>
      %dma_start3A_33 = arith.constant 0 : i32
      %dma_start3A_34 = tpu.memref_slice %arg9[%add3A_22, %dma_start3A_33] : memref<20480x64xf32, #tpu.memory_space<hbm>> -> memref<640x64xf32, #tpu.memory_space<hbm>>
      %dma_start3A_35 = arith.constant 0 : i32
      %dma_start3A_36 = tpu.memref_slice %arg19[%mul3A_0, %dma_start3A_35] : memref<10240x64xf32, #tpu.memory_space<vmem_shared>> -> memref<640x64xf32, #tpu.memory_space<vmem_shared>>
      tpu.enqueue_dma source(%dma_start3A_36 : memref<640x64xf32, #tpu.memory_space<vmem_shared>>) target(%dma_start3A_34 : memref<640x64xf32, #tpu.memory_space<hbm>>) target_semaphore(%run_scoped3A : memref<!tpu.dma_semaphore, #tpu.memory_space<semaphore_mem>>)
      %dma_wait3A = arith.constant 0 : i32
      %dma_wait3A_37 = tpu.memref_slice %arg9[%add3A_22, %dma_wait3A] : memref<20480x64xf32, #tpu.memory_space<hbm>> -> memref<640x64xf32, #tpu.memory_space<hbm>>
      %dma_wait3A_38 = arith.constant 0 : i32
      %dma_wait3A_39 = tpu.memref_slice %arg19[%mul3A_0, %dma_wait3A_38] : memref<10240x64xf32, #tpu.memory_space<vmem_shared>> -> memref<640x64xf32, #tpu.memory_space<vmem_shared>>
      tpu.wait_dma2 semaphore(%run_scoped3A : memref<!tpu.dma_semaphore, #tpu.memory_space<semaphore_mem>>) src(%dma_wait3A_39 : memref<640x64xf32, #tpu.memory_space<vmem_shared>>) dst(%dma_wait3A_37 : memref<640x64xf32, #tpu.memory_space<hbm>>)
      tpu.yield
    }) : () -> ()
    %eq3A_23 = arith.constant 0 : i32
    %eq3A_24 = arith.cmpi eq, %arg0, %eq3A_23 : i32
    %convert_element_type3A_25 = arith.extui %eq3A_24 : i1 to i32
    %cond3A_26 = arith.constant 0 : i32
    %cond3A_27 = arith.cmpi ne, %convert_element_type3A_25, %cond3A_26 : i32
    scf.if %cond3A_27 {
      "tpu.region"() ({
        %run_scoped3A = tpu.sem_alloc : memref<!tpu.dma_semaphore, #tpu.memory_space<semaphore_mem>>
        %dma_start3A_33 = arith.constant 0 : i32
        %dma_start3A_34 = tpu.memref_slice %arg10[%mul3A_0, %dma_start3A_33] : memref<10240x8xf32, #tpu.memory_space<hbm>> -> memref<640x8xf32, #tpu.memory_space<hbm>>
        %dma_start3A_35 = arith.constant 0 : i32
        %dma_start3A_36 = tpu.memref_slice %arg20[%mul3A_0, %dma_start3A_35] : memref<20480x8xf32, #tpu.memory_space<vmem_shared>> -> memref<640x8xf32, #tpu.memory_space<vmem_shared>>
        tpu.enqueue_dma source(%dma_start3A_36 : memref<640x8xf32, #tpu.memory_space<vmem_shared>>) target(%dma_start3A_34 : memref<640x8xf32, #tpu.memory_space<hbm>>) target_semaphore(%run_scoped3A : memref<!tpu.dma_semaphore, #tpu.memory_space<semaphore_mem>>)
        %dma_wait3A = arith.constant 0 : i32
        %dma_wait3A_37 = tpu.memref_slice %arg10[%mul3A_0, %dma_wait3A] : memref<10240x8xf32, #tpu.memory_space<hbm>> -> memref<640x8xf32, #tpu.memory_space<hbm>>
        %dma_wait3A_38 = arith.constant 0 : i32
        %dma_wait3A_39 = tpu.memref_slice %arg20[%mul3A_0, %dma_wait3A_38] : memref<20480x8xf32, #tpu.memory_space<vmem_shared>> -> memref<640x8xf32, #tpu.memory_space<vmem_shared>>
        tpu.wait_dma2 semaphore(%run_scoped3A : memref<!tpu.dma_semaphore, #tpu.memory_space<semaphore_mem>>) src(%dma_wait3A_39 : memref<640x8xf32, #tpu.memory_space<vmem_shared>>) dst(%dma_wait3A_37 : memref<640x8xf32, #tpu.memory_space<hbm>>)
        tpu.yield
      }) : () -> ()
    } else {
    }
    %eq3A_28 = arith.constant 1 : i32
    %eq3A_29 = arith.cmpi eq, %arg0, %eq3A_28 : i32
    %convert_element_type3A_30 = arith.extui %eq3A_29 : i1 to i32
    %cond3A_31 = arith.constant 0 : i32
    %cond3A_32 = arith.cmpi ne, %convert_element_type3A_30, %cond3A_31 : i32
    scf.if %cond3A_32 {
      %add3A_33 = arith.constant 10240 : i32
      %add3A_34 = arith.addi %add3A_33, %mul3A_0 : i32
      "tpu.region"() ({
        %run_scoped3A = tpu.sem_alloc : memref<!tpu.dma_semaphore, #tpu.memory_space<semaphore_mem>>
        %dma_start3A_35 = arith.constant 0 : i32
        %dma_start3A_36 = tpu.memref_slice %arg11[%mul3A_0, %dma_start3A_35] : memref<10240x8xf32, #tpu.memory_space<hbm>> -> memref<640x8xf32, #tpu.memory_space<hbm>>
        %dma_start3A_37 = arith.constant 0 : i32
        %dma_start3A_38 = tpu.memref_slice %arg20[%add3A_34, %dma_start3A_37] : memref<20480x8xf32, #tpu.memory_space<vmem_shared>> -> memref<640x8xf32, #tpu.memory_space<vmem_shared>>
        tpu.enqueue_dma source(%dma_start3A_38 : memref<640x8xf32, #tpu.memory_space<vmem_shared>>) target(%dma_start3A_36 : memref<640x8xf32, #tpu.memory_space<hbm>>) target_semaphore(%run_scoped3A : memref<!tpu.dma_semaphore, #tpu.memory_space<semaphore_mem>>)
        %dma_wait3A = arith.constant 0 : i32
        %dma_wait3A_39 = tpu.memref_slice %arg11[%mul3A_0, %dma_wait3A] : memref<10240x8xf32, #tpu.memory_space<hbm>> -> memref<640x8xf32, #tpu.memory_space<hbm>>
        %dma_wait3A_40 = arith.constant 0 : i32
        %dma_wait3A_41 = tpu.memref_slice %arg20[%add3A_34, %dma_wait3A_40] : memref<20480x8xf32, #tpu.memory_space<vmem_shared>> -> memref<640x8xf32, #tpu.memory_space<vmem_shared>>
        tpu.wait_dma2 semaphore(%run_scoped3A : memref<!tpu.dma_semaphore, #tpu.memory_space<semaphore_mem>>) src(%dma_wait3A_41 : memref<640x8xf32, #tpu.memory_space<vmem_shared>>) dst(%dma_wait3A_39 : memref<640x8xf32, #tpu.memory_space<hbm>>)
        tpu.yield
      }) : () -> ()
    } else {
    }
    return
  }
}

#map = affine_map<(d0, d1) -> (0, 0)>
#map1 = affine_map<(d0, d1) -> (0, 0, 0)>
module attributes {stable_mosaic.version = 14 : i64} {
  func.func @_sc_agg(%arg0: i32, %arg1: i32, %arg2: memref<40960x64xf32, #tpu.memory_space<hbm>>, %arg3: memref<64x160x128xi32, #tpu.memory_space<hbm>>, %arg4: memref<16x160x128xi32, #tpu.memory_space<hbm>>, %arg5: memref<10240x64xf32, #tpu.memory_space<hbm>>, %arg6: memref<40960x64xf32, #tpu.memory_space<hbm>>, %arg7: memref<160x128xi32, #tpu.memory_space<vmem>>, %arg8: memref<160x128xi32, #tpu.memory_space<vmem>>, %arg9: memref<128x64xf32, #tpu.memory_space<vmem>>, %arg10: memref<128x64xf32, #tpu.memory_space<vmem>>, %arg11: memref<10240x64xf32, #tpu.memory_space<vmem_shared>>, %arg12: memref<!tpu.dma_semaphore, #tpu.memory_space<semaphore_mem>>, %arg13: memref<!tpu.dma_semaphore, #tpu.memory_space<semaphore_mem>>) attributes {dimension_semantics = [#tpu.dimension_semantics<core_parallel>, #tpu.dimension_semantics<subcore_parallel>], iteration_bounds = array<i64: 2, 16>, scalar_prefetch = 0 : i64, scratch_operands = 7 : i64, tpu.core_type = #tpu.core_type<sc_vector_subcore>, window_params = [{transform_indices = #map}, {transform_indices = #map1}, {transform_indices = #map1}, {transform_indices = #map}, {transform_indices = #map}]} {
    %mul3A = arith.constant 640 : i32
    %mul3A_0 = arith.muli %arg1, %mul3A : i32
    "tpu.region"() ({
      %run_scoped3A = tpu.sem_alloc : memref<!tpu.dma_semaphore, #tpu.memory_space<semaphore_mem>>
      %dma_start3A_43 = arith.constant 0 : i32
      %dma_start3A_44 = arith.constant 0 : i32
      %dma_start3A_45 = tpu.memref_slice %arg4[%arg1, %dma_start3A_43, %dma_start3A_44] : memref<16x160x128xi32, #tpu.memory_space<hbm>> -> memref<1x160x128xi32, #tpu.memory_space<hbm>>
      %dma_start3A_46 = tpu.memref_squeeze %dma_start3A_45 : memref<1x160x128xi32, #tpu.memory_space<hbm>> -> memref<160x128xi32, #tpu.memory_space<hbm>>
      %dma_start3A_47 = arith.constant 0 : i32
      %dma_start3A_48 = arith.constant 0 : i32
      %dma_start3A_49 = tpu.memref_slice %arg4[%arg1, %dma_start3A_47, %dma_start3A_48] : memref<16x160x128xi32, #tpu.memory_space<hbm>> -> memref<1x160x128xi32, #tpu.memory_space<hbm>>
      %dma_start3A_50 = tpu.memref_squeeze %dma_start3A_49 : memref<1x160x128xi32, #tpu.memory_space<hbm>> -> memref<160x128xi32, #tpu.memory_space<hbm>>
      tpu.enqueue_dma source(%dma_start3A_50 : memref<160x128xi32, #tpu.memory_space<hbm>>) target(%arg8 : memref<160x128xi32, #tpu.memory_space<vmem>>) target_semaphore(%run_scoped3A : memref<!tpu.dma_semaphore, #tpu.memory_space<semaphore_mem>>)
      %dma_wait3A = arith.constant 0 : i32
      %dma_wait3A_51 = arith.constant 0 : i32
      %dma_wait3A_52 = tpu.memref_slice %arg4[%arg1, %dma_wait3A, %dma_wait3A_51] : memref<16x160x128xi32, #tpu.memory_space<hbm>> -> memref<1x160x128xi32, #tpu.memory_space<hbm>>
      %dma_wait3A_53 = tpu.memref_squeeze %dma_wait3A_52 : memref<1x160x128xi32, #tpu.memory_space<hbm>> -> memref<160x128xi32, #tpu.memory_space<hbm>>
      %dma_wait3A_54 = arith.constant 0 : i32
      %dma_wait3A_55 = arith.constant 0 : i32
      %dma_wait3A_56 = tpu.memref_slice %arg4[%arg1, %dma_wait3A_54, %dma_wait3A_55] : memref<16x160x128xi32, #tpu.memory_space<hbm>> -> memref<1x160x128xi32, #tpu.memory_space<hbm>>
      %dma_wait3A_57 = tpu.memref_squeeze %dma_wait3A_56 : memref<1x160x128xi32, #tpu.memory_space<hbm>> -> memref<160x128xi32, #tpu.memory_space<hbm>>
      tpu.wait_dma2 semaphore(%run_scoped3A : memref<!tpu.dma_semaphore, #tpu.memory_space<semaphore_mem>>) src(%dma_wait3A_57 : memref<160x128xi32, #tpu.memory_space<hbm>>) dst(%arg8 : memref<160x128xi32, #tpu.memory_space<vmem>>)
      tpu.yield
    }) : () -> ()
    %add3A = arith.constant 0 : i32
    %add3A_1 = arith.addi %add3A, %arg0 : i32
    %mul3A_2 = arith.constant 16 : i32
    %mul3A_3 = arith.muli %add3A_1, %mul3A_2 : i32
    %add3A_4 = arith.addi %mul3A_3, %arg1 : i32
    "tpu.region"() ({
      %run_scoped3A = tpu.sem_alloc : memref<!tpu.dma_semaphore, #tpu.memory_space<semaphore_mem>>
      %dma_start3A_43 = arith.constant 0 : i32
      %dma_start3A_44 = arith.constant 0 : i32
      %dma_start3A_45 = tpu.memref_slice %arg3[%add3A_4, %dma_start3A_43, %dma_start3A_44] : memref<64x160x128xi32, #tpu.memory_space<hbm>> -> memref<1x160x128xi32, #tpu.memory_space<hbm>>
      %dma_start3A_46 = tpu.memref_squeeze %dma_start3A_45 : memref<1x160x128xi32, #tpu.memory_space<hbm>> -> memref<160x128xi32, #tpu.memory_space<hbm>>
      %dma_start3A_47 = arith.constant 0 : i32
      %dma_start3A_48 = arith.constant 0 : i32
      %dma_start3A_49 = tpu.memref_slice %arg3[%add3A_4, %dma_start3A_47, %dma_start3A_48] : memref<64x160x128xi32, #tpu.memory_space<hbm>> -> memref<1x160x128xi32, #tpu.memory_space<hbm>>
      %dma_start3A_50 = tpu.memref_squeeze %dma_start3A_49 : memref<1x160x128xi32, #tpu.memory_space<hbm>> -> memref<160x128xi32, #tpu.memory_space<hbm>>
      tpu.enqueue_dma source(%dma_start3A_50 : memref<160x128xi32, #tpu.memory_space<hbm>>) target(%arg7 : memref<160x128xi32, #tpu.memory_space<vmem>>) target_semaphore(%run_scoped3A : memref<!tpu.dma_semaphore, #tpu.memory_space<semaphore_mem>>)
      %dma_wait3A = arith.constant 0 : i32
      %dma_wait3A_51 = arith.constant 0 : i32
      %dma_wait3A_52 = tpu.memref_slice %arg3[%add3A_4, %dma_wait3A, %dma_wait3A_51] : memref<64x160x128xi32, #tpu.memory_space<hbm>> -> memref<1x160x128xi32, #tpu.memory_space<hbm>>
      %dma_wait3A_53 = tpu.memref_squeeze %dma_wait3A_52 : memref<1x160x128xi32, #tpu.memory_space<hbm>> -> memref<160x128xi32, #tpu.memory_space<hbm>>
      %dma_wait3A_54 = arith.constant 0 : i32
      %dma_wait3A_55 = arith.constant 0 : i32
      %dma_wait3A_56 = tpu.memref_slice %arg3[%add3A_4, %dma_wait3A_54, %dma_wait3A_55] : memref<64x160x128xi32, #tpu.memory_space<hbm>> -> memref<1x160x128xi32, #tpu.memory_space<hbm>>
      %dma_wait3A_57 = tpu.memref_squeeze %dma_wait3A_56 : memref<1x160x128xi32, #tpu.memory_space<hbm>> -> memref<160x128xi32, #tpu.memory_space<hbm>>
      tpu.wait_dma2 semaphore(%run_scoped3A : memref<!tpu.dma_semaphore, #tpu.memory_space<semaphore_mem>>) src(%dma_wait3A_57 : memref<160x128xi32, #tpu.memory_space<hbm>>) dst(%arg7 : memref<160x128xi32, #tpu.memory_space<vmem>>)
      tpu.yield
    }) : () -> ()
    "tpu.region"() ({
      %run_scoped3A = tpu.sem_alloc : memref<!tpu.dma_semaphore, #tpu.memory_space<semaphore_mem>>
      %dma_start3A_43 = arith.constant 0 : i32
      %dma_start3A_44 = tpu.memref_slice %arg11[%mul3A_0, %dma_start3A_43] : memref<10240x64xf32, #tpu.memory_space<vmem_shared>> -> memref<640x64xf32, #tpu.memory_space<vmem_shared>>
      %dma_start3A_45 = arith.constant 0 : i32
      %dma_start3A_46 = tpu.memref_slice %arg5[%mul3A_0, %dma_start3A_45] : memref<10240x64xf32, #tpu.memory_space<hbm>> -> memref<640x64xf32, #tpu.memory_space<hbm>>
      tpu.enqueue_dma source(%dma_start3A_46 : memref<640x64xf32, #tpu.memory_space<hbm>>) target(%dma_start3A_44 : memref<640x64xf32, #tpu.memory_space<vmem_shared>>) target_semaphore(%run_scoped3A : memref<!tpu.dma_semaphore, #tpu.memory_space<semaphore_mem>>)
      %dma_wait3A = arith.constant 0 : i32
      %dma_wait3A_47 = tpu.memref_slice %arg11[%mul3A_0, %dma_wait3A] : memref<10240x64xf32, #tpu.memory_space<vmem_shared>> -> memref<640x64xf32, #tpu.memory_space<vmem_shared>>
      %dma_wait3A_48 = arith.constant 0 : i32
      %dma_wait3A_49 = tpu.memref_slice %arg5[%mul3A_0, %dma_wait3A_48] : memref<10240x64xf32, #tpu.memory_space<hbm>> -> memref<640x64xf32, #tpu.memory_space<hbm>>
      tpu.wait_dma2 semaphore(%run_scoped3A : memref<!tpu.dma_semaphore, #tpu.memory_space<semaphore_mem>>) src(%dma_wait3A_49 : memref<640x64xf32, #tpu.memory_space<hbm>>) dst(%dma_wait3A_47 : memref<640x64xf32, #tpu.memory_space<vmem_shared>>)
      tpu.yield
    }) : () -> ()
    %barrier3A = arith.constant 0 : index
    tpu.barrier barrier_id(%barrier3A)
    %dma_start3A = arith.constant 0 : i32
    %dma_start3A_5 = arith.constant 0 : i32
    %dma_start3A_6 = tpu.memref_slice %arg7[%dma_start3A, %dma_start3A_5] : memref<160x128xi32, #tpu.memory_space<vmem>> -> memref<1x128xi32, #tpu.memory_space<vmem>>
    %dma_start3A_7 = tpu.memref_squeeze %dma_start3A_6 : memref<1x128xi32, #tpu.memory_space<vmem>> -> memref<128xi32, #tpu.memory_space<vmem>>
    %dma_start3A_8 = arith.constant 0 : i32
    %dma_start3A_9 = arith.constant 0 : i32
    %dma_start3A_10 = tpu.memref_slice %arg2[%dma_start3A_8, %dma_start3A_9] : memref<40960x64xf32, #tpu.memory_space<hbm>> -> memref<40960x64xf32, #tpu.memory_space<hbm>>
    tpu.enqueue_indirect_dma source(%dma_start3A_10 : memref<40960x64xf32, #tpu.memory_space<hbm>>) target(%arg9 : memref<128x64xf32, #tpu.memory_space<vmem>>) offsets(%dma_start3A_7 : memref<128xi32, #tpu.memory_space<vmem>>) semaphore(%arg12 : memref<!tpu.dma_semaphore, #tpu.memory_space<semaphore_mem>>)
    %scan3A = arith.constant 0 : i32
    %scan3A_11 = arith.constant 0 : i32
    %scan3A_12 = arith.constant 80 : i32
    %scan3A_13 = arith.addi %scan3A_11, %scan3A_12 : i32
    %scan3A_14 = arith.constant 1 : i32
    scf.for %scan3A_43 = %scan3A_11 to %scan3A_13 step %scan3A_14  : i32 {
      %mul3A_44 = arith.constant 2 : i32
      %mul3A_45 = arith.muli %mul3A_44, %scan3A_43 : i32
      %add3A_46 = arith.constant 1 : i32
      %add3A_47 = arith.addi %mul3A_45, %add3A_46 : i32
      %dma_start3A_48 = arith.constant 0 : i32
      %dma_start3A_49 = tpu.memref_slice %arg7[%add3A_47, %dma_start3A_48] : memref<160x128xi32, #tpu.memory_space<vmem>> -> memref<1x128xi32, #tpu.memory_space<vmem>>
      %dma_start3A_50 = tpu.memref_squeeze %dma_start3A_49 : memref<1x128xi32, #tpu.memory_space<vmem>> -> memref<128xi32, #tpu.memory_space<vmem>>
      %dma_start3A_51 = arith.constant 0 : i32
      %dma_start3A_52 = arith.constant 0 : i32
      %dma_start3A_53 = tpu.memref_slice %arg2[%dma_start3A_51, %dma_start3A_52] : memref<40960x64xf32, #tpu.memory_space<hbm>> -> memref<40960x64xf32, #tpu.memory_space<hbm>>
      tpu.enqueue_indirect_dma source(%dma_start3A_53 : memref<40960x64xf32, #tpu.memory_space<hbm>>) target(%arg10 : memref<128x64xf32, #tpu.memory_space<vmem>>) offsets(%dma_start3A_50 : memref<128xi32, #tpu.memory_space<vmem>>) semaphore(%arg13 : memref<!tpu.dma_semaphore, #tpu.memory_space<semaphore_mem>>)
      %dma_wait3A = arith.constant 0 : i32
      %dma_wait3A_54 = tpu.memref_slice %arg7[%mul3A_45, %dma_wait3A] : memref<160x128xi32, #tpu.memory_space<vmem>> -> memref<1x128xi32, #tpu.memory_space<vmem>>
      %dma_wait3A_55 = tpu.memref_squeeze %dma_wait3A_54 : memref<1x128xi32, #tpu.memory_space<vmem>> -> memref<128xi32, #tpu.memory_space<vmem>>
      %dma_wait3A_56 = arith.constant 0 : i32
      %dma_wait3A_57 = arith.constant 0 : i32
      %dma_wait3A_58 = tpu.memref_slice %arg2[%dma_wait3A_56, %dma_wait3A_57] : memref<40960x64xf32, #tpu.memory_space<hbm>> -> memref<40960x64xf32, #tpu.memory_space<hbm>>
      tpu.wait_indirect_dma semaphore(%arg12 : memref<!tpu.dma_semaphore, #tpu.memory_space<semaphore_mem>>) src(%dma_wait3A_58 : memref<40960x64xf32, #tpu.memory_space<hbm>>) dst(%arg9 : memref<128x64xf32, #tpu.memory_space<vmem>>)
      "tpu.region"() ({
        %run_scoped3A = tpu.sem_alloc : memref<!tpu.dma_semaphore, #tpu.memory_space<semaphore_mem>>
        %dma_start3A_73 = arith.constant 0 : i32
        %dma_start3A_74 = tpu.memref_slice %arg8[%mul3A_45, %dma_start3A_73] : memref<160x128xi32, #tpu.memory_space<vmem>> -> memref<1x128xi32, #tpu.memory_space<vmem>>
        %dma_start3A_75 = tpu.memref_squeeze %dma_start3A_74 : memref<1x128xi32, #tpu.memory_space<vmem>> -> memref<128xi32, #tpu.memory_space<vmem>>
        %dma_start3A_76 = arith.constant 0 : i32
        %dma_start3A_77 = arith.constant 0 : i32
        %dma_start3A_78 = tpu.memref_slice %arg11[%dma_start3A_76, %dma_start3A_77] : memref<10240x64xf32, #tpu.memory_space<vmem_shared>> -> memref<10240x64xf32, #tpu.memory_space<vmem_shared>>
        tpu.enqueue_indirect_dma source(%arg9 : memref<128x64xf32, #tpu.memory_space<vmem>>) target(%dma_start3A_78 : memref<10240x64xf32, #tpu.memory_space<vmem_shared>>) offsets(%dma_start3A_75 : memref<128xi32, #tpu.memory_space<vmem>>) semaphore(%run_scoped3A : memref<!tpu.dma_semaphore, #tpu.memory_space<semaphore_mem>>) {add = true}
        %dma_wait3A_79 = arith.constant 0 : i32
        %dma_wait3A_80 = tpu.memref_slice %arg8[%mul3A_45, %dma_wait3A_79] : memref<160x128xi32, #tpu.memory_space<vmem>> -> memref<1x128xi32, #tpu.memory_space<vmem>>
        %dma_wait3A_81 = tpu.memref_squeeze %dma_wait3A_80 : memref<1x128xi32, #tpu.memory_space<vmem>> -> memref<128xi32, #tpu.memory_space<vmem>>
        %dma_wait3A_82 = arith.constant 0 : i32
        %dma_wait3A_83 = arith.constant 0 : i32
        %dma_wait3A_84 = tpu.memref_slice %arg11[%dma_wait3A_82, %dma_wait3A_83] : memref<10240x64xf32, #tpu.memory_space<vmem_shared>> -> memref<10240x64xf32, #tpu.memory_space<vmem_shared>>
        tpu.wait_indirect_dma semaphore(%run_scoped3A : memref<!tpu.dma_semaphore, #tpu.memory_space<semaphore_mem>>) src(%arg9 : memref<128x64xf32, #tpu.memory_space<vmem>>) dst(%dma_wait3A_84 : memref<10240x64xf32, #tpu.memory_space<vmem_shared>>)
        tpu.yield
      }) : () -> ()
      %add3A_59 = arith.constant 2 : i32
      %add3A_60 = arith.addi %mul3A_45, %add3A_59 : i32
      %lt3A = arith.constant 160 : i32
      %lt3A_61 = arith.cmpi slt, %add3A_60, %lt3A : i32
      %convert_element_type3A = arith.extui %lt3A_61 : i1 to i32
      %cond3A = arith.constant 0 : i32
      %cond3A_62 = arith.cmpi ne, %convert_element_type3A, %cond3A : i32
      scf.if %cond3A_62 {
        %add3A_73 = arith.constant 2 : i32
        %add3A_74 = arith.addi %mul3A_45, %add3A_73 : i32
        %dma_start3A_75 = arith.constant 0 : i32
        %dma_start3A_76 = tpu.memref_slice %arg7[%add3A_74, %dma_start3A_75] : memref<160x128xi32, #tpu.memory_space<vmem>> -> memref<1x128xi32, #tpu.memory_space<vmem>>
        %dma_start3A_77 = tpu.memref_squeeze %dma_start3A_76 : memref<1x128xi32, #tpu.memory_space<vmem>> -> memref<128xi32, #tpu.memory_space<vmem>>
        %dma_start3A_78 = arith.constant 0 : i32
        %dma_start3A_79 = arith.constant 0 : i32
        %dma_start3A_80 = tpu.memref_slice %arg2[%dma_start3A_78, %dma_start3A_79] : memref<40960x64xf32, #tpu.memory_space<hbm>> -> memref<40960x64xf32, #tpu.memory_space<hbm>>
        tpu.enqueue_indirect_dma source(%dma_start3A_80 : memref<40960x64xf32, #tpu.memory_space<hbm>>) target(%arg9 : memref<128x64xf32, #tpu.memory_space<vmem>>) offsets(%dma_start3A_77 : memref<128xi32, #tpu.memory_space<vmem>>) semaphore(%arg12 : memref<!tpu.dma_semaphore, #tpu.memory_space<semaphore_mem>>)
      } else {
      }
      %add3A_63 = arith.constant 1 : i32
      %add3A_64 = arith.addi %mul3A_45, %add3A_63 : i32
      %dma_wait3A_65 = arith.constant 0 : i32
      %dma_wait3A_66 = tpu.memref_slice %arg7[%add3A_64, %dma_wait3A_65] : memref<160x128xi32, #tpu.memory_space<vmem>> -> memref<1x128xi32, #tpu.memory_space<vmem>>
      %dma_wait3A_67 = tpu.memref_squeeze %dma_wait3A_66 : memref<1x128xi32, #tpu.memory_space<vmem>> -> memref<128xi32, #tpu.memory_space<vmem>>
      %dma_wait3A_68 = arith.constant 0 : i32
      %dma_wait3A_69 = arith.constant 0 : i32
      %dma_wait3A_70 = tpu.memref_slice %arg2[%dma_wait3A_68, %dma_wait3A_69] : memref<40960x64xf32, #tpu.memory_space<hbm>> -> memref<40960x64xf32, #tpu.memory_space<hbm>>
      tpu.wait_indirect_dma semaphore(%arg13 : memref<!tpu.dma_semaphore, #tpu.memory_space<semaphore_mem>>) src(%dma_wait3A_70 : memref<40960x64xf32, #tpu.memory_space<hbm>>) dst(%arg10 : memref<128x64xf32, #tpu.memory_space<vmem>>)
      %add3A_71 = arith.constant 1 : i32
      %add3A_72 = arith.addi %mul3A_45, %add3A_71 : i32
      "tpu.region"() ({
        %run_scoped3A = tpu.sem_alloc : memref<!tpu.dma_semaphore, #tpu.memory_space<semaphore_mem>>
        %dma_start3A_73 = arith.constant 0 : i32
        %dma_start3A_74 = tpu.memref_slice %arg8[%add3A_72, %dma_start3A_73] : memref<160x128xi32, #tpu.memory_space<vmem>> -> memref<1x128xi32, #tpu.memory_space<vmem>>
        %dma_start3A_75 = tpu.memref_squeeze %dma_start3A_74 : memref<1x128xi32, #tpu.memory_space<vmem>> -> memref<128xi32, #tpu.memory_space<vmem>>
        %dma_start3A_76 = arith.constant 0 : i32
        %dma_start3A_77 = arith.constant 0 : i32
        %dma_start3A_78 = tpu.memref_slice %arg11[%dma_start3A_76, %dma_start3A_77] : memref<10240x64xf32, #tpu.memory_space<vmem_shared>> -> memref<10240x64xf32, #tpu.memory_space<vmem_shared>>
        tpu.enqueue_indirect_dma source(%arg10 : memref<128x64xf32, #tpu.memory_space<vmem>>) target(%dma_start3A_78 : memref<10240x64xf32, #tpu.memory_space<vmem_shared>>) offsets(%dma_start3A_75 : memref<128xi32, #tpu.memory_space<vmem>>) semaphore(%run_scoped3A : memref<!tpu.dma_semaphore, #tpu.memory_space<semaphore_mem>>) {add = true}
        %dma_wait3A_79 = arith.constant 0 : i32
        %dma_wait3A_80 = tpu.memref_slice %arg8[%add3A_72, %dma_wait3A_79] : memref<160x128xi32, #tpu.memory_space<vmem>> -> memref<1x128xi32, #tpu.memory_space<vmem>>
        %dma_wait3A_81 = tpu.memref_squeeze %dma_wait3A_80 : memref<1x128xi32, #tpu.memory_space<vmem>> -> memref<128xi32, #tpu.memory_space<vmem>>
        %dma_wait3A_82 = arith.constant 0 : i32
        %dma_wait3A_83 = arith.constant 0 : i32
        %dma_wait3A_84 = tpu.memref_slice %arg11[%dma_wait3A_82, %dma_wait3A_83] : memref<10240x64xf32, #tpu.memory_space<vmem_shared>> -> memref<10240x64xf32, #tpu.memory_space<vmem_shared>>
        tpu.wait_indirect_dma semaphore(%run_scoped3A : memref<!tpu.dma_semaphore, #tpu.memory_space<semaphore_mem>>) src(%arg10 : memref<128x64xf32, #tpu.memory_space<vmem>>) dst(%dma_wait3A_84 : memref<10240x64xf32, #tpu.memory_space<vmem_shared>>)
        tpu.yield
      }) : () -> ()
    }
    %scan3A_15 = arith.constant 80 : i32
    %barrier3A_16 = arith.constant 0 : index
    tpu.barrier barrier_id(%barrier3A_16)
    %mul3A_17 = arith.constant 10240 : i32
    %mul3A_18 = arith.muli %add3A_1, %mul3A_17 : i32
    %add3A_19 = arith.addi %mul3A_18, %mul3A_0 : i32
    "tpu.region"() ({
      %run_scoped3A = tpu.sem_alloc : memref<!tpu.dma_semaphore, #tpu.memory_space<semaphore_mem>>
      %dma_start3A_43 = arith.constant 0 : i32
      %dma_start3A_44 = tpu.memref_slice %arg6[%add3A_19, %dma_start3A_43] : memref<40960x64xf32, #tpu.memory_space<hbm>> -> memref<640x64xf32, #tpu.memory_space<hbm>>
      %dma_start3A_45 = arith.constant 0 : i32
      %dma_start3A_46 = tpu.memref_slice %arg11[%mul3A_0, %dma_start3A_45] : memref<10240x64xf32, #tpu.memory_space<vmem_shared>> -> memref<640x64xf32, #tpu.memory_space<vmem_shared>>
      tpu.enqueue_dma source(%dma_start3A_46 : memref<640x64xf32, #tpu.memory_space<vmem_shared>>) target(%dma_start3A_44 : memref<640x64xf32, #tpu.memory_space<hbm>>) target_semaphore(%run_scoped3A : memref<!tpu.dma_semaphore, #tpu.memory_space<semaphore_mem>>)
      %dma_wait3A = arith.constant 0 : i32
      %dma_wait3A_47 = tpu.memref_slice %arg6[%add3A_19, %dma_wait3A] : memref<40960x64xf32, #tpu.memory_space<hbm>> -> memref<640x64xf32, #tpu.memory_space<hbm>>
      %dma_wait3A_48 = arith.constant 0 : i32
      %dma_wait3A_49 = tpu.memref_slice %arg11[%mul3A_0, %dma_wait3A_48] : memref<10240x64xf32, #tpu.memory_space<vmem_shared>> -> memref<640x64xf32, #tpu.memory_space<vmem_shared>>
      tpu.wait_dma2 semaphore(%run_scoped3A : memref<!tpu.dma_semaphore, #tpu.memory_space<semaphore_mem>>) src(%dma_wait3A_49 : memref<640x64xf32, #tpu.memory_space<vmem_shared>>) dst(%dma_wait3A_47 : memref<640x64xf32, #tpu.memory_space<hbm>>)
      tpu.yield
    }) : () -> ()
    %add3A_20 = arith.constant 2 : i32
    %add3A_21 = arith.addi %add3A_20, %arg0 : i32
    %mul3A_22 = arith.constant 16 : i32
    %mul3A_23 = arith.muli %add3A_21, %mul3A_22 : i32
    %add3A_24 = arith.addi %mul3A_23, %arg1 : i32
    "tpu.region"() ({
      %run_scoped3A = tpu.sem_alloc : memref<!tpu.dma_semaphore, #tpu.memory_space<semaphore_mem>>
      %dma_start3A_43 = arith.constant 0 : i32
      %dma_start3A_44 = arith.constant 0 : i32
      %dma_start3A_45 = tpu.memref_slice %arg3[%add3A_24, %dma_start3A_43, %dma_start3A_44] : memref<64x160x128xi32, #tpu.memory_space<hbm>> -> memref<1x160x128xi32, #tpu.memory_space<hbm>>
      %dma_start3A_46 = tpu.memref_squeeze %dma_start3A_45 : memref<1x160x128xi32, #tpu.memory_space<hbm>> -> memref<160x128xi32, #tpu.memory_space<hbm>>
      %dma_start3A_47 = arith.constant 0 : i32
      %dma_start3A_48 = arith.constant 0 : i32
      %dma_start3A_49 = tpu.memref_slice %arg3[%add3A_24, %dma_start3A_47, %dma_start3A_48] : memref<64x160x128xi32, #tpu.memory_space<hbm>> -> memref<1x160x128xi32, #tpu.memory_space<hbm>>
      %dma_start3A_50 = tpu.memref_squeeze %dma_start3A_49 : memref<1x160x128xi32, #tpu.memory_space<hbm>> -> memref<160x128xi32, #tpu.memory_space<hbm>>
      tpu.enqueue_dma source(%dma_start3A_50 : memref<160x128xi32, #tpu.memory_space<hbm>>) target(%arg7 : memref<160x128xi32, #tpu.memory_space<vmem>>) target_semaphore(%run_scoped3A : memref<!tpu.dma_semaphore, #tpu.memory_space<semaphore_mem>>)
      %dma_wait3A = arith.constant 0 : i32
      %dma_wait3A_51 = arith.constant 0 : i32
      %dma_wait3A_52 = tpu.memref_slice %arg3[%add3A_24, %dma_wait3A, %dma_wait3A_51] : memref<64x160x128xi32, #tpu.memory_space<hbm>> -> memref<1x160x128xi32, #tpu.memory_space<hbm>>
      %dma_wait3A_53 = tpu.memref_squeeze %dma_wait3A_52 : memref<1x160x128xi32, #tpu.memory_space<hbm>> -> memref<160x128xi32, #tpu.memory_space<hbm>>
      %dma_wait3A_54 = arith.constant 0 : i32
      %dma_wait3A_55 = arith.constant 0 : i32
      %dma_wait3A_56 = tpu.memref_slice %arg3[%add3A_24, %dma_wait3A_54, %dma_wait3A_55] : memref<64x160x128xi32, #tpu.memory_space<hbm>> -> memref<1x160x128xi32, #tpu.memory_space<hbm>>
      %dma_wait3A_57 = tpu.memref_squeeze %dma_wait3A_56 : memref<1x160x128xi32, #tpu.memory_space<hbm>> -> memref<160x128xi32, #tpu.memory_space<hbm>>
      tpu.wait_dma2 semaphore(%run_scoped3A : memref<!tpu.dma_semaphore, #tpu.memory_space<semaphore_mem>>) src(%dma_wait3A_57 : memref<160x128xi32, #tpu.memory_space<hbm>>) dst(%arg7 : memref<160x128xi32, #tpu.memory_space<vmem>>)
      tpu.yield
    }) : () -> ()
    "tpu.region"() ({
      %run_scoped3A = tpu.sem_alloc : memref<!tpu.dma_semaphore, #tpu.memory_space<semaphore_mem>>
      %dma_start3A_43 = arith.constant 0 : i32
      %dma_start3A_44 = tpu.memref_slice %arg11[%mul3A_0, %dma_start3A_43] : memref<10240x64xf32, #tpu.memory_space<vmem_shared>> -> memref<640x64xf32, #tpu.memory_space<vmem_shared>>
      %dma_start3A_45 = arith.constant 0 : i32
      %dma_start3A_46 = tpu.memref_slice %arg5[%mul3A_0, %dma_start3A_45] : memref<10240x64xf32, #tpu.memory_space<hbm>> -> memref<640x64xf32, #tpu.memory_space<hbm>>
      tpu.enqueue_dma source(%dma_start3A_46 : memref<640x64xf32, #tpu.memory_space<hbm>>) target(%dma_start3A_44 : memref<640x64xf32, #tpu.memory_space<vmem_shared>>) target_semaphore(%run_scoped3A : memref<!tpu.dma_semaphore, #tpu.memory_space<semaphore_mem>>)
      %dma_wait3A = arith.constant 0 : i32
      %dma_wait3A_47 = tpu.memref_slice %arg11[%mul3A_0, %dma_wait3A] : memref<10240x64xf32, #tpu.memory_space<vmem_shared>> -> memref<640x64xf32, #tpu.memory_space<vmem_shared>>
      %dma_wait3A_48 = arith.constant 0 : i32
      %dma_wait3A_49 = tpu.memref_slice %arg5[%mul3A_0, %dma_wait3A_48] : memref<10240x64xf32, #tpu.memory_space<hbm>> -> memref<640x64xf32, #tpu.memory_space<hbm>>
      tpu.wait_dma2 semaphore(%run_scoped3A : memref<!tpu.dma_semaphore, #tpu.memory_space<semaphore_mem>>) src(%dma_wait3A_49 : memref<640x64xf32, #tpu.memory_space<hbm>>) dst(%dma_wait3A_47 : memref<640x64xf32, #tpu.memory_space<vmem_shared>>)
      tpu.yield
    }) : () -> ()
    %barrier3A_25 = arith.constant 0 : index
    tpu.barrier barrier_id(%barrier3A_25)
    %dma_start3A_26 = arith.constant 0 : i32
    %dma_start3A_27 = arith.constant 0 : i32
    %dma_start3A_28 = tpu.memref_slice %arg7[%dma_start3A_26, %dma_start3A_27] : memref<160x128xi32, #tpu.memory_space<vmem>> -> memref<1x128xi32, #tpu.memory_space<vmem>>
    %dma_start3A_29 = tpu.memref_squeeze %dma_start3A_28 : memref<1x128xi32, #tpu.memory_space<vmem>> -> memref<128xi32, #tpu.memory_space<vmem>>
    %dma_start3A_30 = arith.constant 0 : i32
    %dma_start3A_31 = arith.constant 0 : i32
    %dma_start3A_32 = tpu.memref_slice %arg2[%dma_start3A_30, %dma_start3A_31] : memref<40960x64xf32, #tpu.memory_space<hbm>> -> memref<40960x64xf32, #tpu.memory_space<hbm>>
    tpu.enqueue_indirect_dma source(%dma_start3A_32 : memref<40960x64xf32, #tpu.memory_space<hbm>>) target(%arg9 : memref<128x64xf32, #tpu.memory_space<vmem>>) offsets(%dma_start3A_29 : memref<128xi32, #tpu.memory_space<vmem>>) semaphore(%arg12 : memref<!tpu.dma_semaphore, #tpu.memory_space<semaphore_mem>>)
    %scan3A_33 = arith.constant 0 : i32
    %scan3A_34 = arith.constant 0 : i32
    %scan3A_35 = arith.constant 80 : i32
    %scan3A_36 = arith.addi %scan3A_34, %scan3A_35 : i32
    %scan3A_37 = arith.constant 1 : i32
    scf.for %scan3A_43 = %scan3A_34 to %scan3A_36 step %scan3A_37  : i32 {
      %mul3A_44 = arith.constant 2 : i32
      %mul3A_45 = arith.muli %mul3A_44, %scan3A_43 : i32
      %add3A_46 = arith.constant 1 : i32
      %add3A_47 = arith.addi %mul3A_45, %add3A_46 : i32
      %dma_start3A_48 = arith.constant 0 : i32
      %dma_start3A_49 = tpu.memref_slice %arg7[%add3A_47, %dma_start3A_48] : memref<160x128xi32, #tpu.memory_space<vmem>> -> memref<1x128xi32, #tpu.memory_space<vmem>>
      %dma_start3A_50 = tpu.memref_squeeze %dma_start3A_49 : memref<1x128xi32, #tpu.memory_space<vmem>> -> memref<128xi32, #tpu.memory_space<vmem>>
      %dma_start3A_51 = arith.constant 0 : i32
      %dma_start3A_52 = arith.constant 0 : i32
      %dma_start3A_53 = tpu.memref_slice %arg2[%dma_start3A_51, %dma_start3A_52] : memref<40960x64xf32, #tpu.memory_space<hbm>> -> memref<40960x64xf32, #tpu.memory_space<hbm>>
      tpu.enqueue_indirect_dma source(%dma_start3A_53 : memref<40960x64xf32, #tpu.memory_space<hbm>>) target(%arg10 : memref<128x64xf32, #tpu.memory_space<vmem>>) offsets(%dma_start3A_50 : memref<128xi32, #tpu.memory_space<vmem>>) semaphore(%arg13 : memref<!tpu.dma_semaphore, #tpu.memory_space<semaphore_mem>>)
      %dma_wait3A = arith.constant 0 : i32
      %dma_wait3A_54 = tpu.memref_slice %arg7[%mul3A_45, %dma_wait3A] : memref<160x128xi32, #tpu.memory_space<vmem>> -> memref<1x128xi32, #tpu.memory_space<vmem>>
      %dma_wait3A_55 = tpu.memref_squeeze %dma_wait3A_54 : memref<1x128xi32, #tpu.memory_space<vmem>> -> memref<128xi32, #tpu.memory_space<vmem>>
      %dma_wait3A_56 = arith.constant 0 : i32
      %dma_wait3A_57 = arith.constant 0 : i32
      %dma_wait3A_58 = tpu.memref_slice %arg2[%dma_wait3A_56, %dma_wait3A_57] : memref<40960x64xf32, #tpu.memory_space<hbm>> -> memref<40960x64xf32, #tpu.memory_space<hbm>>
      tpu.wait_indirect_dma semaphore(%arg12 : memref<!tpu.dma_semaphore, #tpu.memory_space<semaphore_mem>>) src(%dma_wait3A_58 : memref<40960x64xf32, #tpu.memory_space<hbm>>) dst(%arg9 : memref<128x64xf32, #tpu.memory_space<vmem>>)
      "tpu.region"() ({
        %run_scoped3A = tpu.sem_alloc : memref<!tpu.dma_semaphore, #tpu.memory_space<semaphore_mem>>
        %dma_start3A_73 = arith.constant 0 : i32
        %dma_start3A_74 = tpu.memref_slice %arg8[%mul3A_45, %dma_start3A_73] : memref<160x128xi32, #tpu.memory_space<vmem>> -> memref<1x128xi32, #tpu.memory_space<vmem>>
        %dma_start3A_75 = tpu.memref_squeeze %dma_start3A_74 : memref<1x128xi32, #tpu.memory_space<vmem>> -> memref<128xi32, #tpu.memory_space<vmem>>
        %dma_start3A_76 = arith.constant 0 : i32
        %dma_start3A_77 = arith.constant 0 : i32
        %dma_start3A_78 = tpu.memref_slice %arg11[%dma_start3A_76, %dma_start3A_77] : memref<10240x64xf32, #tpu.memory_space<vmem_shared>> -> memref<10240x64xf32, #tpu.memory_space<vmem_shared>>
        tpu.enqueue_indirect_dma source(%arg9 : memref<128x64xf32, #tpu.memory_space<vmem>>) target(%dma_start3A_78 : memref<10240x64xf32, #tpu.memory_space<vmem_shared>>) offsets(%dma_start3A_75 : memref<128xi32, #tpu.memory_space<vmem>>) semaphore(%run_scoped3A : memref<!tpu.dma_semaphore, #tpu.memory_space<semaphore_mem>>) {add = true}
        %dma_wait3A_79 = arith.constant 0 : i32
        %dma_wait3A_80 = tpu.memref_slice %arg8[%mul3A_45, %dma_wait3A_79] : memref<160x128xi32, #tpu.memory_space<vmem>> -> memref<1x128xi32, #tpu.memory_space<vmem>>
        %dma_wait3A_81 = tpu.memref_squeeze %dma_wait3A_80 : memref<1x128xi32, #tpu.memory_space<vmem>> -> memref<128xi32, #tpu.memory_space<vmem>>
        %dma_wait3A_82 = arith.constant 0 : i32
        %dma_wait3A_83 = arith.constant 0 : i32
        %dma_wait3A_84 = tpu.memref_slice %arg11[%dma_wait3A_82, %dma_wait3A_83] : memref<10240x64xf32, #tpu.memory_space<vmem_shared>> -> memref<10240x64xf32, #tpu.memory_space<vmem_shared>>
        tpu.wait_indirect_dma semaphore(%run_scoped3A : memref<!tpu.dma_semaphore, #tpu.memory_space<semaphore_mem>>) src(%arg9 : memref<128x64xf32, #tpu.memory_space<vmem>>) dst(%dma_wait3A_84 : memref<10240x64xf32, #tpu.memory_space<vmem_shared>>)
        tpu.yield
      }) : () -> ()
      %add3A_59 = arith.constant 2 : i32
      %add3A_60 = arith.addi %mul3A_45, %add3A_59 : i32
      %lt3A = arith.constant 160 : i32
      %lt3A_61 = arith.cmpi slt, %add3A_60, %lt3A : i32
      %convert_element_type3A = arith.extui %lt3A_61 : i1 to i32
      %cond3A = arith.constant 0 : i32
      %cond3A_62 = arith.cmpi ne, %convert_element_type3A, %cond3A : i32
      scf.if %cond3A_62 {
        %add3A_73 = arith.constant 2 : i32
        %add3A_74 = arith.addi %mul3A_45, %add3A_73 : i32
        %dma_start3A_75 = arith.constant 0 : i32
        %dma_start3A_76 = tpu.memref_slice %arg7[%add3A_74, %dma_start3A_75] : memref<160x128xi32, #tpu.memory_space<vmem>> -> memref<1x128xi32, #tpu.memory_space<vmem>>
        %dma_start3A_77 = tpu.memref_squeeze %dma_start3A_76 : memref<1x128xi32, #tpu.memory_space<vmem>> -> memref<128xi32, #tpu.memory_space<vmem>>
        %dma_start3A_78 = arith.constant 0 : i32
        %dma_start3A_79 = arith.constant 0 : i32
        %dma_start3A_80 = tpu.memref_slice %arg2[%dma_start3A_78, %dma_start3A_79] : memref<40960x64xf32, #tpu.memory_space<hbm>> -> memref<40960x64xf32, #tpu.memory_space<hbm>>
        tpu.enqueue_indirect_dma source(%dma_start3A_80 : memref<40960x64xf32, #tpu.memory_space<hbm>>) target(%arg9 : memref<128x64xf32, #tpu.memory_space<vmem>>) offsets(%dma_start3A_77 : memref<128xi32, #tpu.memory_space<vmem>>) semaphore(%arg12 : memref<!tpu.dma_semaphore, #tpu.memory_space<semaphore_mem>>)
      } else {
      }
      %add3A_63 = arith.constant 1 : i32
      %add3A_64 = arith.addi %mul3A_45, %add3A_63 : i32
      %dma_wait3A_65 = arith.constant 0 : i32
      %dma_wait3A_66 = tpu.memref_slice %arg7[%add3A_64, %dma_wait3A_65] : memref<160x128xi32, #tpu.memory_space<vmem>> -> memref<1x128xi32, #tpu.memory_space<vmem>>
      %dma_wait3A_67 = tpu.memref_squeeze %dma_wait3A_66 : memref<1x128xi32, #tpu.memory_space<vmem>> -> memref<128xi32, #tpu.memory_space<vmem>>
      %dma_wait3A_68 = arith.constant 0 : i32
      %dma_wait3A_69 = arith.constant 0 : i32
      %dma_wait3A_70 = tpu.memref_slice %arg2[%dma_wait3A_68, %dma_wait3A_69] : memref<40960x64xf32, #tpu.memory_space<hbm>> -> memref<40960x64xf32, #tpu.memory_space<hbm>>
      tpu.wait_indirect_dma semaphore(%arg13 : memref<!tpu.dma_semaphore, #tpu.memory_space<semaphore_mem>>) src(%dma_wait3A_70 : memref<40960x64xf32, #tpu.memory_space<hbm>>) dst(%arg10 : memref<128x64xf32, #tpu.memory_space<vmem>>)
      %add3A_71 = arith.constant 1 : i32
      %add3A_72 = arith.addi %mul3A_45, %add3A_71 : i32
      "tpu.region"() ({
        %run_scoped3A = tpu.sem_alloc : memref<!tpu.dma_semaphore, #tpu.memory_space<semaphore_mem>>
        %dma_start3A_73 = arith.constant 0 : i32
        %dma_start3A_74 = tpu.memref_slice %arg8[%add3A_72, %dma_start3A_73] : memref<160x128xi32, #tpu.memory_space<vmem>> -> memref<1x128xi32, #tpu.memory_space<vmem>>
        %dma_start3A_75 = tpu.memref_squeeze %dma_start3A_74 : memref<1x128xi32, #tpu.memory_space<vmem>> -> memref<128xi32, #tpu.memory_space<vmem>>
        %dma_start3A_76 = arith.constant 0 : i32
        %dma_start3A_77 = arith.constant 0 : i32
        %dma_start3A_78 = tpu.memref_slice %arg11[%dma_start3A_76, %dma_start3A_77] : memref<10240x64xf32, #tpu.memory_space<vmem_shared>> -> memref<10240x64xf32, #tpu.memory_space<vmem_shared>>
        tpu.enqueue_indirect_dma source(%arg10 : memref<128x64xf32, #tpu.memory_space<vmem>>) target(%dma_start3A_78 : memref<10240x64xf32, #tpu.memory_space<vmem_shared>>) offsets(%dma_start3A_75 : memref<128xi32, #tpu.memory_space<vmem>>) semaphore(%run_scoped3A : memref<!tpu.dma_semaphore, #tpu.memory_space<semaphore_mem>>) {add = true}
        %dma_wait3A_79 = arith.constant 0 : i32
        %dma_wait3A_80 = tpu.memref_slice %arg8[%add3A_72, %dma_wait3A_79] : memref<160x128xi32, #tpu.memory_space<vmem>> -> memref<1x128xi32, #tpu.memory_space<vmem>>
        %dma_wait3A_81 = tpu.memref_squeeze %dma_wait3A_80 : memref<1x128xi32, #tpu.memory_space<vmem>> -> memref<128xi32, #tpu.memory_space<vmem>>
        %dma_wait3A_82 = arith.constant 0 : i32
        %dma_wait3A_83 = arith.constant 0 : i32
        %dma_wait3A_84 = tpu.memref_slice %arg11[%dma_wait3A_82, %dma_wait3A_83] : memref<10240x64xf32, #tpu.memory_space<vmem_shared>> -> memref<10240x64xf32, #tpu.memory_space<vmem_shared>>
        tpu.wait_indirect_dma semaphore(%run_scoped3A : memref<!tpu.dma_semaphore, #tpu.memory_space<semaphore_mem>>) src(%arg10 : memref<128x64xf32, #tpu.memory_space<vmem>>) dst(%dma_wait3A_84 : memref<10240x64xf32, #tpu.memory_space<vmem_shared>>)
        tpu.yield
      }) : () -> ()
    }
    %scan3A_38 = arith.constant 80 : i32
    %barrier3A_39 = arith.constant 0 : index
    tpu.barrier barrier_id(%barrier3A_39)
    %mul3A_40 = arith.constant 10240 : i32
    %mul3A_41 = arith.muli %add3A_21, %mul3A_40 : i32
    %add3A_42 = arith.addi %mul3A_41, %mul3A_0 : i32
    "tpu.region"() ({
      %run_scoped3A = tpu.sem_alloc : memref<!tpu.dma_semaphore, #tpu.memory_space<semaphore_mem>>
      %dma_start3A_43 = arith.constant 0 : i32
      %dma_start3A_44 = tpu.memref_slice %arg6[%add3A_42, %dma_start3A_43] : memref<40960x64xf32, #tpu.memory_space<hbm>> -> memref<640x64xf32, #tpu.memory_space<hbm>>
      %dma_start3A_45 = arith.constant 0 : i32
      %dma_start3A_46 = tpu.memref_slice %arg11[%mul3A_0, %dma_start3A_45] : memref<10240x64xf32, #tpu.memory_space<vmem_shared>> -> memref<640x64xf32, #tpu.memory_space<vmem_shared>>
      tpu.enqueue_dma source(%dma_start3A_46 : memref<640x64xf32, #tpu.memory_space<vmem_shared>>) target(%dma_start3A_44 : memref<640x64xf32, #tpu.memory_space<hbm>>) target_semaphore(%run_scoped3A : memref<!tpu.dma_semaphore, #tpu.memory_space<semaphore_mem>>)
      %dma_wait3A = arith.constant 0 : i32
      %dma_wait3A_47 = tpu.memref_slice %arg6[%add3A_42, %dma_wait3A] : memref<40960x64xf32, #tpu.memory_space<hbm>> -> memref<640x64xf32, #tpu.memory_space<hbm>>
      %dma_wait3A_48 = arith.constant 0 : i32
      %dma_wait3A_49 = tpu.memref_slice %arg11[%mul3A_0, %dma_wait3A_48] : memref<10240x64xf32, #tpu.memory_space<vmem_shared>> -> memref<640x64xf32, #tpu.memory_space<vmem_shared>>
      tpu.wait_dma2 semaphore(%run_scoped3A : memref<!tpu.dma_semaphore, #tpu.memory_space<semaphore_mem>>) src(%dma_wait3A_49 : memref<640x64xf32, #tpu.memory_space<vmem_shared>>) dst(%dma_wait3A_47 : memref<640x64xf32, #tpu.memory_space<hbm>>)
      tpu.yield
    }) : () -> ()
    return
  }
}

#map = affine_map<(d0, d1) -> (0, 0)>
#map1 = affine_map<(d0, d1) -> (0, 0, 0)>
module attributes {stable_mosaic.version = 14 : i64} {
  func.func @_sc_agg(%arg0: i32, %arg1: i32, %arg2: memref<40960x64xf32, #tpu.memory_space<hbm>>, %arg3: memref<64x160x128xi32, #tpu.memory_space<hbm>>, %arg4: memref<16x160x128xi32, #tpu.memory_space<hbm>>, %arg5: memref<10240x64xf32, #tpu.memory_space<hbm>>, %arg6: memref<40960x64xf32, #tpu.memory_space<hbm>>, %arg7: memref<160x128xi32, #tpu.memory_space<vmem>>, %arg8: memref<160x128xi32, #tpu.memory_space<vmem>>, %arg9: memref<128x64xf32, #tpu.memory_space<vmem>>, %arg10: memref<128x64xf32, #tpu.memory_space<vmem>>, %arg11: memref<10240x64xf32, #tpu.memory_space<vmem_shared>>, %arg12: memref<!tpu.dma_semaphore, #tpu.memory_space<semaphore_mem>>, %arg13: memref<!tpu.dma_semaphore, #tpu.memory_space<semaphore_mem>>) attributes {dimension_semantics = [#tpu.dimension_semantics<core_parallel>, #tpu.dimension_semantics<subcore_parallel>], iteration_bounds = array<i64: 2, 16>, scalar_prefetch = 0 : i64, scratch_operands = 7 : i64, tpu.core_type = #tpu.core_type<sc_vector_subcore>, window_params = [{transform_indices = #map}, {transform_indices = #map1}, {transform_indices = #map1}, {transform_indices = #map}, {transform_indices = #map}]} {
    %mul3A = arith.constant 640 : i32
    %mul3A_0 = arith.muli %arg1, %mul3A : i32
    "tpu.region"() ({
      %run_scoped3A = tpu.sem_alloc : memref<!tpu.dma_semaphore, #tpu.memory_space<semaphore_mem>>
      %dma_start3A_43 = arith.constant 0 : i32
      %dma_start3A_44 = arith.constant 0 : i32
      %dma_start3A_45 = tpu.memref_slice %arg4[%arg1, %dma_start3A_43, %dma_start3A_44] : memref<16x160x128xi32, #tpu.memory_space<hbm>> -> memref<1x160x128xi32, #tpu.memory_space<hbm>>
      %dma_start3A_46 = tpu.memref_squeeze %dma_start3A_45 : memref<1x160x128xi32, #tpu.memory_space<hbm>> -> memref<160x128xi32, #tpu.memory_space<hbm>>
      %dma_start3A_47 = arith.constant 0 : i32
      %dma_start3A_48 = arith.constant 0 : i32
      %dma_start3A_49 = tpu.memref_slice %arg4[%arg1, %dma_start3A_47, %dma_start3A_48] : memref<16x160x128xi32, #tpu.memory_space<hbm>> -> memref<1x160x128xi32, #tpu.memory_space<hbm>>
      %dma_start3A_50 = tpu.memref_squeeze %dma_start3A_49 : memref<1x160x128xi32, #tpu.memory_space<hbm>> -> memref<160x128xi32, #tpu.memory_space<hbm>>
      tpu.enqueue_dma source(%dma_start3A_50 : memref<160x128xi32, #tpu.memory_space<hbm>>) target(%arg8 : memref<160x128xi32, #tpu.memory_space<vmem>>) target_semaphore(%run_scoped3A : memref<!tpu.dma_semaphore, #tpu.memory_space<semaphore_mem>>)
      %dma_wait3A = arith.constant 0 : i32
      %dma_wait3A_51 = arith.constant 0 : i32
      %dma_wait3A_52 = tpu.memref_slice %arg4[%arg1, %dma_wait3A, %dma_wait3A_51] : memref<16x160x128xi32, #tpu.memory_space<hbm>> -> memref<1x160x128xi32, #tpu.memory_space<hbm>>
      %dma_wait3A_53 = tpu.memref_squeeze %dma_wait3A_52 : memref<1x160x128xi32, #tpu.memory_space<hbm>> -> memref<160x128xi32, #tpu.memory_space<hbm>>
      %dma_wait3A_54 = arith.constant 0 : i32
      %dma_wait3A_55 = arith.constant 0 : i32
      %dma_wait3A_56 = tpu.memref_slice %arg4[%arg1, %dma_wait3A_54, %dma_wait3A_55] : memref<16x160x128xi32, #tpu.memory_space<hbm>> -> memref<1x160x128xi32, #tpu.memory_space<hbm>>
      %dma_wait3A_57 = tpu.memref_squeeze %dma_wait3A_56 : memref<1x160x128xi32, #tpu.memory_space<hbm>> -> memref<160x128xi32, #tpu.memory_space<hbm>>
      tpu.wait_dma2 semaphore(%run_scoped3A : memref<!tpu.dma_semaphore, #tpu.memory_space<semaphore_mem>>) src(%dma_wait3A_57 : memref<160x128xi32, #tpu.memory_space<hbm>>) dst(%arg8 : memref<160x128xi32, #tpu.memory_space<vmem>>)
      tpu.yield
    }) : () -> ()
    %add3A = arith.constant 0 : i32
    %add3A_1 = arith.addi %add3A, %arg0 : i32
    %mul3A_2 = arith.constant 16 : i32
    %mul3A_3 = arith.muli %add3A_1, %mul3A_2 : i32
    %add3A_4 = arith.addi %mul3A_3, %arg1 : i32
    "tpu.region"() ({
      %run_scoped3A = tpu.sem_alloc : memref<!tpu.dma_semaphore, #tpu.memory_space<semaphore_mem>>
      %dma_start3A_43 = arith.constant 0 : i32
      %dma_start3A_44 = arith.constant 0 : i32
      %dma_start3A_45 = tpu.memref_slice %arg3[%add3A_4, %dma_start3A_43, %dma_start3A_44] : memref<64x160x128xi32, #tpu.memory_space<hbm>> -> memref<1x160x128xi32, #tpu.memory_space<hbm>>
      %dma_start3A_46 = tpu.memref_squeeze %dma_start3A_45 : memref<1x160x128xi32, #tpu.memory_space<hbm>> -> memref<160x128xi32, #tpu.memory_space<hbm>>
      %dma_start3A_47 = arith.constant 0 : i32
      %dma_start3A_48 = arith.constant 0 : i32
      %dma_start3A_49 = tpu.memref_slice %arg3[%add3A_4, %dma_start3A_47, %dma_start3A_48] : memref<64x160x128xi32, #tpu.memory_space<hbm>> -> memref<1x160x128xi32, #tpu.memory_space<hbm>>
      %dma_start3A_50 = tpu.memref_squeeze %dma_start3A_49 : memref<1x160x128xi32, #tpu.memory_space<hbm>> -> memref<160x128xi32, #tpu.memory_space<hbm>>
      tpu.enqueue_dma source(%dma_start3A_50 : memref<160x128xi32, #tpu.memory_space<hbm>>) target(%arg7 : memref<160x128xi32, #tpu.memory_space<vmem>>) target_semaphore(%run_scoped3A : memref<!tpu.dma_semaphore, #tpu.memory_space<semaphore_mem>>)
      %dma_wait3A = arith.constant 0 : i32
      %dma_wait3A_51 = arith.constant 0 : i32
      %dma_wait3A_52 = tpu.memref_slice %arg3[%add3A_4, %dma_wait3A, %dma_wait3A_51] : memref<64x160x128xi32, #tpu.memory_space<hbm>> -> memref<1x160x128xi32, #tpu.memory_space<hbm>>
      %dma_wait3A_53 = tpu.memref_squeeze %dma_wait3A_52 : memref<1x160x128xi32, #tpu.memory_space<hbm>> -> memref<160x128xi32, #tpu.memory_space<hbm>>
      %dma_wait3A_54 = arith.constant 0 : i32
      %dma_wait3A_55 = arith.constant 0 : i32
      %dma_wait3A_56 = tpu.memref_slice %arg3[%add3A_4, %dma_wait3A_54, %dma_wait3A_55] : memref<64x160x128xi32, #tpu.memory_space<hbm>> -> memref<1x160x128xi32, #tpu.memory_space<hbm>>
      %dma_wait3A_57 = tpu.memref_squeeze %dma_wait3A_56 : memref<1x160x128xi32, #tpu.memory_space<hbm>> -> memref<160x128xi32, #tpu.memory_space<hbm>>
      tpu.wait_dma2 semaphore(%run_scoped3A : memref<!tpu.dma_semaphore, #tpu.memory_space<semaphore_mem>>) src(%dma_wait3A_57 : memref<160x128xi32, #tpu.memory_space<hbm>>) dst(%arg7 : memref<160x128xi32, #tpu.memory_space<vmem>>)
      tpu.yield
    }) : () -> ()
    "tpu.region"() ({
      %run_scoped3A = tpu.sem_alloc : memref<!tpu.dma_semaphore, #tpu.memory_space<semaphore_mem>>
      %dma_start3A_43 = arith.constant 0 : i32
      %dma_start3A_44 = tpu.memref_slice %arg11[%mul3A_0, %dma_start3A_43] : memref<10240x64xf32, #tpu.memory_space<vmem_shared>> -> memref<640x64xf32, #tpu.memory_space<vmem_shared>>
      %dma_start3A_45 = arith.constant 0 : i32
      %dma_start3A_46 = tpu.memref_slice %arg5[%mul3A_0, %dma_start3A_45] : memref<10240x64xf32, #tpu.memory_space<hbm>> -> memref<640x64xf32, #tpu.memory_space<hbm>>
      tpu.enqueue_dma source(%dma_start3A_46 : memref<640x64xf32, #tpu.memory_space<hbm>>) target(%dma_start3A_44 : memref<640x64xf32, #tpu.memory_space<vmem_shared>>) target_semaphore(%run_scoped3A : memref<!tpu.dma_semaphore, #tpu.memory_space<semaphore_mem>>)
      %dma_wait3A = arith.constant 0 : i32
      %dma_wait3A_47 = tpu.memref_slice %arg11[%mul3A_0, %dma_wait3A] : memref<10240x64xf32, #tpu.memory_space<vmem_shared>> -> memref<640x64xf32, #tpu.memory_space<vmem_shared>>
      %dma_wait3A_48 = arith.constant 0 : i32
      %dma_wait3A_49 = tpu.memref_slice %arg5[%mul3A_0, %dma_wait3A_48] : memref<10240x64xf32, #tpu.memory_space<hbm>> -> memref<640x64xf32, #tpu.memory_space<hbm>>
      tpu.wait_dma2 semaphore(%run_scoped3A : memref<!tpu.dma_semaphore, #tpu.memory_space<semaphore_mem>>) src(%dma_wait3A_49 : memref<640x64xf32, #tpu.memory_space<hbm>>) dst(%dma_wait3A_47 : memref<640x64xf32, #tpu.memory_space<vmem_shared>>)
      tpu.yield
    }) : () -> ()
    %barrier3A = arith.constant 0 : index
    tpu.barrier barrier_id(%barrier3A)
    %dma_start3A = arith.constant 0 : i32
    %dma_start3A_5 = arith.constant 0 : i32
    %dma_start3A_6 = tpu.memref_slice %arg7[%dma_start3A, %dma_start3A_5] : memref<160x128xi32, #tpu.memory_space<vmem>> -> memref<1x128xi32, #tpu.memory_space<vmem>>
    %dma_start3A_7 = tpu.memref_squeeze %dma_start3A_6 : memref<1x128xi32, #tpu.memory_space<vmem>> -> memref<128xi32, #tpu.memory_space<vmem>>
    %dma_start3A_8 = arith.constant 0 : i32
    %dma_start3A_9 = arith.constant 0 : i32
    %dma_start3A_10 = tpu.memref_slice %arg2[%dma_start3A_8, %dma_start3A_9] : memref<40960x64xf32, #tpu.memory_space<hbm>> -> memref<40960x64xf32, #tpu.memory_space<hbm>>
    tpu.enqueue_indirect_dma source(%dma_start3A_10 : memref<40960x64xf32, #tpu.memory_space<hbm>>) target(%arg9 : memref<128x64xf32, #tpu.memory_space<vmem>>) offsets(%dma_start3A_7 : memref<128xi32, #tpu.memory_space<vmem>>) semaphore(%arg12 : memref<!tpu.dma_semaphore, #tpu.memory_space<semaphore_mem>>)
    %scan3A = arith.constant 0 : i32
    %scan3A_11 = arith.constant 0 : i32
    %scan3A_12 = arith.constant 80 : i32
    %scan3A_13 = arith.addi %scan3A_11, %scan3A_12 : i32
    %scan3A_14 = arith.constant 1 : i32
    scf.for %scan3A_43 = %scan3A_11 to %scan3A_13 step %scan3A_14  : i32 {
      %mul3A_44 = arith.constant 2 : i32
      %mul3A_45 = arith.muli %mul3A_44, %scan3A_43 : i32
      %add3A_46 = arith.constant 1 : i32
      %add3A_47 = arith.addi %mul3A_45, %add3A_46 : i32
      %dma_start3A_48 = arith.constant 0 : i32
      %dma_start3A_49 = tpu.memref_slice %arg7[%add3A_47, %dma_start3A_48] : memref<160x128xi32, #tpu.memory_space<vmem>> -> memref<1x128xi32, #tpu.memory_space<vmem>>
      %dma_start3A_50 = tpu.memref_squeeze %dma_start3A_49 : memref<1x128xi32, #tpu.memory_space<vmem>> -> memref<128xi32, #tpu.memory_space<vmem>>
      %dma_start3A_51 = arith.constant 0 : i32
      %dma_start3A_52 = arith.constant 0 : i32
      %dma_start3A_53 = tpu.memref_slice %arg2[%dma_start3A_51, %dma_start3A_52] : memref<40960x64xf32, #tpu.memory_space<hbm>> -> memref<40960x64xf32, #tpu.memory_space<hbm>>
      tpu.enqueue_indirect_dma source(%dma_start3A_53 : memref<40960x64xf32, #tpu.memory_space<hbm>>) target(%arg10 : memref<128x64xf32, #tpu.memory_space<vmem>>) offsets(%dma_start3A_50 : memref<128xi32, #tpu.memory_space<vmem>>) semaphore(%arg13 : memref<!tpu.dma_semaphore, #tpu.memory_space<semaphore_mem>>)
      %dma_wait3A = arith.constant 0 : i32
      %dma_wait3A_54 = tpu.memref_slice %arg7[%mul3A_45, %dma_wait3A] : memref<160x128xi32, #tpu.memory_space<vmem>> -> memref<1x128xi32, #tpu.memory_space<vmem>>
      %dma_wait3A_55 = tpu.memref_squeeze %dma_wait3A_54 : memref<1x128xi32, #tpu.memory_space<vmem>> -> memref<128xi32, #tpu.memory_space<vmem>>
      %dma_wait3A_56 = arith.constant 0 : i32
      %dma_wait3A_57 = arith.constant 0 : i32
      %dma_wait3A_58 = tpu.memref_slice %arg2[%dma_wait3A_56, %dma_wait3A_57] : memref<40960x64xf32, #tpu.memory_space<hbm>> -> memref<40960x64xf32, #tpu.memory_space<hbm>>
      tpu.wait_indirect_dma semaphore(%arg12 : memref<!tpu.dma_semaphore, #tpu.memory_space<semaphore_mem>>) src(%dma_wait3A_58 : memref<40960x64xf32, #tpu.memory_space<hbm>>) dst(%arg9 : memref<128x64xf32, #tpu.memory_space<vmem>>)
      "tpu.region"() ({
        %run_scoped3A = tpu.sem_alloc : memref<!tpu.dma_semaphore, #tpu.memory_space<semaphore_mem>>
        %dma_start3A_73 = arith.constant 0 : i32
        %dma_start3A_74 = tpu.memref_slice %arg8[%mul3A_45, %dma_start3A_73] : memref<160x128xi32, #tpu.memory_space<vmem>> -> memref<1x128xi32, #tpu.memory_space<vmem>>
        %dma_start3A_75 = tpu.memref_squeeze %dma_start3A_74 : memref<1x128xi32, #tpu.memory_space<vmem>> -> memref<128xi32, #tpu.memory_space<vmem>>
        %dma_start3A_76 = arith.constant 0 : i32
        %dma_start3A_77 = arith.constant 0 : i32
        %dma_start3A_78 = tpu.memref_slice %arg11[%dma_start3A_76, %dma_start3A_77] : memref<10240x64xf32, #tpu.memory_space<vmem_shared>> -> memref<10240x64xf32, #tpu.memory_space<vmem_shared>>
        tpu.enqueue_indirect_dma source(%arg9 : memref<128x64xf32, #tpu.memory_space<vmem>>) target(%dma_start3A_78 : memref<10240x64xf32, #tpu.memory_space<vmem_shared>>) offsets(%dma_start3A_75 : memref<128xi32, #tpu.memory_space<vmem>>) semaphore(%run_scoped3A : memref<!tpu.dma_semaphore, #tpu.memory_space<semaphore_mem>>) {add = true}
        %dma_wait3A_79 = arith.constant 0 : i32
        %dma_wait3A_80 = tpu.memref_slice %arg8[%mul3A_45, %dma_wait3A_79] : memref<160x128xi32, #tpu.memory_space<vmem>> -> memref<1x128xi32, #tpu.memory_space<vmem>>
        %dma_wait3A_81 = tpu.memref_squeeze %dma_wait3A_80 : memref<1x128xi32, #tpu.memory_space<vmem>> -> memref<128xi32, #tpu.memory_space<vmem>>
        %dma_wait3A_82 = arith.constant 0 : i32
        %dma_wait3A_83 = arith.constant 0 : i32
        %dma_wait3A_84 = tpu.memref_slice %arg11[%dma_wait3A_82, %dma_wait3A_83] : memref<10240x64xf32, #tpu.memory_space<vmem_shared>> -> memref<10240x64xf32, #tpu.memory_space<vmem_shared>>
        tpu.wait_indirect_dma semaphore(%run_scoped3A : memref<!tpu.dma_semaphore, #tpu.memory_space<semaphore_mem>>) src(%arg9 : memref<128x64xf32, #tpu.memory_space<vmem>>) dst(%dma_wait3A_84 : memref<10240x64xf32, #tpu.memory_space<vmem_shared>>)
        tpu.yield
      }) : () -> ()
      %add3A_59 = arith.constant 2 : i32
      %add3A_60 = arith.addi %mul3A_45, %add3A_59 : i32
      %lt3A = arith.constant 160 : i32
      %lt3A_61 = arith.cmpi slt, %add3A_60, %lt3A : i32
      %convert_element_type3A = arith.extui %lt3A_61 : i1 to i32
      %cond3A = arith.constant 0 : i32
      %cond3A_62 = arith.cmpi ne, %convert_element_type3A, %cond3A : i32
      scf.if %cond3A_62 {
        %add3A_73 = arith.constant 2 : i32
        %add3A_74 = arith.addi %mul3A_45, %add3A_73 : i32
        %dma_start3A_75 = arith.constant 0 : i32
        %dma_start3A_76 = tpu.memref_slice %arg7[%add3A_74, %dma_start3A_75] : memref<160x128xi32, #tpu.memory_space<vmem>> -> memref<1x128xi32, #tpu.memory_space<vmem>>
        %dma_start3A_77 = tpu.memref_squeeze %dma_start3A_76 : memref<1x128xi32, #tpu.memory_space<vmem>> -> memref<128xi32, #tpu.memory_space<vmem>>
        %dma_start3A_78 = arith.constant 0 : i32
        %dma_start3A_79 = arith.constant 0 : i32
        %dma_start3A_80 = tpu.memref_slice %arg2[%dma_start3A_78, %dma_start3A_79] : memref<40960x64xf32, #tpu.memory_space<hbm>> -> memref<40960x64xf32, #tpu.memory_space<hbm>>
        tpu.enqueue_indirect_dma source(%dma_start3A_80 : memref<40960x64xf32, #tpu.memory_space<hbm>>) target(%arg9 : memref<128x64xf32, #tpu.memory_space<vmem>>) offsets(%dma_start3A_77 : memref<128xi32, #tpu.memory_space<vmem>>) semaphore(%arg12 : memref<!tpu.dma_semaphore, #tpu.memory_space<semaphore_mem>>)
      } else {
      }
      %add3A_63 = arith.constant 1 : i32
      %add3A_64 = arith.addi %mul3A_45, %add3A_63 : i32
      %dma_wait3A_65 = arith.constant 0 : i32
      %dma_wait3A_66 = tpu.memref_slice %arg7[%add3A_64, %dma_wait3A_65] : memref<160x128xi32, #tpu.memory_space<vmem>> -> memref<1x128xi32, #tpu.memory_space<vmem>>
      %dma_wait3A_67 = tpu.memref_squeeze %dma_wait3A_66 : memref<1x128xi32, #tpu.memory_space<vmem>> -> memref<128xi32, #tpu.memory_space<vmem>>
      %dma_wait3A_68 = arith.constant 0 : i32
      %dma_wait3A_69 = arith.constant 0 : i32
      %dma_wait3A_70 = tpu.memref_slice %arg2[%dma_wait3A_68, %dma_wait3A_69] : memref<40960x64xf32, #tpu.memory_space<hbm>> -> memref<40960x64xf32, #tpu.memory_space<hbm>>
      tpu.wait_indirect_dma semaphore(%arg13 : memref<!tpu.dma_semaphore, #tpu.memory_space<semaphore_mem>>) src(%dma_wait3A_70 : memref<40960x64xf32, #tpu.memory_space<hbm>>) dst(%arg10 : memref<128x64xf32, #tpu.memory_space<vmem>>)
      %add3A_71 = arith.constant 1 : i32
      %add3A_72 = arith.addi %mul3A_45, %add3A_71 : i32
      "tpu.region"() ({
        %run_scoped3A = tpu.sem_alloc : memref<!tpu.dma_semaphore, #tpu.memory_space<semaphore_mem>>
        %dma_start3A_73 = arith.constant 0 : i32
        %dma_start3A_74 = tpu.memref_slice %arg8[%add3A_72, %dma_start3A_73] : memref<160x128xi32, #tpu.memory_space<vmem>> -> memref<1x128xi32, #tpu.memory_space<vmem>>
        %dma_start3A_75 = tpu.memref_squeeze %dma_start3A_74 : memref<1x128xi32, #tpu.memory_space<vmem>> -> memref<128xi32, #tpu.memory_space<vmem>>
        %dma_start3A_76 = arith.constant 0 : i32
        %dma_start3A_77 = arith.constant 0 : i32
        %dma_start3A_78 = tpu.memref_slice %arg11[%dma_start3A_76, %dma_start3A_77] : memref<10240x64xf32, #tpu.memory_space<vmem_shared>> -> memref<10240x64xf32, #tpu.memory_space<vmem_shared>>
        tpu.enqueue_indirect_dma source(%arg10 : memref<128x64xf32, #tpu.memory_space<vmem>>) target(%dma_start3A_78 : memref<10240x64xf32, #tpu.memory_space<vmem_shared>>) offsets(%dma_start3A_75 : memref<128xi32, #tpu.memory_space<vmem>>) semaphore(%run_scoped3A : memref<!tpu.dma_semaphore, #tpu.memory_space<semaphore_mem>>) {add = true}
        %dma_wait3A_79 = arith.constant 0 : i32
        %dma_wait3A_80 = tpu.memref_slice %arg8[%add3A_72, %dma_wait3A_79] : memref<160x128xi32, #tpu.memory_space<vmem>> -> memref<1x128xi32, #tpu.memory_space<vmem>>
        %dma_wait3A_81 = tpu.memref_squeeze %dma_wait3A_80 : memref<1x128xi32, #tpu.memory_space<vmem>> -> memref<128xi32, #tpu.memory_space<vmem>>
        %dma_wait3A_82 = arith.constant 0 : i32
        %dma_wait3A_83 = arith.constant 0 : i32
        %dma_wait3A_84 = tpu.memref_slice %arg11[%dma_wait3A_82, %dma_wait3A_83] : memref<10240x64xf32, #tpu.memory_space<vmem_shared>> -> memref<10240x64xf32, #tpu.memory_space<vmem_shared>>
        tpu.wait_indirect_dma semaphore(%run_scoped3A : memref<!tpu.dma_semaphore, #tpu.memory_space<semaphore_mem>>) src(%arg10 : memref<128x64xf32, #tpu.memory_space<vmem>>) dst(%dma_wait3A_84 : memref<10240x64xf32, #tpu.memory_space<vmem_shared>>)
        tpu.yield
      }) : () -> ()
    }
    %scan3A_15 = arith.constant 80 : i32
    %barrier3A_16 = arith.constant 0 : index
    tpu.barrier barrier_id(%barrier3A_16)
    %mul3A_17 = arith.constant 10240 : i32
    %mul3A_18 = arith.muli %add3A_1, %mul3A_17 : i32
    %add3A_19 = arith.addi %mul3A_18, %mul3A_0 : i32
    "tpu.region"() ({
      %run_scoped3A = tpu.sem_alloc : memref<!tpu.dma_semaphore, #tpu.memory_space<semaphore_mem>>
      %dma_start3A_43 = arith.constant 0 : i32
      %dma_start3A_44 = tpu.memref_slice %arg6[%add3A_19, %dma_start3A_43] : memref<40960x64xf32, #tpu.memory_space<hbm>> -> memref<640x64xf32, #tpu.memory_space<hbm>>
      %dma_start3A_45 = arith.constant 0 : i32
      %dma_start3A_46 = tpu.memref_slice %arg11[%mul3A_0, %dma_start3A_45] : memref<10240x64xf32, #tpu.memory_space<vmem_shared>> -> memref<640x64xf32, #tpu.memory_space<vmem_shared>>
      tpu.enqueue_dma source(%dma_start3A_46 : memref<640x64xf32, #tpu.memory_space<vmem_shared>>) target(%dma_start3A_44 : memref<640x64xf32, #tpu.memory_space<hbm>>) target_semaphore(%run_scoped3A : memref<!tpu.dma_semaphore, #tpu.memory_space<semaphore_mem>>)
      %dma_wait3A = arith.constant 0 : i32
      %dma_wait3A_47 = tpu.memref_slice %arg6[%add3A_19, %dma_wait3A] : memref<40960x64xf32, #tpu.memory_space<hbm>> -> memref<640x64xf32, #tpu.memory_space<hbm>>
      %dma_wait3A_48 = arith.constant 0 : i32
      %dma_wait3A_49 = tpu.memref_slice %arg11[%mul3A_0, %dma_wait3A_48] : memref<10240x64xf32, #tpu.memory_space<vmem_shared>> -> memref<640x64xf32, #tpu.memory_space<vmem_shared>>
      tpu.wait_dma2 semaphore(%run_scoped3A : memref<!tpu.dma_semaphore, #tpu.memory_space<semaphore_mem>>) src(%dma_wait3A_49 : memref<640x64xf32, #tpu.memory_space<vmem_shared>>) dst(%dma_wait3A_47 : memref<640x64xf32, #tpu.memory_space<hbm>>)
      tpu.yield
    }) : () -> ()
    %add3A_20 = arith.constant 2 : i32
    %add3A_21 = arith.addi %add3A_20, %arg0 : i32
    %mul3A_22 = arith.constant 16 : i32
    %mul3A_23 = arith.muli %add3A_21, %mul3A_22 : i32
    %add3A_24 = arith.addi %mul3A_23, %arg1 : i32
    "tpu.region"() ({
      %run_scoped3A = tpu.sem_alloc : memref<!tpu.dma_semaphore, #tpu.memory_space<semaphore_mem>>
      %dma_start3A_43 = arith.constant 0 : i32
      %dma_start3A_44 = arith.constant 0 : i32
      %dma_start3A_45 = tpu.memref_slice %arg3[%add3A_24, %dma_start3A_43, %dma_start3A_44] : memref<64x160x128xi32, #tpu.memory_space<hbm>> -> memref<1x160x128xi32, #tpu.memory_space<hbm>>
      %dma_start3A_46 = tpu.memref_squeeze %dma_start3A_45 : memref<1x160x128xi32, #tpu.memory_space<hbm>> -> memref<160x128xi32, #tpu.memory_space<hbm>>
      %dma_start3A_47 = arith.constant 0 : i32
      %dma_start3A_48 = arith.constant 0 : i32
      %dma_start3A_49 = tpu.memref_slice %arg3[%add3A_24, %dma_start3A_47, %dma_start3A_48] : memref<64x160x128xi32, #tpu.memory_space<hbm>> -> memref<1x160x128xi32, #tpu.memory_space<hbm>>
      %dma_start3A_50 = tpu.memref_squeeze %dma_start3A_49 : memref<1x160x128xi32, #tpu.memory_space<hbm>> -> memref<160x128xi32, #tpu.memory_space<hbm>>
      tpu.enqueue_dma source(%dma_start3A_50 : memref<160x128xi32, #tpu.memory_space<hbm>>) target(%arg7 : memref<160x128xi32, #tpu.memory_space<vmem>>) target_semaphore(%run_scoped3A : memref<!tpu.dma_semaphore, #tpu.memory_space<semaphore_mem>>)
      %dma_wait3A = arith.constant 0 : i32
      %dma_wait3A_51 = arith.constant 0 : i32
      %dma_wait3A_52 = tpu.memref_slice %arg3[%add3A_24, %dma_wait3A, %dma_wait3A_51] : memref<64x160x128xi32, #tpu.memory_space<hbm>> -> memref<1x160x128xi32, #tpu.memory_space<hbm>>
      %dma_wait3A_53 = tpu.memref_squeeze %dma_wait3A_52 : memref<1x160x128xi32, #tpu.memory_space<hbm>> -> memref<160x128xi32, #tpu.memory_space<hbm>>
      %dma_wait3A_54 = arith.constant 0 : i32
      %dma_wait3A_55 = arith.constant 0 : i32
      %dma_wait3A_56 = tpu.memref_slice %arg3[%add3A_24, %dma_wait3A_54, %dma_wait3A_55] : memref<64x160x128xi32, #tpu.memory_space<hbm>> -> memref<1x160x128xi32, #tpu.memory_space<hbm>>
      %dma_wait3A_57 = tpu.memref_squeeze %dma_wait3A_56 : memref<1x160x128xi32, #tpu.memory_space<hbm>> -> memref<160x128xi32, #tpu.memory_space<hbm>>
      tpu.wait_dma2 semaphore(%run_scoped3A : memref<!tpu.dma_semaphore, #tpu.memory_space<semaphore_mem>>) src(%dma_wait3A_57 : memref<160x128xi32, #tpu.memory_space<hbm>>) dst(%arg7 : memref<160x128xi32, #tpu.memory_space<vmem>>)
      tpu.yield
    }) : () -> ()
    "tpu.region"() ({
      %run_scoped3A = tpu.sem_alloc : memref<!tpu.dma_semaphore, #tpu.memory_space<semaphore_mem>>
      %dma_start3A_43 = arith.constant 0 : i32
      %dma_start3A_44 = tpu.memref_slice %arg11[%mul3A_0, %dma_start3A_43] : memref<10240x64xf32, #tpu.memory_space<vmem_shared>> -> memref<640x64xf32, #tpu.memory_space<vmem_shared>>
      %dma_start3A_45 = arith.constant 0 : i32
      %dma_start3A_46 = tpu.memref_slice %arg5[%mul3A_0, %dma_start3A_45] : memref<10240x64xf32, #tpu.memory_space<hbm>> -> memref<640x64xf32, #tpu.memory_space<hbm>>
      tpu.enqueue_dma source(%dma_start3A_46 : memref<640x64xf32, #tpu.memory_space<hbm>>) target(%dma_start3A_44 : memref<640x64xf32, #tpu.memory_space<vmem_shared>>) target_semaphore(%run_scoped3A : memref<!tpu.dma_semaphore, #tpu.memory_space<semaphore_mem>>)
      %dma_wait3A = arith.constant 0 : i32
      %dma_wait3A_47 = tpu.memref_slice %arg11[%mul3A_0, %dma_wait3A] : memref<10240x64xf32, #tpu.memory_space<vmem_shared>> -> memref<640x64xf32, #tpu.memory_space<vmem_shared>>
      %dma_wait3A_48 = arith.constant 0 : i32
      %dma_wait3A_49 = tpu.memref_slice %arg5[%mul3A_0, %dma_wait3A_48] : memref<10240x64xf32, #tpu.memory_space<hbm>> -> memref<640x64xf32, #tpu.memory_space<hbm>>
      tpu.wait_dma2 semaphore(%run_scoped3A : memref<!tpu.dma_semaphore, #tpu.memory_space<semaphore_mem>>) src(%dma_wait3A_49 : memref<640x64xf32, #tpu.memory_space<hbm>>) dst(%dma_wait3A_47 : memref<640x64xf32, #tpu.memory_space<vmem_shared>>)
      tpu.yield
    }) : () -> ()
    %barrier3A_25 = arith.constant 0 : index
    tpu.barrier barrier_id(%barrier3A_25)
    %dma_start3A_26 = arith.constant 0 : i32
    %dma_start3A_27 = arith.constant 0 : i32
    %dma_start3A_28 = tpu.memref_slice %arg7[%dma_start3A_26, %dma_start3A_27] : memref<160x128xi32, #tpu.memory_space<vmem>> -> memref<1x128xi32, #tpu.memory_space<vmem>>
    %dma_start3A_29 = tpu.memref_squeeze %dma_start3A_28 : memref<1x128xi32, #tpu.memory_space<vmem>> -> memref<128xi32, #tpu.memory_space<vmem>>
    %dma_start3A_30 = arith.constant 0 : i32
    %dma_start3A_31 = arith.constant 0 : i32
    %dma_start3A_32 = tpu.memref_slice %arg2[%dma_start3A_30, %dma_start3A_31] : memref<40960x64xf32, #tpu.memory_space<hbm>> -> memref<40960x64xf32, #tpu.memory_space<hbm>>
    tpu.enqueue_indirect_dma source(%dma_start3A_32 : memref<40960x64xf32, #tpu.memory_space<hbm>>) target(%arg9 : memref<128x64xf32, #tpu.memory_space<vmem>>) offsets(%dma_start3A_29 : memref<128xi32, #tpu.memory_space<vmem>>) semaphore(%arg12 : memref<!tpu.dma_semaphore, #tpu.memory_space<semaphore_mem>>)
    %scan3A_33 = arith.constant 0 : i32
    %scan3A_34 = arith.constant 0 : i32
    %scan3A_35 = arith.constant 80 : i32
    %scan3A_36 = arith.addi %scan3A_34, %scan3A_35 : i32
    %scan3A_37 = arith.constant 1 : i32
    scf.for %scan3A_43 = %scan3A_34 to %scan3A_36 step %scan3A_37  : i32 {
      %mul3A_44 = arith.constant 2 : i32
      %mul3A_45 = arith.muli %mul3A_44, %scan3A_43 : i32
      %add3A_46 = arith.constant 1 : i32
      %add3A_47 = arith.addi %mul3A_45, %add3A_46 : i32
      %dma_start3A_48 = arith.constant 0 : i32
      %dma_start3A_49 = tpu.memref_slice %arg7[%add3A_47, %dma_start3A_48] : memref<160x128xi32, #tpu.memory_space<vmem>> -> memref<1x128xi32, #tpu.memory_space<vmem>>
      %dma_start3A_50 = tpu.memref_squeeze %dma_start3A_49 : memref<1x128xi32, #tpu.memory_space<vmem>> -> memref<128xi32, #tpu.memory_space<vmem>>
      %dma_start3A_51 = arith.constant 0 : i32
      %dma_start3A_52 = arith.constant 0 : i32
      %dma_start3A_53 = tpu.memref_slice %arg2[%dma_start3A_51, %dma_start3A_52] : memref<40960x64xf32, #tpu.memory_space<hbm>> -> memref<40960x64xf32, #tpu.memory_space<hbm>>
      tpu.enqueue_indirect_dma source(%dma_start3A_53 : memref<40960x64xf32, #tpu.memory_space<hbm>>) target(%arg10 : memref<128x64xf32, #tpu.memory_space<vmem>>) offsets(%dma_start3A_50 : memref<128xi32, #tpu.memory_space<vmem>>) semaphore(%arg13 : memref<!tpu.dma_semaphore, #tpu.memory_space<semaphore_mem>>)
      %dma_wait3A = arith.constant 0 : i32
      %dma_wait3A_54 = tpu.memref_slice %arg7[%mul3A_45, %dma_wait3A] : memref<160x128xi32, #tpu.memory_space<vmem>> -> memref<1x128xi32, #tpu.memory_space<vmem>>
      %dma_wait3A_55 = tpu.memref_squeeze %dma_wait3A_54 : memref<1x128xi32, #tpu.memory_space<vmem>> -> memref<128xi32, #tpu.memory_space<vmem>>
      %dma_wait3A_56 = arith.constant 0 : i32
      %dma_wait3A_57 = arith.constant 0 : i32
      %dma_wait3A_58 = tpu.memref_slice %arg2[%dma_wait3A_56, %dma_wait3A_57] : memref<40960x64xf32, #tpu.memory_space<hbm>> -> memref<40960x64xf32, #tpu.memory_space<hbm>>
      tpu.wait_indirect_dma semaphore(%arg12 : memref<!tpu.dma_semaphore, #tpu.memory_space<semaphore_mem>>) src(%dma_wait3A_58 : memref<40960x64xf32, #tpu.memory_space<hbm>>) dst(%arg9 : memref<128x64xf32, #tpu.memory_space<vmem>>)
      "tpu.region"() ({
        %run_scoped3A = tpu.sem_alloc : memref<!tpu.dma_semaphore, #tpu.memory_space<semaphore_mem>>
        %dma_start3A_73 = arith.constant 0 : i32
        %dma_start3A_74 = tpu.memref_slice %arg8[%mul3A_45, %dma_start3A_73] : memref<160x128xi32, #tpu.memory_space<vmem>> -> memref<1x128xi32, #tpu.memory_space<vmem>>
        %dma_start3A_75 = tpu.memref_squeeze %dma_start3A_74 : memref<1x128xi32, #tpu.memory_space<vmem>> -> memref<128xi32, #tpu.memory_space<vmem>>
        %dma_start3A_76 = arith.constant 0 : i32
        %dma_start3A_77 = arith.constant 0 : i32
        %dma_start3A_78 = tpu.memref_slice %arg11[%dma_start3A_76, %dma_start3A_77] : memref<10240x64xf32, #tpu.memory_space<vmem_shared>> -> memref<10240x64xf32, #tpu.memory_space<vmem_shared>>
        tpu.enqueue_indirect_dma source(%arg9 : memref<128x64xf32, #tpu.memory_space<vmem>>) target(%dma_start3A_78 : memref<10240x64xf32, #tpu.memory_space<vmem_shared>>) offsets(%dma_start3A_75 : memref<128xi32, #tpu.memory_space<vmem>>) semaphore(%run_scoped3A : memref<!tpu.dma_semaphore, #tpu.memory_space<semaphore_mem>>) {add = true}
        %dma_wait3A_79 = arith.constant 0 : i32
        %dma_wait3A_80 = tpu.memref_slice %arg8[%mul3A_45, %dma_wait3A_79] : memref<160x128xi32, #tpu.memory_space<vmem>> -> memref<1x128xi32, #tpu.memory_space<vmem>>
        %dma_wait3A_81 = tpu.memref_squeeze %dma_wait3A_80 : memref<1x128xi32, #tpu.memory_space<vmem>> -> memref<128xi32, #tpu.memory_space<vmem>>
        %dma_wait3A_82 = arith.constant 0 : i32
        %dma_wait3A_83 = arith.constant 0 : i32
        %dma_wait3A_84 = tpu.memref_slice %arg11[%dma_wait3A_82, %dma_wait3A_83] : memref<10240x64xf32, #tpu.memory_space<vmem_shared>> -> memref<10240x64xf32, #tpu.memory_space<vmem_shared>>
        tpu.wait_indirect_dma semaphore(%run_scoped3A : memref<!tpu.dma_semaphore, #tpu.memory_space<semaphore_mem>>) src(%arg9 : memref<128x64xf32, #tpu.memory_space<vmem>>) dst(%dma_wait3A_84 : memref<10240x64xf32, #tpu.memory_space<vmem_shared>>)
        tpu.yield
      }) : () -> ()
      %add3A_59 = arith.constant 2 : i32
      %add3A_60 = arith.addi %mul3A_45, %add3A_59 : i32
      %lt3A = arith.constant 160 : i32
      %lt3A_61 = arith.cmpi slt, %add3A_60, %lt3A : i32
      %convert_element_type3A = arith.extui %lt3A_61 : i1 to i32
      %cond3A = arith.constant 0 : i32
      %cond3A_62 = arith.cmpi ne, %convert_element_type3A, %cond3A : i32
      scf.if %cond3A_62 {
        %add3A_73 = arith.constant 2 : i32
        %add3A_74 = arith.addi %mul3A_45, %add3A_73 : i32
        %dma_start3A_75 = arith.constant 0 : i32
        %dma_start3A_76 = tpu.memref_slice %arg7[%add3A_74, %dma_start3A_75] : memref<160x128xi32, #tpu.memory_space<vmem>> -> memref<1x128xi32, #tpu.memory_space<vmem>>
        %dma_start3A_77 = tpu.memref_squeeze %dma_start3A_76 : memref<1x128xi32, #tpu.memory_space<vmem>> -> memref<128xi32, #tpu.memory_space<vmem>>
        %dma_start3A_78 = arith.constant 0 : i32
        %dma_start3A_79 = arith.constant 0 : i32
        %dma_start3A_80 = tpu.memref_slice %arg2[%dma_start3A_78, %dma_start3A_79] : memref<40960x64xf32, #tpu.memory_space<hbm>> -> memref<40960x64xf32, #tpu.memory_space<hbm>>
        tpu.enqueue_indirect_dma source(%dma_start3A_80 : memref<40960x64xf32, #tpu.memory_space<hbm>>) target(%arg9 : memref<128x64xf32, #tpu.memory_space<vmem>>) offsets(%dma_start3A_77 : memref<128xi32, #tpu.memory_space<vmem>>) semaphore(%arg12 : memref<!tpu.dma_semaphore, #tpu.memory_space<semaphore_mem>>)
      } else {
      }
      %add3A_63 = arith.constant 1 : i32
      %add3A_64 = arith.addi %mul3A_45, %add3A_63 : i32
      %dma_wait3A_65 = arith.constant 0 : i32
      %dma_wait3A_66 = tpu.memref_slice %arg7[%add3A_64, %dma_wait3A_65] : memref<160x128xi32, #tpu.memory_space<vmem>> -> memref<1x128xi32, #tpu.memory_space<vmem>>
      %dma_wait3A_67 = tpu.memref_squeeze %dma_wait3A_66 : memref<1x128xi32, #tpu.memory_space<vmem>> -> memref<128xi32, #tpu.memory_space<vmem>>
      %dma_wait3A_68 = arith.constant 0 : i32
      %dma_wait3A_69 = arith.constant 0 : i32
      %dma_wait3A_70 = tpu.memref_slice %arg2[%dma_wait3A_68, %dma_wait3A_69] : memref<40960x64xf32, #tpu.memory_space<hbm>> -> memref<40960x64xf32, #tpu.memory_space<hbm>>
      tpu.wait_indirect_dma semaphore(%arg13 : memref<!tpu.dma_semaphore, #tpu.memory_space<semaphore_mem>>) src(%dma_wait3A_70 : memref<40960x64xf32, #tpu.memory_space<hbm>>) dst(%arg10 : memref<128x64xf32, #tpu.memory_space<vmem>>)
      %add3A_71 = arith.constant 1 : i32
      %add3A_72 = arith.addi %mul3A_45, %add3A_71 : i32
      "tpu.region"() ({
        %run_scoped3A = tpu.sem_alloc : memref<!tpu.dma_semaphore, #tpu.memory_space<semaphore_mem>>
        %dma_start3A_73 = arith.constant 0 : i32
        %dma_start3A_74 = tpu.memref_slice %arg8[%add3A_72, %dma_start3A_73] : memref<160x128xi32, #tpu.memory_space<vmem>> -> memref<1x128xi32, #tpu.memory_space<vmem>>
        %dma_start3A_75 = tpu.memref_squeeze %dma_start3A_74 : memref<1x128xi32, #tpu.memory_space<vmem>> -> memref<128xi32, #tpu.memory_space<vmem>>
        %dma_start3A_76 = arith.constant 0 : i32
        %dma_start3A_77 = arith.constant 0 : i32
        %dma_start3A_78 = tpu.memref_slice %arg11[%dma_start3A_76, %dma_start3A_77] : memref<10240x64xf32, #tpu.memory_space<vmem_shared>> -> memref<10240x64xf32, #tpu.memory_space<vmem_shared>>
        tpu.enqueue_indirect_dma source(%arg10 : memref<128x64xf32, #tpu.memory_space<vmem>>) target(%dma_start3A_78 : memref<10240x64xf32, #tpu.memory_space<vmem_shared>>) offsets(%dma_start3A_75 : memref<128xi32, #tpu.memory_space<vmem>>) semaphore(%run_scoped3A : memref<!tpu.dma_semaphore, #tpu.memory_space<semaphore_mem>>) {add = true}
        %dma_wait3A_79 = arith.constant 0 : i32
        %dma_wait3A_80 = tpu.memref_slice %arg8[%add3A_72, %dma_wait3A_79] : memref<160x128xi32, #tpu.memory_space<vmem>> -> memref<1x128xi32, #tpu.memory_space<vmem>>
        %dma_wait3A_81 = tpu.memref_squeeze %dma_wait3A_80 : memref<1x128xi32, #tpu.memory_space<vmem>> -> memref<128xi32, #tpu.memory_space<vmem>>
        %dma_wait3A_82 = arith.constant 0 : i32
        %dma_wait3A_83 = arith.constant 0 : i32
        %dma_wait3A_84 = tpu.memref_slice %arg11[%dma_wait3A_82, %dma_wait3A_83] : memref<10240x64xf32, #tpu.memory_space<vmem_shared>> -> memref<10240x64xf32, #tpu.memory_space<vmem_shared>>
        tpu.wait_indirect_dma semaphore(%run_scoped3A : memref<!tpu.dma_semaphore, #tpu.memory_space<semaphore_mem>>) src(%arg10 : memref<128x64xf32, #tpu.memory_space<vmem>>) dst(%dma_wait3A_84 : memref<10240x64xf32, #tpu.memory_space<vmem_shared>>)
        tpu.yield
      }) : () -> ()
    }
    %scan3A_38 = arith.constant 80 : i32
    %barrier3A_39 = arith.constant 0 : index
    tpu.barrier barrier_id(%barrier3A_39)
    %mul3A_40 = arith.constant 10240 : i32
    %mul3A_41 = arith.muli %add3A_21, %mul3A_40 : i32
    %add3A_42 = arith.addi %mul3A_41, %mul3A_0 : i32
    "tpu.region"() ({
      %run_scoped3A = tpu.sem_alloc : memref<!tpu.dma_semaphore, #tpu.memory_space<semaphore_mem>>
      %dma_start3A_43 = arith.constant 0 : i32
      %dma_start3A_44 = tpu.memref_slice %arg6[%add3A_42, %dma_start3A_43] : memref<40960x64xf32, #tpu.memory_space<hbm>> -> memref<640x64xf32, #tpu.memory_space<hbm>>
      %dma_start3A_45 = arith.constant 0 : i32
      %dma_start3A_46 = tpu.memref_slice %arg11[%mul3A_0, %dma_start3A_45] : memref<10240x64xf32, #tpu.memory_space<vmem_shared>> -> memref<640x64xf32, #tpu.memory_space<vmem_shared>>
      tpu.enqueue_dma source(%dma_start3A_46 : memref<640x64xf32, #tpu.memory_space<vmem_shared>>) target(%dma_start3A_44 : memref<640x64xf32, #tpu.memory_space<hbm>>) target_semaphore(%run_scoped3A : memref<!tpu.dma_semaphore, #tpu.memory_space<semaphore_mem>>)
      %dma_wait3A = arith.constant 0 : i32
      %dma_wait3A_47 = tpu.memref_slice %arg6[%add3A_42, %dma_wait3A] : memref<40960x64xf32, #tpu.memory_space<hbm>> -> memref<640x64xf32, #tpu.memory_space<hbm>>
      %dma_wait3A_48 = arith.constant 0 : i32
      %dma_wait3A_49 = tpu.memref_slice %arg11[%mul3A_0, %dma_wait3A_48] : memref<10240x64xf32, #tpu.memory_space<vmem_shared>> -> memref<640x64xf32, #tpu.memory_space<vmem_shared>>
      tpu.wait_dma2 semaphore(%run_scoped3A : memref<!tpu.dma_semaphore, #tpu.memory_space<semaphore_mem>>) src(%dma_wait3A_49 : memref<640x64xf32, #tpu.memory_space<vmem_shared>>) dst(%dma_wait3A_47 : memref<640x64xf32, #tpu.memory_space<hbm>>)
      tpu.yield
    }) : () -> ()
    return
  }
}

#map = affine_map<(d0, d1) -> (0, 0)>
#map1 = affine_map<(d0, d1) -> (0, 0, 0)>
module attributes {stable_mosaic.version = 14 : i64} {
  func.func @_sc_agg(%arg0: i32, %arg1: i32, %arg2: memref<40960x64xf32, #tpu.memory_space<hbm>>, %arg3: memref<64x160x128xi32, #tpu.memory_space<hbm>>, %arg4: memref<16x160x128xi32, #tpu.memory_space<hbm>>, %arg5: memref<10240x64xf32, #tpu.memory_space<hbm>>, %arg6: memref<40960x64xf32, #tpu.memory_space<hbm>>, %arg7: memref<160x128xi32, #tpu.memory_space<vmem>>, %arg8: memref<160x128xi32, #tpu.memory_space<vmem>>, %arg9: memref<128x64xf32, #tpu.memory_space<vmem>>, %arg10: memref<128x64xf32, #tpu.memory_space<vmem>>, %arg11: memref<10240x64xf32, #tpu.memory_space<vmem_shared>>, %arg12: memref<!tpu.dma_semaphore, #tpu.memory_space<semaphore_mem>>, %arg13: memref<!tpu.dma_semaphore, #tpu.memory_space<semaphore_mem>>) attributes {dimension_semantics = [#tpu.dimension_semantics<core_parallel>, #tpu.dimension_semantics<subcore_parallel>], iteration_bounds = array<i64: 2, 16>, scalar_prefetch = 0 : i64, scratch_operands = 7 : i64, tpu.core_type = #tpu.core_type<sc_vector_subcore>, window_params = [{transform_indices = #map}, {transform_indices = #map1}, {transform_indices = #map1}, {transform_indices = #map}, {transform_indices = #map}]} {
    %mul3A = arith.constant 640 : i32
    %mul3A_0 = arith.muli %arg1, %mul3A : i32
    "tpu.region"() ({
      %run_scoped3A = tpu.sem_alloc : memref<!tpu.dma_semaphore, #tpu.memory_space<semaphore_mem>>
      %dma_start3A_43 = arith.constant 0 : i32
      %dma_start3A_44 = arith.constant 0 : i32
      %dma_start3A_45 = tpu.memref_slice %arg4[%arg1, %dma_start3A_43, %dma_start3A_44] : memref<16x160x128xi32, #tpu.memory_space<hbm>> -> memref<1x160x128xi32, #tpu.memory_space<hbm>>
      %dma_start3A_46 = tpu.memref_squeeze %dma_start3A_45 : memref<1x160x128xi32, #tpu.memory_space<hbm>> -> memref<160x128xi32, #tpu.memory_space<hbm>>
      %dma_start3A_47 = arith.constant 0 : i32
      %dma_start3A_48 = arith.constant 0 : i32
      %dma_start3A_49 = tpu.memref_slice %arg4[%arg1, %dma_start3A_47, %dma_start3A_48] : memref<16x160x128xi32, #tpu.memory_space<hbm>> -> memref<1x160x128xi32, #tpu.memory_space<hbm>>
      %dma_start3A_50 = tpu.memref_squeeze %dma_start3A_49 : memref<1x160x128xi32, #tpu.memory_space<hbm>> -> memref<160x128xi32, #tpu.memory_space<hbm>>
      tpu.enqueue_dma source(%dma_start3A_50 : memref<160x128xi32, #tpu.memory_space<hbm>>) target(%arg8 : memref<160x128xi32, #tpu.memory_space<vmem>>) target_semaphore(%run_scoped3A : memref<!tpu.dma_semaphore, #tpu.memory_space<semaphore_mem>>)
      %dma_wait3A = arith.constant 0 : i32
      %dma_wait3A_51 = arith.constant 0 : i32
      %dma_wait3A_52 = tpu.memref_slice %arg4[%arg1, %dma_wait3A, %dma_wait3A_51] : memref<16x160x128xi32, #tpu.memory_space<hbm>> -> memref<1x160x128xi32, #tpu.memory_space<hbm>>
      %dma_wait3A_53 = tpu.memref_squeeze %dma_wait3A_52 : memref<1x160x128xi32, #tpu.memory_space<hbm>> -> memref<160x128xi32, #tpu.memory_space<hbm>>
      %dma_wait3A_54 = arith.constant 0 : i32
      %dma_wait3A_55 = arith.constant 0 : i32
      %dma_wait3A_56 = tpu.memref_slice %arg4[%arg1, %dma_wait3A_54, %dma_wait3A_55] : memref<16x160x128xi32, #tpu.memory_space<hbm>> -> memref<1x160x128xi32, #tpu.memory_space<hbm>>
      %dma_wait3A_57 = tpu.memref_squeeze %dma_wait3A_56 : memref<1x160x128xi32, #tpu.memory_space<hbm>> -> memref<160x128xi32, #tpu.memory_space<hbm>>
      tpu.wait_dma2 semaphore(%run_scoped3A : memref<!tpu.dma_semaphore, #tpu.memory_space<semaphore_mem>>) src(%dma_wait3A_57 : memref<160x128xi32, #tpu.memory_space<hbm>>) dst(%arg8 : memref<160x128xi32, #tpu.memory_space<vmem>>)
      tpu.yield
    }) : () -> ()
    %add3A = arith.constant 0 : i32
    %add3A_1 = arith.addi %add3A, %arg0 : i32
    %mul3A_2 = arith.constant 16 : i32
    %mul3A_3 = arith.muli %add3A_1, %mul3A_2 : i32
    %add3A_4 = arith.addi %mul3A_3, %arg1 : i32
    "tpu.region"() ({
      %run_scoped3A = tpu.sem_alloc : memref<!tpu.dma_semaphore, #tpu.memory_space<semaphore_mem>>
      %dma_start3A_43 = arith.constant 0 : i32
      %dma_start3A_44 = arith.constant 0 : i32
      %dma_start3A_45 = tpu.memref_slice %arg3[%add3A_4, %dma_start3A_43, %dma_start3A_44] : memref<64x160x128xi32, #tpu.memory_space<hbm>> -> memref<1x160x128xi32, #tpu.memory_space<hbm>>
      %dma_start3A_46 = tpu.memref_squeeze %dma_start3A_45 : memref<1x160x128xi32, #tpu.memory_space<hbm>> -> memref<160x128xi32, #tpu.memory_space<hbm>>
      %dma_start3A_47 = arith.constant 0 : i32
      %dma_start3A_48 = arith.constant 0 : i32
      %dma_start3A_49 = tpu.memref_slice %arg3[%add3A_4, %dma_start3A_47, %dma_start3A_48] : memref<64x160x128xi32, #tpu.memory_space<hbm>> -> memref<1x160x128xi32, #tpu.memory_space<hbm>>
      %dma_start3A_50 = tpu.memref_squeeze %dma_start3A_49 : memref<1x160x128xi32, #tpu.memory_space<hbm>> -> memref<160x128xi32, #tpu.memory_space<hbm>>
      tpu.enqueue_dma source(%dma_start3A_50 : memref<160x128xi32, #tpu.memory_space<hbm>>) target(%arg7 : memref<160x128xi32, #tpu.memory_space<vmem>>) target_semaphore(%run_scoped3A : memref<!tpu.dma_semaphore, #tpu.memory_space<semaphore_mem>>)
      %dma_wait3A = arith.constant 0 : i32
      %dma_wait3A_51 = arith.constant 0 : i32
      %dma_wait3A_52 = tpu.memref_slice %arg3[%add3A_4, %dma_wait3A, %dma_wait3A_51] : memref<64x160x128xi32, #tpu.memory_space<hbm>> -> memref<1x160x128xi32, #tpu.memory_space<hbm>>
      %dma_wait3A_53 = tpu.memref_squeeze %dma_wait3A_52 : memref<1x160x128xi32, #tpu.memory_space<hbm>> -> memref<160x128xi32, #tpu.memory_space<hbm>>
      %dma_wait3A_54 = arith.constant 0 : i32
      %dma_wait3A_55 = arith.constant 0 : i32
      %dma_wait3A_56 = tpu.memref_slice %arg3[%add3A_4, %dma_wait3A_54, %dma_wait3A_55] : memref<64x160x128xi32, #tpu.memory_space<hbm>> -> memref<1x160x128xi32, #tpu.memory_space<hbm>>
      %dma_wait3A_57 = tpu.memref_squeeze %dma_wait3A_56 : memref<1x160x128xi32, #tpu.memory_space<hbm>> -> memref<160x128xi32, #tpu.memory_space<hbm>>
      tpu.wait_dma2 semaphore(%run_scoped3A : memref<!tpu.dma_semaphore, #tpu.memory_space<semaphore_mem>>) src(%dma_wait3A_57 : memref<160x128xi32, #tpu.memory_space<hbm>>) dst(%arg7 : memref<160x128xi32, #tpu.memory_space<vmem>>)
      tpu.yield
    }) : () -> ()
    "tpu.region"() ({
      %run_scoped3A = tpu.sem_alloc : memref<!tpu.dma_semaphore, #tpu.memory_space<semaphore_mem>>
      %dma_start3A_43 = arith.constant 0 : i32
      %dma_start3A_44 = tpu.memref_slice %arg11[%mul3A_0, %dma_start3A_43] : memref<10240x64xf32, #tpu.memory_space<vmem_shared>> -> memref<640x64xf32, #tpu.memory_space<vmem_shared>>
      %dma_start3A_45 = arith.constant 0 : i32
      %dma_start3A_46 = tpu.memref_slice %arg5[%mul3A_0, %dma_start3A_45] : memref<10240x64xf32, #tpu.memory_space<hbm>> -> memref<640x64xf32, #tpu.memory_space<hbm>>
      tpu.enqueue_dma source(%dma_start3A_46 : memref<640x64xf32, #tpu.memory_space<hbm>>) target(%dma_start3A_44 : memref<640x64xf32, #tpu.memory_space<vmem_shared>>) target_semaphore(%run_scoped3A : memref<!tpu.dma_semaphore, #tpu.memory_space<semaphore_mem>>)
      %dma_wait3A = arith.constant 0 : i32
      %dma_wait3A_47 = tpu.memref_slice %arg11[%mul3A_0, %dma_wait3A] : memref<10240x64xf32, #tpu.memory_space<vmem_shared>> -> memref<640x64xf32, #tpu.memory_space<vmem_shared>>
      %dma_wait3A_48 = arith.constant 0 : i32
      %dma_wait3A_49 = tpu.memref_slice %arg5[%mul3A_0, %dma_wait3A_48] : memref<10240x64xf32, #tpu.memory_space<hbm>> -> memref<640x64xf32, #tpu.memory_space<hbm>>
      tpu.wait_dma2 semaphore(%run_scoped3A : memref<!tpu.dma_semaphore, #tpu.memory_space<semaphore_mem>>) src(%dma_wait3A_49 : memref<640x64xf32, #tpu.memory_space<hbm>>) dst(%dma_wait3A_47 : memref<640x64xf32, #tpu.memory_space<vmem_shared>>)
      tpu.yield
    }) : () -> ()
    %barrier3A = arith.constant 0 : index
    tpu.barrier barrier_id(%barrier3A)
    %dma_start3A = arith.constant 0 : i32
    %dma_start3A_5 = arith.constant 0 : i32
    %dma_start3A_6 = tpu.memref_slice %arg7[%dma_start3A, %dma_start3A_5] : memref<160x128xi32, #tpu.memory_space<vmem>> -> memref<1x128xi32, #tpu.memory_space<vmem>>
    %dma_start3A_7 = tpu.memref_squeeze %dma_start3A_6 : memref<1x128xi32, #tpu.memory_space<vmem>> -> memref<128xi32, #tpu.memory_space<vmem>>
    %dma_start3A_8 = arith.constant 0 : i32
    %dma_start3A_9 = arith.constant 0 : i32
    %dma_start3A_10 = tpu.memref_slice %arg2[%dma_start3A_8, %dma_start3A_9] : memref<40960x64xf32, #tpu.memory_space<hbm>> -> memref<40960x64xf32, #tpu.memory_space<hbm>>
    tpu.enqueue_indirect_dma source(%dma_start3A_10 : memref<40960x64xf32, #tpu.memory_space<hbm>>) target(%arg9 : memref<128x64xf32, #tpu.memory_space<vmem>>) offsets(%dma_start3A_7 : memref<128xi32, #tpu.memory_space<vmem>>) semaphore(%arg12 : memref<!tpu.dma_semaphore, #tpu.memory_space<semaphore_mem>>)
    %scan3A = arith.constant 0 : i32
    %scan3A_11 = arith.constant 0 : i32
    %scan3A_12 = arith.constant 80 : i32
    %scan3A_13 = arith.addi %scan3A_11, %scan3A_12 : i32
    %scan3A_14 = arith.constant 1 : i32
    scf.for %scan3A_43 = %scan3A_11 to %scan3A_13 step %scan3A_14  : i32 {
      %mul3A_44 = arith.constant 2 : i32
      %mul3A_45 = arith.muli %mul3A_44, %scan3A_43 : i32
      %add3A_46 = arith.constant 1 : i32
      %add3A_47 = arith.addi %mul3A_45, %add3A_46 : i32
      %dma_start3A_48 = arith.constant 0 : i32
      %dma_start3A_49 = tpu.memref_slice %arg7[%add3A_47, %dma_start3A_48] : memref<160x128xi32, #tpu.memory_space<vmem>> -> memref<1x128xi32, #tpu.memory_space<vmem>>
      %dma_start3A_50 = tpu.memref_squeeze %dma_start3A_49 : memref<1x128xi32, #tpu.memory_space<vmem>> -> memref<128xi32, #tpu.memory_space<vmem>>
      %dma_start3A_51 = arith.constant 0 : i32
      %dma_start3A_52 = arith.constant 0 : i32
      %dma_start3A_53 = tpu.memref_slice %arg2[%dma_start3A_51, %dma_start3A_52] : memref<40960x64xf32, #tpu.memory_space<hbm>> -> memref<40960x64xf32, #tpu.memory_space<hbm>>
      tpu.enqueue_indirect_dma source(%dma_start3A_53 : memref<40960x64xf32, #tpu.memory_space<hbm>>) target(%arg10 : memref<128x64xf32, #tpu.memory_space<vmem>>) offsets(%dma_start3A_50 : memref<128xi32, #tpu.memory_space<vmem>>) semaphore(%arg13 : memref<!tpu.dma_semaphore, #tpu.memory_space<semaphore_mem>>)
      %dma_wait3A = arith.constant 0 : i32
      %dma_wait3A_54 = tpu.memref_slice %arg7[%mul3A_45, %dma_wait3A] : memref<160x128xi32, #tpu.memory_space<vmem>> -> memref<1x128xi32, #tpu.memory_space<vmem>>
      %dma_wait3A_55 = tpu.memref_squeeze %dma_wait3A_54 : memref<1x128xi32, #tpu.memory_space<vmem>> -> memref<128xi32, #tpu.memory_space<vmem>>
      %dma_wait3A_56 = arith.constant 0 : i32
      %dma_wait3A_57 = arith.constant 0 : i32
      %dma_wait3A_58 = tpu.memref_slice %arg2[%dma_wait3A_56, %dma_wait3A_57] : memref<40960x64xf32, #tpu.memory_space<hbm>> -> memref<40960x64xf32, #tpu.memory_space<hbm>>
      tpu.wait_indirect_dma semaphore(%arg12 : memref<!tpu.dma_semaphore, #tpu.memory_space<semaphore_mem>>) src(%dma_wait3A_58 : memref<40960x64xf32, #tpu.memory_space<hbm>>) dst(%arg9 : memref<128x64xf32, #tpu.memory_space<vmem>>)
      "tpu.region"() ({
        %run_scoped3A = tpu.sem_alloc : memref<!tpu.dma_semaphore, #tpu.memory_space<semaphore_mem>>
        %dma_start3A_73 = arith.constant 0 : i32
        %dma_start3A_74 = tpu.memref_slice %arg8[%mul3A_45, %dma_start3A_73] : memref<160x128xi32, #tpu.memory_space<vmem>> -> memref<1x128xi32, #tpu.memory_space<vmem>>
        %dma_start3A_75 = tpu.memref_squeeze %dma_start3A_74 : memref<1x128xi32, #tpu.memory_space<vmem>> -> memref<128xi32, #tpu.memory_space<vmem>>
        %dma_start3A_76 = arith.constant 0 : i32
        %dma_start3A_77 = arith.constant 0 : i32
        %dma_start3A_78 = tpu.memref_slice %arg11[%dma_start3A_76, %dma_start3A_77] : memref<10240x64xf32, #tpu.memory_space<vmem_shared>> -> memref<10240x64xf32, #tpu.memory_space<vmem_shared>>
        tpu.enqueue_indirect_dma source(%arg9 : memref<128x64xf32, #tpu.memory_space<vmem>>) target(%dma_start3A_78 : memref<10240x64xf32, #tpu.memory_space<vmem_shared>>) offsets(%dma_start3A_75 : memref<128xi32, #tpu.memory_space<vmem>>) semaphore(%run_scoped3A : memref<!tpu.dma_semaphore, #tpu.memory_space<semaphore_mem>>) {add = true}
        %dma_wait3A_79 = arith.constant 0 : i32
        %dma_wait3A_80 = tpu.memref_slice %arg8[%mul3A_45, %dma_wait3A_79] : memref<160x128xi32, #tpu.memory_space<vmem>> -> memref<1x128xi32, #tpu.memory_space<vmem>>
        %dma_wait3A_81 = tpu.memref_squeeze %dma_wait3A_80 : memref<1x128xi32, #tpu.memory_space<vmem>> -> memref<128xi32, #tpu.memory_space<vmem>>
        %dma_wait3A_82 = arith.constant 0 : i32
        %dma_wait3A_83 = arith.constant 0 : i32
        %dma_wait3A_84 = tpu.memref_slice %arg11[%dma_wait3A_82, %dma_wait3A_83] : memref<10240x64xf32, #tpu.memory_space<vmem_shared>> -> memref<10240x64xf32, #tpu.memory_space<vmem_shared>>
        tpu.wait_indirect_dma semaphore(%run_scoped3A : memref<!tpu.dma_semaphore, #tpu.memory_space<semaphore_mem>>) src(%arg9 : memref<128x64xf32, #tpu.memory_space<vmem>>) dst(%dma_wait3A_84 : memref<10240x64xf32, #tpu.memory_space<vmem_shared>>)
        tpu.yield
      }) : () -> ()
      %add3A_59 = arith.constant 2 : i32
      %add3A_60 = arith.addi %mul3A_45, %add3A_59 : i32
      %lt3A = arith.constant 160 : i32
      %lt3A_61 = arith.cmpi slt, %add3A_60, %lt3A : i32
      %convert_element_type3A = arith.extui %lt3A_61 : i1 to i32
      %cond3A = arith.constant 0 : i32
      %cond3A_62 = arith.cmpi ne, %convert_element_type3A, %cond3A : i32
      scf.if %cond3A_62 {
        %add3A_73 = arith.constant 2 : i32
        %add3A_74 = arith.addi %mul3A_45, %add3A_73 : i32
        %dma_start3A_75 = arith.constant 0 : i32
        %dma_start3A_76 = tpu.memref_slice %arg7[%add3A_74, %dma_start3A_75] : memref<160x128xi32, #tpu.memory_space<vmem>> -> memref<1x128xi32, #tpu.memory_space<vmem>>
        %dma_start3A_77 = tpu.memref_squeeze %dma_start3A_76 : memref<1x128xi32, #tpu.memory_space<vmem>> -> memref<128xi32, #tpu.memory_space<vmem>>
        %dma_start3A_78 = arith.constant 0 : i32
        %dma_start3A_79 = arith.constant 0 : i32
        %dma_start3A_80 = tpu.memref_slice %arg2[%dma_start3A_78, %dma_start3A_79] : memref<40960x64xf32, #tpu.memory_space<hbm>> -> memref<40960x64xf32, #tpu.memory_space<hbm>>
        tpu.enqueue_indirect_dma source(%dma_start3A_80 : memref<40960x64xf32, #tpu.memory_space<hbm>>) target(%arg9 : memref<128x64xf32, #tpu.memory_space<vmem>>) offsets(%dma_start3A_77 : memref<128xi32, #tpu.memory_space<vmem>>) semaphore(%arg12 : memref<!tpu.dma_semaphore, #tpu.memory_space<semaphore_mem>>)
      } else {
      }
      %add3A_63 = arith.constant 1 : i32
      %add3A_64 = arith.addi %mul3A_45, %add3A_63 : i32
      %dma_wait3A_65 = arith.constant 0 : i32
      %dma_wait3A_66 = tpu.memref_slice %arg7[%add3A_64, %dma_wait3A_65] : memref<160x128xi32, #tpu.memory_space<vmem>> -> memref<1x128xi32, #tpu.memory_space<vmem>>
      %dma_wait3A_67 = tpu.memref_squeeze %dma_wait3A_66 : memref<1x128xi32, #tpu.memory_space<vmem>> -> memref<128xi32, #tpu.memory_space<vmem>>
      %dma_wait3A_68 = arith.constant 0 : i32
      %dma_wait3A_69 = arith.constant 0 : i32
      %dma_wait3A_70 = tpu.memref_slice %arg2[%dma_wait3A_68, %dma_wait3A_69] : memref<40960x64xf32, #tpu.memory_space<hbm>> -> memref<40960x64xf32, #tpu.memory_space<hbm>>
      tpu.wait_indirect_dma semaphore(%arg13 : memref<!tpu.dma_semaphore, #tpu.memory_space<semaphore_mem>>) src(%dma_wait3A_70 : memref<40960x64xf32, #tpu.memory_space<hbm>>) dst(%arg10 : memref<128x64xf32, #tpu.memory_space<vmem>>)
      %add3A_71 = arith.constant 1 : i32
      %add3A_72 = arith.addi %mul3A_45, %add3A_71 : i32
      "tpu.region"() ({
        %run_scoped3A = tpu.sem_alloc : memref<!tpu.dma_semaphore, #tpu.memory_space<semaphore_mem>>
        %dma_start3A_73 = arith.constant 0 : i32
        %dma_start3A_74 = tpu.memref_slice %arg8[%add3A_72, %dma_start3A_73] : memref<160x128xi32, #tpu.memory_space<vmem>> -> memref<1x128xi32, #tpu.memory_space<vmem>>
        %dma_start3A_75 = tpu.memref_squeeze %dma_start3A_74 : memref<1x128xi32, #tpu.memory_space<vmem>> -> memref<128xi32, #tpu.memory_space<vmem>>
        %dma_start3A_76 = arith.constant 0 : i32
        %dma_start3A_77 = arith.constant 0 : i32
        %dma_start3A_78 = tpu.memref_slice %arg11[%dma_start3A_76, %dma_start3A_77] : memref<10240x64xf32, #tpu.memory_space<vmem_shared>> -> memref<10240x64xf32, #tpu.memory_space<vmem_shared>>
        tpu.enqueue_indirect_dma source(%arg10 : memref<128x64xf32, #tpu.memory_space<vmem>>) target(%dma_start3A_78 : memref<10240x64xf32, #tpu.memory_space<vmem_shared>>) offsets(%dma_start3A_75 : memref<128xi32, #tpu.memory_space<vmem>>) semaphore(%run_scoped3A : memref<!tpu.dma_semaphore, #tpu.memory_space<semaphore_mem>>) {add = true}
        %dma_wait3A_79 = arith.constant 0 : i32
        %dma_wait3A_80 = tpu.memref_slice %arg8[%add3A_72, %dma_wait3A_79] : memref<160x128xi32, #tpu.memory_space<vmem>> -> memref<1x128xi32, #tpu.memory_space<vmem>>
        %dma_wait3A_81 = tpu.memref_squeeze %dma_wait3A_80 : memref<1x128xi32, #tpu.memory_space<vmem>> -> memref<128xi32, #tpu.memory_space<vmem>>
        %dma_wait3A_82 = arith.constant 0 : i32
        %dma_wait3A_83 = arith.constant 0 : i32
        %dma_wait3A_84 = tpu.memref_slice %arg11[%dma_wait3A_82, %dma_wait3A_83] : memref<10240x64xf32, #tpu.memory_space<vmem_shared>> -> memref<10240x64xf32, #tpu.memory_space<vmem_shared>>
        tpu.wait_indirect_dma semaphore(%run_scoped3A : memref<!tpu.dma_semaphore, #tpu.memory_space<semaphore_mem>>) src(%arg10 : memref<128x64xf32, #tpu.memory_space<vmem>>) dst(%dma_wait3A_84 : memref<10240x64xf32, #tpu.memory_space<vmem_shared>>)
        tpu.yield
      }) : () -> ()
    }
    %scan3A_15 = arith.constant 80 : i32
    %barrier3A_16 = arith.constant 0 : index
    tpu.barrier barrier_id(%barrier3A_16)
    %mul3A_17 = arith.constant 10240 : i32
    %mul3A_18 = arith.muli %add3A_1, %mul3A_17 : i32
    %add3A_19 = arith.addi %mul3A_18, %mul3A_0 : i32
    "tpu.region"() ({
      %run_scoped3A = tpu.sem_alloc : memref<!tpu.dma_semaphore, #tpu.memory_space<semaphore_mem>>
      %dma_start3A_43 = arith.constant 0 : i32
      %dma_start3A_44 = tpu.memref_slice %arg6[%add3A_19, %dma_start3A_43] : memref<40960x64xf32, #tpu.memory_space<hbm>> -> memref<640x64xf32, #tpu.memory_space<hbm>>
      %dma_start3A_45 = arith.constant 0 : i32
      %dma_start3A_46 = tpu.memref_slice %arg11[%mul3A_0, %dma_start3A_45] : memref<10240x64xf32, #tpu.memory_space<vmem_shared>> -> memref<640x64xf32, #tpu.memory_space<vmem_shared>>
      tpu.enqueue_dma source(%dma_start3A_46 : memref<640x64xf32, #tpu.memory_space<vmem_shared>>) target(%dma_start3A_44 : memref<640x64xf32, #tpu.memory_space<hbm>>) target_semaphore(%run_scoped3A : memref<!tpu.dma_semaphore, #tpu.memory_space<semaphore_mem>>)
      %dma_wait3A = arith.constant 0 : i32
      %dma_wait3A_47 = tpu.memref_slice %arg6[%add3A_19, %dma_wait3A] : memref<40960x64xf32, #tpu.memory_space<hbm>> -> memref<640x64xf32, #tpu.memory_space<hbm>>
      %dma_wait3A_48 = arith.constant 0 : i32
      %dma_wait3A_49 = tpu.memref_slice %arg11[%mul3A_0, %dma_wait3A_48] : memref<10240x64xf32, #tpu.memory_space<vmem_shared>> -> memref<640x64xf32, #tpu.memory_space<vmem_shared>>
      tpu.wait_dma2 semaphore(%run_scoped3A : memref<!tpu.dma_semaphore, #tpu.memory_space<semaphore_mem>>) src(%dma_wait3A_49 : memref<640x64xf32, #tpu.memory_space<vmem_shared>>) dst(%dma_wait3A_47 : memref<640x64xf32, #tpu.memory_space<hbm>>)
      tpu.yield
    }) : () -> ()
    %add3A_20 = arith.constant 2 : i32
    %add3A_21 = arith.addi %add3A_20, %arg0 : i32
    %mul3A_22 = arith.constant 16 : i32
    %mul3A_23 = arith.muli %add3A_21, %mul3A_22 : i32
    %add3A_24 = arith.addi %mul3A_23, %arg1 : i32
    "tpu.region"() ({
      %run_scoped3A = tpu.sem_alloc : memref<!tpu.dma_semaphore, #tpu.memory_space<semaphore_mem>>
      %dma_start3A_43 = arith.constant 0 : i32
      %dma_start3A_44 = arith.constant 0 : i32
      %dma_start3A_45 = tpu.memref_slice %arg3[%add3A_24, %dma_start3A_43, %dma_start3A_44] : memref<64x160x128xi32, #tpu.memory_space<hbm>> -> memref<1x160x128xi32, #tpu.memory_space<hbm>>
      %dma_start3A_46 = tpu.memref_squeeze %dma_start3A_45 : memref<1x160x128xi32, #tpu.memory_space<hbm>> -> memref<160x128xi32, #tpu.memory_space<hbm>>
      %dma_start3A_47 = arith.constant 0 : i32
      %dma_start3A_48 = arith.constant 0 : i32
      %dma_start3A_49 = tpu.memref_slice %arg3[%add3A_24, %dma_start3A_47, %dma_start3A_48] : memref<64x160x128xi32, #tpu.memory_space<hbm>> -> memref<1x160x128xi32, #tpu.memory_space<hbm>>
      %dma_start3A_50 = tpu.memref_squeeze %dma_start3A_49 : memref<1x160x128xi32, #tpu.memory_space<hbm>> -> memref<160x128xi32, #tpu.memory_space<hbm>>
      tpu.enqueue_dma source(%dma_start3A_50 : memref<160x128xi32, #tpu.memory_space<hbm>>) target(%arg7 : memref<160x128xi32, #tpu.memory_space<vmem>>) target_semaphore(%run_scoped3A : memref<!tpu.dma_semaphore, #tpu.memory_space<semaphore_mem>>)
      %dma_wait3A = arith.constant 0 : i32
      %dma_wait3A_51 = arith.constant 0 : i32
      %dma_wait3A_52 = tpu.memref_slice %arg3[%add3A_24, %dma_wait3A, %dma_wait3A_51] : memref<64x160x128xi32, #tpu.memory_space<hbm>> -> memref<1x160x128xi32, #tpu.memory_space<hbm>>
      %dma_wait3A_53 = tpu.memref_squeeze %dma_wait3A_52 : memref<1x160x128xi32, #tpu.memory_space<hbm>> -> memref<160x128xi32, #tpu.memory_space<hbm>>
      %dma_wait3A_54 = arith.constant 0 : i32
      %dma_wait3A_55 = arith.constant 0 : i32
      %dma_wait3A_56 = tpu.memref_slice %arg3[%add3A_24, %dma_wait3A_54, %dma_wait3A_55] : memref<64x160x128xi32, #tpu.memory_space<hbm>> -> memref<1x160x128xi32, #tpu.memory_space<hbm>>
      %dma_wait3A_57 = tpu.memref_squeeze %dma_wait3A_56 : memref<1x160x128xi32, #tpu.memory_space<hbm>> -> memref<160x128xi32, #tpu.memory_space<hbm>>
      tpu.wait_dma2 semaphore(%run_scoped3A : memref<!tpu.dma_semaphore, #tpu.memory_space<semaphore_mem>>) src(%dma_wait3A_57 : memref<160x128xi32, #tpu.memory_space<hbm>>) dst(%arg7 : memref<160x128xi32, #tpu.memory_space<vmem>>)
      tpu.yield
    }) : () -> ()
    "tpu.region"() ({
      %run_scoped3A = tpu.sem_alloc : memref<!tpu.dma_semaphore, #tpu.memory_space<semaphore_mem>>
      %dma_start3A_43 = arith.constant 0 : i32
      %dma_start3A_44 = tpu.memref_slice %arg11[%mul3A_0, %dma_start3A_43] : memref<10240x64xf32, #tpu.memory_space<vmem_shared>> -> memref<640x64xf32, #tpu.memory_space<vmem_shared>>
      %dma_start3A_45 = arith.constant 0 : i32
      %dma_start3A_46 = tpu.memref_slice %arg5[%mul3A_0, %dma_start3A_45] : memref<10240x64xf32, #tpu.memory_space<hbm>> -> memref<640x64xf32, #tpu.memory_space<hbm>>
      tpu.enqueue_dma source(%dma_start3A_46 : memref<640x64xf32, #tpu.memory_space<hbm>>) target(%dma_start3A_44 : memref<640x64xf32, #tpu.memory_space<vmem_shared>>) target_semaphore(%run_scoped3A : memref<!tpu.dma_semaphore, #tpu.memory_space<semaphore_mem>>)
      %dma_wait3A = arith.constant 0 : i32
      %dma_wait3A_47 = tpu.memref_slice %arg11[%mul3A_0, %dma_wait3A] : memref<10240x64xf32, #tpu.memory_space<vmem_shared>> -> memref<640x64xf32, #tpu.memory_space<vmem_shared>>
      %dma_wait3A_48 = arith.constant 0 : i32
      %dma_wait3A_49 = tpu.memref_slice %arg5[%mul3A_0, %dma_wait3A_48] : memref<10240x64xf32, #tpu.memory_space<hbm>> -> memref<640x64xf32, #tpu.memory_space<hbm>>
      tpu.wait_dma2 semaphore(%run_scoped3A : memref<!tpu.dma_semaphore, #tpu.memory_space<semaphore_mem>>) src(%dma_wait3A_49 : memref<640x64xf32, #tpu.memory_space<hbm>>) dst(%dma_wait3A_47 : memref<640x64xf32, #tpu.memory_space<vmem_shared>>)
      tpu.yield
    }) : () -> ()
    %barrier3A_25 = arith.constant 0 : index
    tpu.barrier barrier_id(%barrier3A_25)
    %dma_start3A_26 = arith.constant 0 : i32
    %dma_start3A_27 = arith.constant 0 : i32
    %dma_start3A_28 = tpu.memref_slice %arg7[%dma_start3A_26, %dma_start3A_27] : memref<160x128xi32, #tpu.memory_space<vmem>> -> memref<1x128xi32, #tpu.memory_space<vmem>>
    %dma_start3A_29 = tpu.memref_squeeze %dma_start3A_28 : memref<1x128xi32, #tpu.memory_space<vmem>> -> memref<128xi32, #tpu.memory_space<vmem>>
    %dma_start3A_30 = arith.constant 0 : i32
    %dma_start3A_31 = arith.constant 0 : i32
    %dma_start3A_32 = tpu.memref_slice %arg2[%dma_start3A_30, %dma_start3A_31] : memref<40960x64xf32, #tpu.memory_space<hbm>> -> memref<40960x64xf32, #tpu.memory_space<hbm>>
    tpu.enqueue_indirect_dma source(%dma_start3A_32 : memref<40960x64xf32, #tpu.memory_space<hbm>>) target(%arg9 : memref<128x64xf32, #tpu.memory_space<vmem>>) offsets(%dma_start3A_29 : memref<128xi32, #tpu.memory_space<vmem>>) semaphore(%arg12 : memref<!tpu.dma_semaphore, #tpu.memory_space<semaphore_mem>>)
    %scan3A_33 = arith.constant 0 : i32
    %scan3A_34 = arith.constant 0 : i32
    %scan3A_35 = arith.constant 80 : i32
    %scan3A_36 = arith.addi %scan3A_34, %scan3A_35 : i32
    %scan3A_37 = arith.constant 1 : i32
    scf.for %scan3A_43 = %scan3A_34 to %scan3A_36 step %scan3A_37  : i32 {
      %mul3A_44 = arith.constant 2 : i32
      %mul3A_45 = arith.muli %mul3A_44, %scan3A_43 : i32
      %add3A_46 = arith.constant 1 : i32
      %add3A_47 = arith.addi %mul3A_45, %add3A_46 : i32
      %dma_start3A_48 = arith.constant 0 : i32
      %dma_start3A_49 = tpu.memref_slice %arg7[%add3A_47, %dma_start3A_48] : memref<160x128xi32, #tpu.memory_space<vmem>> -> memref<1x128xi32, #tpu.memory_space<vmem>>
      %dma_start3A_50 = tpu.memref_squeeze %dma_start3A_49 : memref<1x128xi32, #tpu.memory_space<vmem>> -> memref<128xi32, #tpu.memory_space<vmem>>
      %dma_start3A_51 = arith.constant 0 : i32
      %dma_start3A_52 = arith.constant 0 : i32
      %dma_start3A_53 = tpu.memref_slice %arg2[%dma_start3A_51, %dma_start3A_52] : memref<40960x64xf32, #tpu.memory_space<hbm>> -> memref<40960x64xf32, #tpu.memory_space<hbm>>
      tpu.enqueue_indirect_dma source(%dma_start3A_53 : memref<40960x64xf32, #tpu.memory_space<hbm>>) target(%arg10 : memref<128x64xf32, #tpu.memory_space<vmem>>) offsets(%dma_start3A_50 : memref<128xi32, #tpu.memory_space<vmem>>) semaphore(%arg13 : memref<!tpu.dma_semaphore, #tpu.memory_space<semaphore_mem>>)
      %dma_wait3A = arith.constant 0 : i32
      %dma_wait3A_54 = tpu.memref_slice %arg7[%mul3A_45, %dma_wait3A] : memref<160x128xi32, #tpu.memory_space<vmem>> -> memref<1x128xi32, #tpu.memory_space<vmem>>
      %dma_wait3A_55 = tpu.memref_squeeze %dma_wait3A_54 : memref<1x128xi32, #tpu.memory_space<vmem>> -> memref<128xi32, #tpu.memory_space<vmem>>
      %dma_wait3A_56 = arith.constant 0 : i32
      %dma_wait3A_57 = arith.constant 0 : i32
      %dma_wait3A_58 = tpu.memref_slice %arg2[%dma_wait3A_56, %dma_wait3A_57] : memref<40960x64xf32, #tpu.memory_space<hbm>> -> memref<40960x64xf32, #tpu.memory_space<hbm>>
      tpu.wait_indirect_dma semaphore(%arg12 : memref<!tpu.dma_semaphore, #tpu.memory_space<semaphore_mem>>) src(%dma_wait3A_58 : memref<40960x64xf32, #tpu.memory_space<hbm>>) dst(%arg9 : memref<128x64xf32, #tpu.memory_space<vmem>>)
      "tpu.region"() ({
        %run_scoped3A = tpu.sem_alloc : memref<!tpu.dma_semaphore, #tpu.memory_space<semaphore_mem>>
        %dma_start3A_73 = arith.constant 0 : i32
        %dma_start3A_74 = tpu.memref_slice %arg8[%mul3A_45, %dma_start3A_73] : memref<160x128xi32, #tpu.memory_space<vmem>> -> memref<1x128xi32, #tpu.memory_space<vmem>>
        %dma_start3A_75 = tpu.memref_squeeze %dma_start3A_74 : memref<1x128xi32, #tpu.memory_space<vmem>> -> memref<128xi32, #tpu.memory_space<vmem>>
        %dma_start3A_76 = arith.constant 0 : i32
        %dma_start3A_77 = arith.constant 0 : i32
        %dma_start3A_78 = tpu.memref_slice %arg11[%dma_start3A_76, %dma_start3A_77] : memref<10240x64xf32, #tpu.memory_space<vmem_shared>> -> memref<10240x64xf32, #tpu.memory_space<vmem_shared>>
        tpu.enqueue_indirect_dma source(%arg9 : memref<128x64xf32, #tpu.memory_space<vmem>>) target(%dma_start3A_78 : memref<10240x64xf32, #tpu.memory_space<vmem_shared>>) offsets(%dma_start3A_75 : memref<128xi32, #tpu.memory_space<vmem>>) semaphore(%run_scoped3A : memref<!tpu.dma_semaphore, #tpu.memory_space<semaphore_mem>>) {add = true}
        %dma_wait3A_79 = arith.constant 0 : i32
        %dma_wait3A_80 = tpu.memref_slice %arg8[%mul3A_45, %dma_wait3A_79] : memref<160x128xi32, #tpu.memory_space<vmem>> -> memref<1x128xi32, #tpu.memory_space<vmem>>
        %dma_wait3A_81 = tpu.memref_squeeze %dma_wait3A_80 : memref<1x128xi32, #tpu.memory_space<vmem>> -> memref<128xi32, #tpu.memory_space<vmem>>
        %dma_wait3A_82 = arith.constant 0 : i32
        %dma_wait3A_83 = arith.constant 0 : i32
        %dma_wait3A_84 = tpu.memref_slice %arg11[%dma_wait3A_82, %dma_wait3A_83] : memref<10240x64xf32, #tpu.memory_space<vmem_shared>> -> memref<10240x64xf32, #tpu.memory_space<vmem_shared>>
        tpu.wait_indirect_dma semaphore(%run_scoped3A : memref<!tpu.dma_semaphore, #tpu.memory_space<semaphore_mem>>) src(%arg9 : memref<128x64xf32, #tpu.memory_space<vmem>>) dst(%dma_wait3A_84 : memref<10240x64xf32, #tpu.memory_space<vmem_shared>>)
        tpu.yield
      }) : () -> ()
      %add3A_59 = arith.constant 2 : i32
      %add3A_60 = arith.addi %mul3A_45, %add3A_59 : i32
      %lt3A = arith.constant 160 : i32
      %lt3A_61 = arith.cmpi slt, %add3A_60, %lt3A : i32
      %convert_element_type3A = arith.extui %lt3A_61 : i1 to i32
      %cond3A = arith.constant 0 : i32
      %cond3A_62 = arith.cmpi ne, %convert_element_type3A, %cond3A : i32
      scf.if %cond3A_62 {
        %add3A_73 = arith.constant 2 : i32
        %add3A_74 = arith.addi %mul3A_45, %add3A_73 : i32
        %dma_start3A_75 = arith.constant 0 : i32
        %dma_start3A_76 = tpu.memref_slice %arg7[%add3A_74, %dma_start3A_75] : memref<160x128xi32, #tpu.memory_space<vmem>> -> memref<1x128xi32, #tpu.memory_space<vmem>>
        %dma_start3A_77 = tpu.memref_squeeze %dma_start3A_76 : memref<1x128xi32, #tpu.memory_space<vmem>> -> memref<128xi32, #tpu.memory_space<vmem>>
        %dma_start3A_78 = arith.constant 0 : i32
        %dma_start3A_79 = arith.constant 0 : i32
        %dma_start3A_80 = tpu.memref_slice %arg2[%dma_start3A_78, %dma_start3A_79] : memref<40960x64xf32, #tpu.memory_space<hbm>> -> memref<40960x64xf32, #tpu.memory_space<hbm>>
        tpu.enqueue_indirect_dma source(%dma_start3A_80 : memref<40960x64xf32, #tpu.memory_space<hbm>>) target(%arg9 : memref<128x64xf32, #tpu.memory_space<vmem>>) offsets(%dma_start3A_77 : memref<128xi32, #tpu.memory_space<vmem>>) semaphore(%arg12 : memref<!tpu.dma_semaphore, #tpu.memory_space<semaphore_mem>>)
      } else {
      }
      %add3A_63 = arith.constant 1 : i32
      %add3A_64 = arith.addi %mul3A_45, %add3A_63 : i32
      %dma_wait3A_65 = arith.constant 0 : i32
      %dma_wait3A_66 = tpu.memref_slice %arg7[%add3A_64, %dma_wait3A_65] : memref<160x128xi32, #tpu.memory_space<vmem>> -> memref<1x128xi32, #tpu.memory_space<vmem>>
      %dma_wait3A_67 = tpu.memref_squeeze %dma_wait3A_66 : memref<1x128xi32, #tpu.memory_space<vmem>> -> memref<128xi32, #tpu.memory_space<vmem>>
      %dma_wait3A_68 = arith.constant 0 : i32
      %dma_wait3A_69 = arith.constant 0 : i32
      %dma_wait3A_70 = tpu.memref_slice %arg2[%dma_wait3A_68, %dma_wait3A_69] : memref<40960x64xf32, #tpu.memory_space<hbm>> -> memref<40960x64xf32, #tpu.memory_space<hbm>>
      tpu.wait_indirect_dma semaphore(%arg13 : memref<!tpu.dma_semaphore, #tpu.memory_space<semaphore_mem>>) src(%dma_wait3A_70 : memref<40960x64xf32, #tpu.memory_space<hbm>>) dst(%arg10 : memref<128x64xf32, #tpu.memory_space<vmem>>)
      %add3A_71 = arith.constant 1 : i32
      %add3A_72 = arith.addi %mul3A_45, %add3A_71 : i32
      "tpu.region"() ({
        %run_scoped3A = tpu.sem_alloc : memref<!tpu.dma_semaphore, #tpu.memory_space<semaphore_mem>>
        %dma_start3A_73 = arith.constant 0 : i32
        %dma_start3A_74 = tpu.memref_slice %arg8[%add3A_72, %dma_start3A_73] : memref<160x128xi32, #tpu.memory_space<vmem>> -> memref<1x128xi32, #tpu.memory_space<vmem>>
        %dma_start3A_75 = tpu.memref_squeeze %dma_start3A_74 : memref<1x128xi32, #tpu.memory_space<vmem>> -> memref<128xi32, #tpu.memory_space<vmem>>
        %dma_start3A_76 = arith.constant 0 : i32
        %dma_start3A_77 = arith.constant 0 : i32
        %dma_start3A_78 = tpu.memref_slice %arg11[%dma_start3A_76, %dma_start3A_77] : memref<10240x64xf32, #tpu.memory_space<vmem_shared>> -> memref<10240x64xf32, #tpu.memory_space<vmem_shared>>
        tpu.enqueue_indirect_dma source(%arg10 : memref<128x64xf32, #tpu.memory_space<vmem>>) target(%dma_start3A_78 : memref<10240x64xf32, #tpu.memory_space<vmem_shared>>) offsets(%dma_start3A_75 : memref<128xi32, #tpu.memory_space<vmem>>) semaphore(%run_scoped3A : memref<!tpu.dma_semaphore, #tpu.memory_space<semaphore_mem>>) {add = true}
        %dma_wait3A_79 = arith.constant 0 : i32
        %dma_wait3A_80 = tpu.memref_slice %arg8[%add3A_72, %dma_wait3A_79] : memref<160x128xi32, #tpu.memory_space<vmem>> -> memref<1x128xi32, #tpu.memory_space<vmem>>
        %dma_wait3A_81 = tpu.memref_squeeze %dma_wait3A_80 : memref<1x128xi32, #tpu.memory_space<vmem>> -> memref<128xi32, #tpu.memory_space<vmem>>
        %dma_wait3A_82 = arith.constant 0 : i32
        %dma_wait3A_83 = arith.constant 0 : i32
        %dma_wait3A_84 = tpu.memref_slice %arg11[%dma_wait3A_82, %dma_wait3A_83] : memref<10240x64xf32, #tpu.memory_space<vmem_shared>> -> memref<10240x64xf32, #tpu.memory_space<vmem_shared>>
        tpu.wait_indirect_dma semaphore(%run_scoped3A : memref<!tpu.dma_semaphore, #tpu.memory_space<semaphore_mem>>) src(%arg10 : memref<128x64xf32, #tpu.memory_space<vmem>>) dst(%dma_wait3A_84 : memref<10240x64xf32, #tpu.memory_space<vmem_shared>>)
        tpu.yield
      }) : () -> ()
    }
    %scan3A_38 = arith.constant 80 : i32
    %barrier3A_39 = arith.constant 0 : index
    tpu.barrier barrier_id(%barrier3A_39)
    %mul3A_40 = arith.constant 10240 : i32
    %mul3A_41 = arith.muli %add3A_21, %mul3A_40 : i32
    %add3A_42 = arith.addi %mul3A_41, %mul3A_0 : i32
    "tpu.region"() ({
      %run_scoped3A = tpu.sem_alloc : memref<!tpu.dma_semaphore, #tpu.memory_space<semaphore_mem>>
      %dma_start3A_43 = arith.constant 0 : i32
      %dma_start3A_44 = tpu.memref_slice %arg6[%add3A_42, %dma_start3A_43] : memref<40960x64xf32, #tpu.memory_space<hbm>> -> memref<640x64xf32, #tpu.memory_space<hbm>>
      %dma_start3A_45 = arith.constant 0 : i32
      %dma_start3A_46 = tpu.memref_slice %arg11[%mul3A_0, %dma_start3A_45] : memref<10240x64xf32, #tpu.memory_space<vmem_shared>> -> memref<640x64xf32, #tpu.memory_space<vmem_shared>>
      tpu.enqueue_dma source(%dma_start3A_46 : memref<640x64xf32, #tpu.memory_space<vmem_shared>>) target(%dma_start3A_44 : memref<640x64xf32, #tpu.memory_space<hbm>>) target_semaphore(%run_scoped3A : memref<!tpu.dma_semaphore, #tpu.memory_space<semaphore_mem>>)
      %dma_wait3A = arith.constant 0 : i32
      %dma_wait3A_47 = tpu.memref_slice %arg6[%add3A_42, %dma_wait3A] : memref<40960x64xf32, #tpu.memory_space<hbm>> -> memref<640x64xf32, #tpu.memory_space<hbm>>
      %dma_wait3A_48 = arith.constant 0 : i32
      %dma_wait3A_49 = tpu.memref_slice %arg11[%mul3A_0, %dma_wait3A_48] : memref<10240x64xf32, #tpu.memory_space<vmem_shared>> -> memref<640x64xf32, #tpu.memory_space<vmem_shared>>
      tpu.wait_dma2 semaphore(%run_scoped3A : memref<!tpu.dma_semaphore, #tpu.memory_space<semaphore_mem>>) src(%dma_wait3A_49 : memref<640x64xf32, #tpu.memory_space<vmem_shared>>) dst(%dma_wait3A_47 : memref<640x64xf32, #tpu.memory_space<hbm>>)
      tpu.yield
    }) : () -> ()
    return
  }
}

module attributes {stable_mosaic.version = 14 : i64} {
  func.func @_tc0_body(%arg0: i32, %arg1: memref<2x1280x64xf32, #tpu.memory_space<vmem>>, %arg2: memref<1280x8xf32, #tpu.memory_space<vmem>>, %arg3: memref<1280x8xf32, #tpu.memory_space<vmem>>, %arg4: memref<136x256xf32, #tpu.memory_space<vmem>>, %arg5: memref<4x1280x64xf32, #tpu.memory_space<vmem>>, %arg6: memref<1280x128xf32, #tpu.memory_space<vmem>>) attributes {dimension_semantics = [#tpu.dimension_semantics<arbitrary>], iteration_bounds = array<i64: 8>, scalar_prefetch = 0 : i64, scratch_operands = 0 : i64, tpu.core_type = #tpu.core_type<tc>, window_params = [{transform_indices = @transform_0, window_bounds = array<i64: 2, 1280, 64>}, {transform_indices = @transform_1, window_bounds = array<i64: 1280, 8>}, {transform_indices = @transform_2, window_bounds = array<i64: 1280, 8>}, {pipeline_mode = #tpu.pipeline_mode<synchronous>, transform_indices = @transform_3, window_bounds = array<i64: 136, 256>}, {transform_indices = @transform_4, window_bounds = array<i64: 4, 1280, 64>}, {transform_indices = @transform_5, window_bounds = array<i64: 1280, 128>}]} {
    %get3A = arith.constant 0 : index
    %get3A_0 = arith.constant 0 : index
    %get3A_1 = arith.constant 0 : index
    %get3A_2 = vector.load %arg1[%get3A, %get3A_0, %get3A_1] : memref<2x1280x64xf32, #tpu.memory_space<vmem>>, vector<1x1280x64xf32>
    %get3A_3 = vector.shape_cast %get3A_2 : vector<1x1280x64xf32> to vector<1280x64xf32>
    %get3A_4 = arith.constant 1 : index
    %get3A_5 = arith.constant 0 : index
    %get3A_6 = arith.constant 0 : index
    %get3A_7 = vector.load %arg1[%get3A_4, %get3A_5, %get3A_6] : memref<2x1280x64xf32, #tpu.memory_space<vmem>>, vector<1x1280x64xf32>
    %get3A_8 = vector.shape_cast %get3A_7 : vector<1x1280x64xf32> to vector<1280x64xf32>
    %concatenate3A = tpu.concatenate %get3A_3, %get3A_8 in 1 : vector<1280x64xf32>, vector<1280x64xf32> -> vector<1280x128xf32>
    %get3A_9 = arith.constant 0 : index
    %get3A_10 = arith.constant 0 : index
    %get3A_11 = vector.load %arg2[%get3A_9, %get3A_10] : memref<1280x8xf32, #tpu.memory_space<vmem>>, vector<1280x8xf32>
    %mul3A = arith.mulf %concatenate3A, %concatenate3A : vector<1280x128xf32>
    %reduce_sum3A = arith.constant dense<0.000000e+00> : vector<1280xf32>
    %reduce_sum3A_12 = vector.multi_reduction <add>, %mul3A, %reduce_sum3A [1] : vector<1280x128xf32> to vector<1280xf32>
    %broadcast_in_dim3A = vector.shape_cast %reduce_sum3A_12 : vector<1280xf32> to vector<1280x1xf32>
    %mul3A_13 = arith.mulf %get3A_11, %get3A_11 : vector<1280x8xf32>
    %reduce_sum3A_14 = arith.constant dense<0.000000e+00> : vector<1280xf32>
    %reduce_sum3A_15 = vector.multi_reduction <add>, %mul3A_13, %reduce_sum3A_14 [1] : vector<1280x8xf32> to vector<1280xf32>
    %broadcast_in_dim3A_16 = vector.shape_cast %reduce_sum3A_15 : vector<1280xf32> to vector<1280x1xf32>
    %add3A = arith.addf %broadcast_in_dim3A, %broadcast_in_dim3A_16 : vector<1280x1xf32>
    %concatenate3A_17 = tpu.concatenate %concatenate3A, %get3A_11 in 1 : vector<1280x128xf32>, vector<1280x8xf32> -> vector<1280x136xf32>
    %gt3A = arith.constant 0.000000e+00 : f32
    %gt3A_18 = vector.broadcast %gt3A : f32 to vector<1280x1xf32>
    %gt3A_19 = arith.cmpf ogt, %add3A, %gt3A_18 : vector<1280x1xf32>
    %jit3A = arith.constant 1.000000e+00 : f32
    %broadcast_in_dim3A_20 = vector.broadcast %jit3A : f32 to vector<1280x1xf32>
    %select_n3A = arith.select %gt3A_19, %add3A, %broadcast_in_dim3A_20 : vector<1280x1xi1>, vector<1280x1xf32>
    %rsqrt3A = math.rsqrt %select_n3A : vector<1280x1xf32>
    %mul3A_21 = vector.broadcast %rsqrt3A : vector<1280x1xf32> to vector<1280x136xf32>
    %mul3A_22 = arith.mulf %concatenate3A_17, %mul3A_21 : vector<1280x136xf32>
    %get3A_23 = arith.constant 0 : index
    %get3A_24 = arith.constant 0 : index
    %get3A_25 = vector.load %arg3[%get3A_23, %get3A_24] : memref<1280x8xf32, #tpu.memory_space<vmem>>, vector<1280x1xf32>
    %add3A_26 = arith.constant 1.000000e+00 : f32
    %add3A_27 = vector.broadcast %add3A_26 : f32 to vector<1280x1xf32>
    %add3A_28 = arith.addf %get3A_25, %add3A_27 : vector<1280x1xf32>
    %rsqrt3A_29 = math.rsqrt %add3A_28 : vector<1280x1xf32>
    %get3A_30 = arith.constant 0 : index
    %get3A_31 = arith.constant 0 : index
    %get3A_32 = vector.load %arg4[%get3A_30, %get3A_31] : memref<136x256xf32, #tpu.memory_space<vmem>>, vector<136x256xf32>
    %dot_general3A = arith.constant dense<0.000000e+00> : vector<1280x256xf32>
    %dot_general3A_33 = tpu.matmul %mul3A_22, %get3A_32, %dot_general3A {dimension_numbers = #tpu.dot_dimension_numbers<[1], [0], [0], [1], [0, 0, 1, 1], [], []>, transpose_lhs_hint = false} : vector<1280x136xf32>, vector<136x256xf32>, vector<1280x256xf32> -> vector<1280x256xf32>
    %mul3A_34 = vector.broadcast %rsqrt3A_29 : vector<1280x1xf32> to vector<1280x256xf32>
    %mul3A_35 = arith.mulf %dot_general3A_33, %mul3A_34 : vector<1280x256xf32>
    %slice3A = vector.extract_strided_slice %mul3A_35 {offsets = [0, 0], sizes = [1280, 64], strides = [1, 1]} : vector<1280x256xf32> to vector<1280x64xf32>
    %swap3A = arith.constant 0 : index
    %swap3A_36 = arith.constant 0 : index
    %swap3A_37 = arith.constant 0 : index
    %swap3A_38 = vector.load %arg5[%swap3A, %swap3A_36, %swap3A_37] : memref<4x1280x64xf32, #tpu.memory_space<vmem>>, vector<1x1280x64xf32>
    %swap3A_39 = vector.shape_cast %swap3A_38 : vector<1x1280x64xf32> to vector<1280x64xf32>
    %swap3A_40 = vector.shape_cast %slice3A : vector<1280x64xf32> to vector<1x1280x64xf32>
    tpu.vector_store %arg5[%swap3A, %swap3A_36, %swap3A_37], %swap3A_40 {strides = array<i32>} : memref<4x1280x64xf32, #tpu.memory_space<vmem>>, vector<1x1280x64xf32>,
    %slice3A_41 = vector.extract_strided_slice %mul3A_35 {offsets = [0, 64], sizes = [1280, 64], strides = [1, 1]} : vector<1280x256xf32> to vector<1280x64xf32>
    %swap3A_42 = arith.constant 1 : index
    %swap3A_43 = arith.constant 0 : index
    %swap3A_44 = arith.constant 0 : index
    %swap3A_45 = vector.load %arg5[%swap3A_42, %swap3A_43, %swap3A_44] : memref<4x1280x64xf32, #tpu.memory_space<vmem>>, vector<1x1280x64xf32>
    %swap3A_46 = vector.shape_cast %swap3A_45 : vector<1x1280x64xf32> to vector<1280x64xf32>
    %swap3A_47 = vector.shape_cast %slice3A_41 : vector<1280x64xf32> to vector<1x1280x64xf32>
    tpu.vector_store %arg5[%swap3A_42, %swap3A_43, %swap3A_44], %swap3A_47 {strides = array<i32>} : memref<4x1280x64xf32, #tpu.memory_space<vmem>>, vector<1x1280x64xf32>,
    %slice3A_48 = vector.extract_strided_slice %mul3A_35 {offsets = [0, 128], sizes = [1280, 64], strides = [1, 1]} : vector<1280x256xf32> to vector<1280x64xf32>
    %swap3A_49 = arith.constant 2 : index
    %swap3A_50 = arith.constant 0 : index
    %swap3A_51 = arith.constant 0 : index
    %swap3A_52 = vector.load %arg5[%swap3A_49, %swap3A_50, %swap3A_51] : memref<4x1280x64xf32, #tpu.memory_space<vmem>>, vector<1x1280x64xf32>
    %swap3A_53 = vector.shape_cast %swap3A_52 : vector<1x1280x64xf32> to vector<1280x64xf32>
    %swap3A_54 = vector.shape_cast %slice3A_48 : vector<1280x64xf32> to vector<1x1280x64xf32>
    tpu.vector_store %arg5[%swap3A_49, %swap3A_50, %swap3A_51], %swap3A_54 {strides = array<i32>} : memref<4x1280x64xf32, #tpu.memory_space<vmem>>, vector<1x1280x64xf32>,
    %slice3A_55 = vector.extract_strided_slice %mul3A_35 {offsets = [0, 192], sizes = [1280, 64], strides = [1, 1]} : vector<1280x256xf32> to vector<1280x64xf32>
    %swap3A_56 = arith.constant 3 : index
    %swap3A_57 = arith.constant 0 : index
    %swap3A_58 = arith.constant 0 : index
    %swap3A_59 = vector.load %arg5[%swap3A_56, %swap3A_57, %swap3A_58] : memref<4x1280x64xf32, #tpu.memory_space<vmem>>, vector<1x1280x64xf32>
    %swap3A_60 = vector.shape_cast %swap3A_59 : vector<1x1280x64xf32> to vector<1280x64xf32>
    %swap3A_61 = vector.shape_cast %slice3A_55 : vector<1280x64xf32> to vector<1x1280x64xf32>
    tpu.vector_store %arg5[%swap3A_56, %swap3A_57, %swap3A_58], %swap3A_61 {strides = array<i32>} : memref<4x1280x64xf32, #tpu.memory_space<vmem>>, vector<1x1280x64xf32>,
    %broadcast_in_dim3A_62 = vector.shape_cast %rsqrt3A_29 : vector<1280x1xf32> to vector<1280x1xf32>
    %broadcast_in_dim3A_63 = vector.broadcast %broadcast_in_dim3A_62 : vector<1280x1xf32> to vector<1280x128xf32>
    %swap3A_64 = arith.constant 0 : index
    %swap3A_65 = arith.constant 0 : index
    %swap3A_66 = vector.load %arg6[%swap3A_64, %swap3A_65] : memref<1280x128xf32, #tpu.memory_space<vmem>>, vector<1280x128xf32>
    tpu.vector_store %arg6[%swap3A_64, %swap3A_65], %broadcast_in_dim3A_63 {strides = array<i32>} : memref<1280x128xf32, #tpu.memory_space<vmem>>, vector<1280x128xf32>,
    return
  }
  func.func @transform_0(%arg0: i32) -> (i32, i32, i32) {
    %c0_i32 = arith.constant 0 : i32
    %c0_i32_0 = arith.constant 0 : i32
    %c0_i32_1 = arith.constant 0 : i32
    return %c0_i32, %arg0, %c0_i32_0 : i32, i32, i32
  }
  func.func @transform_1(%arg0: i32) -> (i32, i32) {
    %c0_i32 = arith.constant 0 : i32
    %c0_i32_0 = arith.constant 0 : i32
    return %arg0, %c0_i32 : i32, i32
  }
  func.func @transform_2(%arg0: i32) -> (i32, i32) {
    %c0_i32 = arith.constant 0 : i32
    %c0_i32_0 = arith.constant 0 : i32
    return %arg0, %c0_i32 : i32, i32
  }
  func.func @transform_3(%arg0: i32) -> (i32, i32) {
    %c0_i32 = arith.constant 0 : i32
    %c0_i32_0 = arith.constant 0 : i32
    %c0_i32_1 = arith.constant 0 : i32
    return %c0_i32, %c0_i32_0 : i32, i32
  }
  func.func @transform_4(%arg0: i32) -> (i32, i32, i32) {
    %c0_i32 = arith.constant 0 : i32
    %c0_i32_0 = arith.constant 0 : i32
    %c0_i32_1 = arith.constant 0 : i32
    return %c0_i32, %arg0, %c0_i32_0 : i32, i32, i32
  }
  func.func @transform_5(%arg0: i32) -> (i32, i32) {
    %c0_i32 = arith.constant 0 : i32
    %c0_i32_0 = arith.constant 0 : i32
    return %arg0, %c0_i32 : i32, i32
  }
}

module attributes {stable_mosaic.version = 14 : i64} {
  func.func @_tck_body(%arg0: i32, %arg1: memref<4x1280x64xf32, #tpu.memory_space<vmem>>, %arg2: memref<4x1280x64xf32, #tpu.memory_space<vmem>>, %arg3: memref<1280x128xf32, #tpu.memory_space<vmem>>, %arg4: memref<256x256xf32, #tpu.memory_space<vmem>>, %arg5: memref<1x256xf32, #tpu.memory_space<vmem>>, %arg6: memref<4x1280x64xf32, #tpu.memory_space<vmem>>) attributes {dimension_semantics = [#tpu.dimension_semantics<arbitrary>], iteration_bounds = array<i64: 8>, scalar_prefetch = 0 : i64, scratch_operands = 0 : i64, tpu.core_type = #tpu.core_type<tc>, window_params = [{transform_indices = @transform_0, window_bounds = array<i64: 4, 1280, 64>}, {transform_indices = @transform_1, window_bounds = array<i64: 4, 1280, 64>}, {transform_indices = @transform_2, window_bounds = array<i64: 1280, 128>}, {pipeline_mode = #tpu.pipeline_mode<synchronous>, transform_indices = @transform_3, window_bounds = array<i64: 256, 256>}, {pipeline_mode = #tpu.pipeline_mode<synchronous>, transform_indices = @transform_4, window_bounds = array<i64: 1, 256>}, {transform_indices = @transform_5, window_bounds = array<i64: 4, 1280, 64>}]} {
    %get3A = arith.constant 0 : index
    %get3A_0 = arith.constant 0 : index
    %get3A_1 = vector.load %arg3[%get3A, %get3A_0] : memref<1280x128xf32, #tpu.memory_space<vmem>>, vector<1280x1xf32>
    %get3A_2 = arith.constant 0 : index
    %get3A_3 = arith.constant 0 : index
    %get3A_4 = arith.constant 0 : index
    %get3A_5 = vector.load %arg1[%get3A_2, %get3A_3, %get3A_4] : memref<4x1280x64xf32, #tpu.memory_space<vmem>>, vector<1x1280x64xf32>
    %get3A_6 = vector.shape_cast %get3A_5 : vector<1x1280x64xf32> to vector<1280x64xf32>
    %get3A_7 = arith.constant 1 : index
    %get3A_8 = arith.constant 0 : index
    %get3A_9 = arith.constant 0 : index
    %get3A_10 = vector.load %arg1[%get3A_7, %get3A_8, %get3A_9] : memref<4x1280x64xf32, #tpu.memory_space<vmem>>, vector<1x1280x64xf32>
    %get3A_11 = vector.shape_cast %get3A_10 : vector<1x1280x64xf32> to vector<1280x64xf32>
    %get3A_12 = arith.constant 2 : index
    %get3A_13 = arith.constant 0 : index
    %get3A_14 = arith.constant 0 : index
    %get3A_15 = vector.load %arg1[%get3A_12, %get3A_13, %get3A_14] : memref<4x1280x64xf32, #tpu.memory_space<vmem>>, vector<1x1280x64xf32>
    %get3A_16 = vector.shape_cast %get3A_15 : vector<1x1280x64xf32> to vector<1280x64xf32>
    %get3A_17 = arith.constant 3 : index
    %get3A_18 = arith.constant 0 : index
    %get3A_19 = arith.constant 0 : index
    %get3A_20 = vector.load %arg1[%get3A_17, %get3A_18, %get3A_19] : memref<4x1280x64xf32, #tpu.memory_space<vmem>>, vector<1x1280x64xf32>
    %get3A_21 = vector.shape_cast %get3A_20 : vector<1x1280x64xf32> to vector<1280x64xf32>
    %concatenate3A = tpu.concatenate %get3A_6, %get3A_11, %get3A_16, %get3A_21 in 1 : vector<1280x64xf32>, vector<1280x64xf32>, vector<1280x64xf32>, vector<1280x64xf32> -> vector<1280x256xf32>
    %get3A_22 = arith.constant 0 : index
    %get3A_23 = arith.constant 0 : index
    %get3A_24 = arith.constant 0 : index
    %get3A_25 = vector.load %arg2[%get3A_22, %get3A_23, %get3A_24] : memref<4x1280x64xf32, #tpu.memory_space<vmem>>, vector<1x1280x64xf32>
    %get3A_26 = vector.shape_cast %get3A_25 : vector<1x1280x64xf32> to vector<1280x64xf32>
    %get3A_27 = arith.constant 1 : index
    %get3A_28 = arith.constant 0 : index
    %get3A_29 = arith.constant 0 : index
    %get3A_30 = vector.load %arg2[%get3A_27, %get3A_28, %get3A_29] : memref<4x1280x64xf32, #tpu.memory_space<vmem>>, vector<1x1280x64xf32>
    %get3A_31 = vector.shape_cast %get3A_30 : vector<1x1280x64xf32> to vector<1280x64xf32>
    %get3A_32 = arith.constant 2 : index
    %get3A_33 = arith.constant 0 : index
    %get3A_34 = arith.constant 0 : index
    %get3A_35 = vector.load %arg2[%get3A_32, %get3A_33, %get3A_34] : memref<4x1280x64xf32, #tpu.memory_space<vmem>>, vector<1x1280x64xf32>
    %get3A_36 = vector.shape_cast %get3A_35 : vector<1x1280x64xf32> to vector<1280x64xf32>
    %get3A_37 = arith.constant 3 : index
    %get3A_38 = arith.constant 0 : index
    %get3A_39 = arith.constant 0 : index
    %get3A_40 = vector.load %arg2[%get3A_37, %get3A_38, %get3A_39] : memref<4x1280x64xf32, #tpu.memory_space<vmem>>, vector<1x1280x64xf32>
    %get3A_41 = vector.shape_cast %get3A_40 : vector<1x1280x64xf32> to vector<1280x64xf32>
    %concatenate3A_42 = tpu.concatenate %get3A_26, %get3A_31, %get3A_36, %get3A_41 in 1 : vector<1280x64xf32>, vector<1280x64xf32>, vector<1280x64xf32>, vector<1280x64xf32> -> vector<1280x256xf32>
    %add3A = arith.addf %concatenate3A, %concatenate3A_42 : vector<1280x256xf32>
    %mul3A = vector.broadcast %get3A_1 : vector<1280x1xf32> to vector<1280x256xf32>
    %mul3A_43 = arith.mulf %add3A, %mul3A : vector<1280x256xf32>
    %get3A_44 = arith.constant 0 : index
    %get3A_45 = arith.constant 0 : index
    %get3A_46 = vector.load %arg5[%get3A_44, %get3A_45] : memref<1x256xf32, #tpu.memory_space<vmem>>, vector<1x256xf32>
    %add3A_47 = vector.broadcast %get3A_46 : vector<1x256xf32> to vector<1280x256xf32>
    %add3A_48 = arith.addf %mul3A_43, %add3A_47 : vector<1280x256xf32>
    %max3A = arith.constant 0.000000e+00 : f32
    %max3A_49 = vector.broadcast %max3A : f32 to vector<1280x256xf32>
    %max3A_50 = arith.maximumf %add3A_48, %max3A_49 : vector<1280x256xf32>
    %get3A_51 = arith.constant 0 : index
    %get3A_52 = arith.constant 0 : index
    %get3A_53 = vector.load %arg4[%get3A_51, %get3A_52] : memref<256x256xf32, #tpu.memory_space<vmem>>, vector<256x256xf32>
    %dot_general3A = arith.constant dense<0.000000e+00> : vector<1280x256xf32>
    %dot_general3A_54 = tpu.matmul %max3A_50, %get3A_53, %dot_general3A {dimension_numbers = #tpu.dot_dimension_numbers<[1], [0], [0], [1], [0, 0, 1, 1], [], []>, transpose_lhs_hint = false} : vector<1280x256xf32>, vector<256x256xf32>, vector<1280x256xf32> -> vector<1280x256xf32>
    %mul3A_55 = vector.broadcast %get3A_1 : vector<1280x1xf32> to vector<1280x256xf32>
    %mul3A_56 = arith.mulf %dot_general3A_54, %mul3A_55 : vector<1280x256xf32>
    %slice3A = vector.extract_strided_slice %mul3A_56 {offsets = [0, 0], sizes = [1280, 64], strides = [1, 1]} : vector<1280x256xf32> to vector<1280x64xf32>
    %swap3A = arith.constant 0 : index
    %swap3A_57 = arith.constant 0 : index
    %swap3A_58 = arith.constant 0 : index
    %swap3A_59 = vector.load %arg6[%swap3A, %swap3A_57, %swap3A_58] : memref<4x1280x64xf32, #tpu.memory_space<vmem>>, vector<1x1280x64xf32>
    %swap3A_60 = vector.shape_cast %swap3A_59 : vector<1x1280x64xf32> to vector<1280x64xf32>
    %swap3A_61 = vector.shape_cast %slice3A : vector<1280x64xf32> to vector<1x1280x64xf32>
    tpu.vector_store %arg6[%swap3A, %swap3A_57, %swap3A_58], %swap3A_61 {strides = array<i32>} : memref<4x1280x64xf32, #tpu.memory_space<vmem>>, vector<1x1280x64xf32>,
    %slice3A_62 = vector.extract_strided_slice %mul3A_56 {offsets = [0, 64], sizes = [1280, 64], strides = [1, 1]} : vector<1280x256xf32> to vector<1280x64xf32>
    %swap3A_63 = arith.constant 1 : index
    %swap3A_64 = arith.constant 0 : index
    %swap3A_65 = arith.constant 0 : index
    %swap3A_66 = vector.load %arg6[%swap3A_63, %swap3A_64, %swap3A_65] : memref<4x1280x64xf32, #tpu.memory_space<vmem>>, vector<1x1280x64xf32>
    %swap3A_67 = vector.shape_cast %swap3A_66 : vector<1x1280x64xf32> to vector<1280x64xf32>
    %swap3A_68 = vector.shape_cast %slice3A_62 : vector<1280x64xf32> to vector<1x1280x64xf32>
    tpu.vector_store %arg6[%swap3A_63, %swap3A_64, %swap3A_65], %swap3A_68 {strides = array<i32>} : memref<4x1280x64xf32, #tpu.memory_space<vmem>>, vector<1x1280x64xf32>,
    %slice3A_69 = vector.extract_strided_slice %mul3A_56 {offsets = [0, 128], sizes = [1280, 64], strides = [1, 1]} : vector<1280x256xf32> to vector<1280x64xf32>
    %swap3A_70 = arith.constant 2 : index
    %swap3A_71 = arith.constant 0 : index
    %swap3A_72 = arith.constant 0 : index
    %swap3A_73 = vector.load %arg6[%swap3A_70, %swap3A_71, %swap3A_72] : memref<4x1280x64xf32, #tpu.memory_space<vmem>>, vector<1x1280x64xf32>
    %swap3A_74 = vector.shape_cast %swap3A_73 : vector<1x1280x64xf32> to vector<1280x64xf32>
    %swap3A_75 = vector.shape_cast %slice3A_69 : vector<1280x64xf32> to vector<1x1280x64xf32>
    tpu.vector_store %arg6[%swap3A_70, %swap3A_71, %swap3A_72], %swap3A_75 {strides = array<i32>} : memref<4x1280x64xf32, #tpu.memory_space<vmem>>, vector<1x1280x64xf32>,
    %slice3A_76 = vector.extract_strided_slice %mul3A_56 {offsets = [0, 192], sizes = [1280, 64], strides = [1, 1]} : vector<1280x256xf32> to vector<1280x64xf32>
    %swap3A_77 = arith.constant 3 : index
    %swap3A_78 = arith.constant 0 : index
    %swap3A_79 = arith.constant 0 : index
    %swap3A_80 = vector.load %arg6[%swap3A_77, %swap3A_78, %swap3A_79] : memref<4x1280x64xf32, #tpu.memory_space<vmem>>, vector<1x1280x64xf32>
    %swap3A_81 = vector.shape_cast %swap3A_80 : vector<1x1280x64xf32> to vector<1280x64xf32>
    %swap3A_82 = vector.shape_cast %slice3A_76 : vector<1280x64xf32> to vector<1x1280x64xf32>
    tpu.vector_store %arg6[%swap3A_77, %swap3A_78, %swap3A_79], %swap3A_82 {strides = array<i32>} : memref<4x1280x64xf32, #tpu.memory_space<vmem>>, vector<1x1280x64xf32>,
    return
  }
  func.func @transform_0(%arg0: i32) -> (i32, i32, i32) {
    %c0_i32 = arith.constant 0 : i32
    %c0_i32_0 = arith.constant 0 : i32
    %c0_i32_1 = arith.constant 0 : i32
    return %c0_i32, %arg0, %c0_i32_0 : i32, i32, i32
  }
  func.func @transform_1(%arg0: i32) -> (i32, i32, i32) {
    %c0_i32 = arith.constant 0 : i32
    %c0_i32_0 = arith.constant 0 : i32
    %c0_i32_1 = arith.constant 0 : i32
    return %c0_i32, %arg0, %c0_i32_0 : i32, i32, i32
  }
  func.func @transform_2(%arg0: i32) -> (i32, i32) {
    %c0_i32 = arith.constant 0 : i32
    %c0_i32_0 = arith.constant 0 : i32
    return %arg0, %c0_i32 : i32, i32
  }
  func.func @transform_3(%arg0: i32) -> (i32, i32) {
    %c0_i32 = arith.constant 0 : i32
    %c0_i32_0 = arith.constant 0 : i32
    %c0_i32_1 = arith.constant 0 : i32
    return %c0_i32, %c0_i32_0 : i32, i32
  }
  func.func @transform_4(%arg0: i32) -> (i32, i32) {
    %c0_i32 = arith.constant 0 : i32
    %c0_i32_0 = arith.constant 0 : i32
    %c0_i32_1 = arith.constant 0 : i32
    return %c0_i32, %c0_i32_0 : i32, i32
  }
  func.func @transform_5(%arg0: i32) -> (i32, i32, i32) {
    %c0_i32 = arith.constant 0 : i32
    %c0_i32_0 = arith.constant 0 : i32
    %c0_i32_1 = arith.constant 0 : i32
    return %c0_i32, %arg0, %c0_i32_0 : i32, i32, i32
  }
}

module attributes {stable_mosaic.version = 14 : i64} {
  func.func @_tcf_body(%arg0: i32, %arg1: memref<4x1280x64xf32, #tpu.memory_space<vmem>>, %arg2: memref<4x1280x64xf32, #tpu.memory_space<vmem>>, %arg3: memref<1280x128xf32, #tpu.memory_space<vmem>>, %arg4: memref<1x256xf32, #tpu.memory_space<vmem>>, %arg5: memref<256x128xf32, #tpu.memory_space<vmem>>, %arg6: memref<1x128xf32, #tpu.memory_space<vmem>>, %arg7: memref<1x1x1280xi32, #tpu.memory_space<vmem>>, %arg8: memref<64x128xf32, #tpu.memory_space<vmem>>, %arg9: memref<64x256xf32, #tpu.memory_space<vmem>>, %arg10: memref<64x128xf32, #tpu.memory_space<vmem>>) attributes {dimension_semantics = [#tpu.dimension_semantics<arbitrary>], iteration_bounds = array<i64: 8>, scalar_prefetch = 0 : i64, scratch_operands = 2 : i64, tpu.core_type = #tpu.core_type<tc>, window_params = [{transform_indices = @transform_0, window_bounds = array<i64: 4, 1280, 64>}, {transform_indices = @transform_1, window_bounds = array<i64: 4, 1280, 64>}, {transform_indices = @transform_2, window_bounds = array<i64: 1280, 128>}, {pipeline_mode = #tpu.pipeline_mode<synchronous>, transform_indices = @transform_3, window_bounds = array<i64: 1, 256>}, {pipeline_mode = #tpu.pipeline_mode<synchronous>, transform_indices = @transform_4, window_bounds = array<i64: 256, 128>}, {pipeline_mode = #tpu.pipeline_mode<synchronous>, transform_indices = @transform_5, window_bounds = array<i64: 1, 128>}, {transform_indices = @transform_6, window_bounds = array<i64: 1, 1, 1280>}, {pipeline_mode = #tpu.pipeline_mode<synchronous>, transform_indices = @transform_7, window_bounds = array<i64: 64, 128>}]} {
    %get3A = arith.constant 0 : index
    %get3A_0 = arith.constant 0 : index
    %get3A_1 = vector.load %arg3[%get3A, %get3A_0] : memref<1280x128xf32, #tpu.memory_space<vmem>>, vector<1280x1xf32>
    %get3A_2 = arith.constant 0 : index
    %get3A_3 = arith.constant 0 : index
    %get3A_4 = arith.constant 0 : index
    %get3A_5 = vector.load %arg1[%get3A_2, %get3A_3, %get3A_4] : memref<4x1280x64xf32, #tpu.memory_space<vmem>>, vector<1x1280x64xf32>
    %get3A_6 = vector.shape_cast %get3A_5 : vector<1x1280x64xf32> to vector<1280x64xf32>
    %get3A_7 = arith.constant 1 : index
    %get3A_8 = arith.constant 0 : index
    %get3A_9 = arith.constant 0 : index
    %get3A_10 = vector.load %arg1[%get3A_7, %get3A_8, %get3A_9] : memref<4x1280x64xf32, #tpu.memory_space<vmem>>, vector<1x1280x64xf32>
    %get3A_11 = vector.shape_cast %get3A_10 : vector<1x1280x64xf32> to vector<1280x64xf32>
    %get3A_12 = arith.constant 2 : index
    %get3A_13 = arith.constant 0 : index
    %get3A_14 = arith.constant 0 : index
    %get3A_15 = vector.load %arg1[%get3A_12, %get3A_13, %get3A_14] : memref<4x1280x64xf32, #tpu.memory_space<vmem>>, vector<1x1280x64xf32>
    %get3A_16 = vector.shape_cast %get3A_15 : vector<1x1280x64xf32> to vector<1280x64xf32>
    %get3A_17 = arith.constant 3 : index
    %get3A_18 = arith.constant 0 : index
    %get3A_19 = arith.constant 0 : index
    %get3A_20 = vector.load %arg1[%get3A_17, %get3A_18, %get3A_19] : memref<4x1280x64xf32, #tpu.memory_space<vmem>>, vector<1x1280x64xf32>
    %get3A_21 = vector.shape_cast %get3A_20 : vector<1x1280x64xf32> to vector<1280x64xf32>
    %concatenate3A = tpu.concatenate %get3A_6, %get3A_11, %get3A_16, %get3A_21 in 1 : vector<1280x64xf32>, vector<1280x64xf32>, vector<1280x64xf32>, vector<1280x64xf32> -> vector<1280x256xf32>
    %get3A_22 = arith.constant 0 : index
    %get3A_23 = arith.constant 0 : index
    %get3A_24 = arith.constant 0 : index
    %get3A_25 = vector.load %arg2[%get3A_22, %get3A_23, %get3A_24] : memref<4x1280x64xf32, #tpu.memory_space<vmem>>, vector<1x1280x64xf32>
    %get3A_26 = vector.shape_cast %get3A_25 : vector<1x1280x64xf32> to vector<1280x64xf32>
    %get3A_27 = arith.constant 1 : index
    %get3A_28 = arith.constant 0 : index
    %get3A_29 = arith.constant 0 : index
    %get3A_30 = vector.load %arg2[%get3A_27, %get3A_28, %get3A_29] : memref<4x1280x64xf32, #tpu.memory_space<vmem>>, vector<1x1280x64xf32>
    %get3A_31 = vector.shape_cast %get3A_30 : vector<1x1280x64xf32> to vector<1280x64xf32>
    %get3A_32 = arith.constant 2 : index
    %get3A_33 = arith.constant 0 : index
    %get3A_34 = arith.constant 0 : index
    %get3A_35 = vector.load %arg2[%get3A_32, %get3A_33, %get3A_34] : memref<4x1280x64xf32, #tpu.memory_space<vmem>>, vector<1x1280x64xf32>
    %get3A_36 = vector.shape_cast %get3A_35 : vector<1x1280x64xf32> to vector<1280x64xf32>
    %get3A_37 = arith.constant 3 : index
    %get3A_38 = arith.constant 0 : index
    %get3A_39 = arith.constant 0 : index
    %get3A_40 = vector.load %arg2[%get3A_37, %get3A_38, %get3A_39] : memref<4x1280x64xf32, #tpu.memory_space<vmem>>, vector<1x1280x64xf32>
    %get3A_41 = vector.shape_cast %get3A_40 : vector<1x1280x64xf32> to vector<1280x64xf32>
    %concatenate3A_42 = tpu.concatenate %get3A_26, %get3A_31, %get3A_36, %get3A_41 in 1 : vector<1280x64xf32>, vector<1280x64xf32>, vector<1280x64xf32>, vector<1280x64xf32> -> vector<1280x256xf32>
    %add3A = arith.addf %concatenate3A, %concatenate3A_42 : vector<1280x256xf32>
    %mul3A = vector.broadcast %get3A_1 : vector<1280x1xf32> to vector<1280x256xf32>
    %mul3A_43 = arith.mulf %add3A, %mul3A : vector<1280x256xf32>
    %get3A_44 = arith.constant 0 : index
    %get3A_45 = arith.constant 0 : index
    %get3A_46 = vector.load %arg4[%get3A_44, %get3A_45] : memref<1x256xf32, #tpu.memory_space<vmem>>, vector<1x256xf32>
    %add3A_47 = vector.broadcast %get3A_46 : vector<1x256xf32> to vector<1280x256xf32>
    %add3A_48 = arith.addf %mul3A_43, %add3A_47 : vector<1280x256xf32>
    %max3A = arith.constant 0.000000e+00 : f32
    %max3A_49 = vector.broadcast %max3A : f32 to vector<1280x256xf32>
    %max3A_50 = arith.maximumf %add3A_48, %max3A_49 : vector<1280x256xf32>
    %get3A_51 = arith.constant 0 : index
    %get3A_52 = arith.constant 0 : index
    %get3A_53 = arith.constant 0 : index
    %get3A_54 = vector.load %arg7[%get3A_51, %get3A_52, %get3A_53] : memref<1x1x1280xi32, #tpu.memory_space<vmem>>, vector<1x1x1280xi32>
    %get3A_55 = vector.shape_cast %get3A_54 : vector<1x1x1280xi32> to vector<1280xi32>
    %iota3A = tpu.iota {dimensions = array<i32: 1>} : vector<1280x64xi32>
    %broadcast_in_dim3A = vector.shape_cast %get3A_55 : vector<1280xi32> to vector<1280x1xi32>
    %eq3A = vector.broadcast %broadcast_in_dim3A : vector<1280x1xi32> to vector<1280x64xi32>
    %eq3A_56 = arith.cmpi eq, %eq3A, %iota3A : vector<1280x64xi32>
    %convert_element_type3A = arith.extui %eq3A_56 : vector<1280x64xi1> to vector<1280x64xi32>
    %convert_element_type3A_57 = arith.sitofp %convert_element_type3A : vector<1280x64xi32> to vector<1280x64xf32>
    %dot_general3A = arith.constant dense<0.000000e+00> : vector<64x256xf32>
    %dot_general3A_58 = tpu.matmul %convert_element_type3A_57, %max3A_50, %dot_general3A {dimension_numbers = #tpu.dot_dimension_numbers<[0], [0], [1], [1], [0, 1, 1, 1], [], []>, precision = #tpu.contract_precision<fp32>, transpose_lhs_hint = false} : vector<1280x64xf32>, vector<1280x256xf32>, vector<64x256xf32> -> vector<64x256xf32>
    %broadcast_in_dim3A_59 = arith.constant 1.000000e+00 : f32
    %broadcast_in_dim3A_60 = vector.broadcast %broadcast_in_dim3A_59 : f32 to vector<1280x128xf32>
    %dot_general3A_61 = arith.constant dense<0.000000e+00> : vector<64x128xf32>
    %dot_general3A_62 = tpu.matmul %convert_element_type3A_57, %broadcast_in_dim3A_60, %dot_general3A_61 {dimension_numbers = #tpu.dot_dimension_numbers<[0], [0], [1], [1], [0, 1, 1, 1], [], []>, precision = #tpu.contract_precision<fp32>, transpose_lhs_hint = false} : vector<1280x64xf32>, vector<1280x128xf32>, vector<64x128xf32> -> vector<64x128xf32>
    %eq3A_63 = arith.constant 0 : i32
    %eq3A_64 = arith.cmpi eq, %arg0, %eq3A_63 : i32
    %convert_element_type3A_65 = arith.extui %eq3A_64 : i1 to i32
    %cond3A = arith.constant 0 : i32
    %cond3A_66 = arith.cmpi ne, %convert_element_type3A_65, %cond3A : i32
    scf.if %cond3A_66 {
      %broadcast_in_dim3A_85 = arith.constant 0.000000e+00 : f32
      %broadcast_in_dim3A_86 = vector.broadcast %broadcast_in_dim3A_85 : f32 to vector<64x256xf32>
      %swap3A_87 = arith.constant 0 : index
      %swap3A_88 = arith.constant 0 : index
      %swap3A_89 = vector.load %arg9[%swap3A_87, %swap3A_88] : memref<64x256xf32, #tpu.memory_space<vmem>>, vector<64x256xf32>
      tpu.vector_store %arg9[%swap3A_87, %swap3A_88], %broadcast_in_dim3A_86 {strides = array<i32>} : memref<64x256xf32, #tpu.memory_space<vmem>>, vector<64x256xf32>,
      %broadcast_in_dim3A_90 = arith.constant 0.000000e+00 : f32
      %broadcast_in_dim3A_91 = vector.broadcast %broadcast_in_dim3A_90 : f32 to vector<64x128xf32>
      %swap3A_92 = arith.constant 0 : index
      %swap3A_93 = arith.constant 0 : index
      %swap3A_94 = vector.load %arg10[%swap3A_92, %swap3A_93] : memref<64x128xf32, #tpu.memory_space<vmem>>, vector<64x128xf32>
      tpu.vector_store %arg10[%swap3A_92, %swap3A_93], %broadcast_in_dim3A_91 {strides = array<i32>} : memref<64x128xf32, #tpu.memory_space<vmem>>, vector<64x128xf32>,
    } else {
    }
    %get3A_67 = arith.constant 0 : index
    %get3A_68 = arith.constant 0 : index
    %get3A_69 = vector.load %arg9[%get3A_67, %get3A_68] : memref<64x256xf32, #tpu.memory_space<vmem>>, vector<64x256xf32>
    %add3A_70 = arith.addf %get3A_69, %dot_general3A_58 : vector<64x256xf32>
    %swap3A = arith.constant 0 : index
    %swap3A_71 = arith.constant 0 : index
    %swap3A_72 = vector.load %arg9[%swap3A, %swap3A_71] : memref<64x256xf32, #tpu.memory_space<vmem>>, vector<64x256xf32>
    tpu.vector_store %arg9[%swap3A, %swap3A_71], %add3A_70 {strides = array<i32>} : memref<64x256xf32, #tpu.memory_space<vmem>>, vector<64x256xf32>,
    %get3A_73 = arith.constant 0 : index
    %get3A_74 = arith.constant 0 : index
    %get3A_75 = vector.load %arg10[%get3A_73, %get3A_74] : memref<64x128xf32, #tpu.memory_space<vmem>>, vector<64x128xf32>
    %add3A_76 = arith.addf %get3A_75, %dot_general3A_62 : vector<64x128xf32>
    %swap3A_77 = arith.constant 0 : index
    %swap3A_78 = arith.constant 0 : index
    %swap3A_79 = vector.load %arg10[%swap3A_77, %swap3A_78] : memref<64x128xf32, #tpu.memory_space<vmem>>, vector<64x128xf32>
    tpu.vector_store %arg10[%swap3A_77, %swap3A_78], %add3A_76 {strides = array<i32>} : memref<64x128xf32, #tpu.memory_space<vmem>>, vector<64x128xf32>,
    %eq3A_80 = arith.constant 7 : i32
    %eq3A_81 = arith.cmpi eq, %arg0, %eq3A_80 : i32
    %convert_element_type3A_82 = arith.extui %eq3A_81 : i1 to i32
    %cond3A_83 = arith.constant 0 : i32
    %cond3A_84 = arith.cmpi ne, %convert_element_type3A_82, %cond3A_83 : i32
    scf.if %cond3A_84 {
      %get3A_85 = arith.constant 0 : index
      %get3A_86 = arith.constant 0 : index
      %get3A_87 = vector.load %arg9[%get3A_85, %get3A_86] : memref<64x256xf32, #tpu.memory_space<vmem>>, vector<64x256xf32>
      %get3A_88 = arith.constant 0 : index
      %get3A_89 = arith.constant 0 : index
      %get3A_90 = vector.load %arg10[%get3A_88, %get3A_89] : memref<64x128xf32, #tpu.memory_space<vmem>>, vector<64x1xf32>
      %max3A_91 = arith.constant 1.000000e+00 : f32
      %max3A_92 = vector.broadcast %max3A_91 : f32 to vector<64x1xf32>
      %max3A_93 = arith.maximumf %get3A_90, %max3A_92 : vector<64x1xf32>
      %div3A = vector.broadcast %max3A_93 : vector<64x1xf32> to vector<64x256xf32>
      %div3A_94 = arith.divf %get3A_87, %div3A : vector<64x256xf32>
      %get3A_95 = arith.constant 0 : index
      %get3A_96 = arith.constant 0 : index
      %get3A_97 = vector.load %arg5[%get3A_95, %get3A_96] : memref<256x128xf32, #tpu.memory_space<vmem>>, vector<256x128xf32>
      %dot_general3A_98 = arith.constant dense<0.000000e+00> : vector<64x128xf32>
      %dot_general3A_99 = tpu.matmul %div3A_94, %get3A_97, %dot_general3A_98 {dimension_numbers = #tpu.dot_dimension_numbers<[1], [0], [0], [1], [0, 0, 1, 1], [], []>, transpose_lhs_hint = false} : vector<64x256xf32>, vector<256x128xf32>, vector<64x128xf32> -> vector<64x128xf32>
      %get3A_100 = arith.constant 0 : index
      %get3A_101 = arith.constant 0 : index
      %get3A_102 = vector.load %arg6[%get3A_100, %get3A_101] : memref<1x128xf32, #tpu.memory_space<vmem>>, vector<1x128xf32>
      %add3A_103 = vector.broadcast %get3A_102 : vector<1x128xf32> to vector<64x128xf32>
      %add3A_104 = arith.addf %dot_general3A_99, %add3A_103 : vector<64x128xf32>
      %swap3A_105 = arith.constant 0 : index
      %swap3A_106 = arith.constant 0 : index
      %swap3A_107 = vector.load %arg8[%swap3A_105, %swap3A_106] : memref<64x128xf32, #tpu.memory_space<vmem>>, vector<64x128xf32>
      tpu.vector_store %arg8[%swap3A_105, %swap3A_106], %add3A_104 {strides = array<i32>} : memref<64x128xf32, #tpu.memory_space<vmem>>, vector<64x128xf32>,
    } else {
    }
    return
  }
  func.func @transform_0(%arg0: i32) -> (i32, i32, i32) {
    %c0_i32 = arith.constant 0 : i32
    %c0_i32_0 = arith.constant 0 : i32
    %c0_i32_1 = arith.constant 0 : i32
    return %c0_i32, %arg0, %c0_i32_0 : i32, i32, i32
  }
  func.func @transform_1(%arg0: i32) -> (i32, i32, i32) {
    %c0_i32 = arith.constant 0 : i32
    %c0_i32_0 = arith.constant 0 : i32
    %c0_i32_1 = arith.constant 0 : i32
    return %c0_i32, %arg0, %c0_i32_0 : i32, i32, i32
  }
  func.func @transform_2(%arg0: i32) -> (i32, i32) {
    %c0_i32 = arith.constant 0 : i32
    %c0_i32_0 = arith.constant 0 : i32
    return %arg0, %c0_i32 : i32, i32
  }
  func.func @transform_3(%arg0: i32) -> (i32, i32) {
    %c0_i32 = arith.constant 0 : i32
    %c0_i32_0 = arith.constant 0 : i32
    %c0_i32_1 = arith.constant 0 : i32
    return %c0_i32, %c0_i32_0 : i32, i32
  }
  func.func @transform_4(%arg0: i32) -> (i32, i32) {
    %c0_i32 = arith.constant 0 : i32
    %c0_i32_0 = arith.constant 0 : i32
    %c0_i32_1 = arith.constant 0 : i32
    return %c0_i32, %c0_i32_0 : i32, i32
  }
  func.func @transform_5(%arg0: i32) -> (i32, i32) {
    %c0_i32 = arith.constant 0 : i32
    %c0_i32_0 = arith.constant 0 : i32
    %c0_i32_1 = arith.constant 0 : i32
    return %c0_i32, %c0_i32_0 : i32, i32
  }
  func.func @transform_6(%arg0: i32) -> (i32, i32, i32) {
    %c0_i32 = arith.constant 0 : i32
    %c0_i32_0 = arith.constant 0 : i32
    %c0_i32_1 = arith.constant 0 : i32
    return %arg0, %c0_i32, %c0_i32_0 : i32, i32, i32
  }
  func.func @transform_7(%arg0: i32) -> (i32, i32) {
    %c0_i32 = arith.constant 0 : i32
    %c0_i32_0 = arith.constant 0 : i32
    %c0_i32_1 = arith.constant 0 : i32
    return %c0_i32, %c0_i32_0 : i32, i32
  }
}

</mosaic_0001>

<sc_bundles>
// kernel: kernel.10.cloned.1.call-start
scs
__scs_entry_jumppad:
0x0: {  	(pc) =	sbr.rel $0x88, $3  }
0x1: {  	(tag) =	ssettag $0x0;
	lr =	simm.s32 $0x1  }
0x2: {  	[smem:$0x3F94] =	sst lr;
	_ =	strace $0xD0000000  }
0x3: {  	_ = 	snop  }
0x4: {  	_ = 	snop  }
0x5: {  	_ = 	snop  }
0x6: {  	_ = 	snop  }
0x7: {  	_ = 	snop  }
__scs_overlays_trampoline_lowered:
0x8: {  	[smem:$0x3FA3] =	sst s0  }
0x9: {  	[smem:$0x3FA4] =	sst s1  }
0xa: {  	[smem:$0x3FA5] =	sst s2  }
0xb: {  	[smem:$0x3FA6] =	sst s3  }
0xc: {  	[smem:$0x3FA7] =	sst s4  }
0xd: {  	[smem:$0x3FA8] =	sst s5  }
0xe: {  	[smem:$0x3FA9] =	sst s6  }
0xf: {  	[smem:$0x3FAA] =	sst s7  }
0x10: {  	[smem:$0x3FAB] =	sst s8  }
0x11: {  	[smem:$0x3FAC] =	sst s9;
	s0 =	simm.s32 @!p0 $0x0  }
0x12: {  	s1 =	sld [smem:$0x3F92];
	s0 =	simm.s32 @p0 $0x1  }
0x13: {  	[smem:$0x3FAD] =	sst s0;
	s0 =	simm.s32 @!p1 $0x0  }
0x14: {  	s2 =	sld [smem:$0x3F91];
	s0 =	simm.s32 @p1 $0x1  }
0x15: {  	[smem:$0x3FAE] =	sst s0;
	s0 =	simm.s32 @!p2 $0x0  }
0x16: {  	s3 =	sld [smem:$0x3FDB];
	s0 =	simm.s32 @p2 $0x1  }
0x17: {  	s4 =	simm.s32 $0x1BF5;
	[smem:$0x3FB0] =	sst s0  }
0x18: {  	s0 =	sld [smem:$0x3F93];
	_ =	swait.ge [sflag:s4], $0x0  }
0x19: {  	s7 =	sld [smem:$0x3F94]  }
0x1a: {  	s8 =	sadd.s32 $0xFFFFE003, lr  }
0x1b: {  	s9 =	sadd.s32 $0xFFFFFEF7, lr;
	s5 =	simm.s32 $0xFFFFFFFF;
	p2 =	slt.u32 s8, $0xFFFFF086  }
0x1c: {  	p1 =	slt.u32 s9, $0xF7A;
	s5 =	simm.s32 @!p2 $0x0  }
0x1d: {  	s5 =	simm.s32 @p1 $0x1;
	p0 =	seq.s32 s7, s2  }
0x1e: {  	s7 =	smul.u32 @!p0 $0xF7A, s2;
	p2 =	seq.s32 @!p0 s5, $0x0  }
0x1f: {  	s9 =	smul.u32 $0xF7A, s1;
	s8 =	simm.s32 @!p0 $0x1BF5;
	p2 =	por !p2, p0  }
0x20: {  	[sflag:s8] =	ssyncset.s32 @!p0 $0xFFFFF086;
	s6 =	sadd.s32 @!p0 s3, s7;
	s7 =	simm.s32 @!p0 $0x108  }
0x21: {  	s3 =	sadd.s32 s3, s9;
	s6 =	sadd.s32 @!p0 $0x88, s6;
	s7 =	simm.s32 @p2 $0x1082  }
0x22: {  	[simem:s7], [sflag:s8] =	dma.local @!p0 [hbm:s6], $0xF7A  }
0x23: {  	s9 =	sor.u32 $0xD0000000, s2;
	s6 =	simm.s32 $0x108;
	_ =	swait.ge @!p0 [sflag:s8], $0x0  }
0x24: {  	s3 =	sadd.s32 $0x88, s3;
	s6 =	simm.s32 @!p1 $0x1082;
	[sflag:s4] =	ssyncset.s32 $0xFFFFF086  }
0x25: {  	[simem:s6], [sflag:s4] =	dma.local [hbm:s3], $0xF7A  }
0x26: {  	[smem:$0x3F94] =	sst s1;
	(tag) =	ssettag s2;
	_ =	strace s9  }
0x27: {  	s1 =	sld [smem:$0x3FA4]  }
0x28: {  	s2 =	sld [smem:$0x3FA5]  }
0x29: {  	s4 =	sld [smem:$0x3FA7]  }
0x2a: {  	p0 =	seq.s32 s5, $0x0;
	s5 =	sld [smem:$0x3FA8]  }
0x2b: {  	s6 =	sld [smem:$0x3FA9]  }
0x2c: {  	s7 =	sld [smem:$0x3FAA]  }
0x2d: {  	s3 =	simm.s32 $0x108;
	s8 =	sld [smem:$0x3FAB]  }
0x2e: {  	s3 =	simm.s32 @!p0 $0x1082;
	s9 =	sld [smem:$0x3FAC]  }
0x2f: {  	lr =	sadd.s32 s0, s3;
	s0 =	sld [smem:$0x3FA3]  }
0x30: {  	s3 =	sld [smem:$0x3FA6]  }
0x31: {  	[smem:$0x3FAF] =	sst s10  }
0x32: {  	s10 =	sld [smem:$0x3FAD];
	_ =	sdelay $0x3  }
0x33: {  	p0 =	seq.s32 s10, $0x1;
	s10 =	sld [smem:$0x3FAF];
	_ =	sdelay $0x3  }
0x34: {  	[smem:$0x3FAF] =	sst s10  }
0x35: {  	s10 =	sld [smem:$0x3FAE];
	_ =	sdelay $0x3  }
0x36: {  	p1 =	seq.s32 s10, $0x1;
	s10 =	sld [smem:$0x3FAF];
	_ =	sdelay $0x3  }
0x37: {  	[smem:$0x3FAF] =	sst s10  }
0x38: {  	s10 =	sld [smem:$0x3FB0]  }
0x39: {  	_ = 	snop;
	(pc) =	sbr.ind lr, $3  }
0x3a: {  	_ = 	snop  }
0x3b: {  	_ = 	snop  }
0x3c: {  	p2 =	seq.s32 s10, $0x1;
	s10 =	sld [smem:$0x3FAF]  }
0x3d: {  	_ =	shalt  }
0x3e: {  	_ =	shalt  }
0x3f: {  	_ =	shalt  }
0x40: {  	_ =	shalt  }
0x41: {  	_ =	shalt  }
0x42: {  	_ =	shalt  }
0x43: {  	_ =	shalt  }
0x44: {  	_ =	shalt  }
0x45: {  	_ =	shalt  }
0x46: {  	_ =	shalt  }
0x47: {  	_ =	shalt  }
0x48: {  	_ =	shalt  }
0x49: {  	_ =	shalt  }
0x4a: {  	_ =	shalt  }
0x4b: {  	_ =	shalt  }
0x4c: {  	_ =	shalt  }
0x4d: {  	_ =	shalt  }
0x4e: {  	_ =	shalt  }
0x4f: {  	_ =	shalt  }
0x50: {  	_ =	shalt  }
0x51: {  	_ =	shalt  }
0x52: {  	_ =	shalt  }
0x53: {  	_ =	shalt  }
0x54: {  	_ =	shalt  }
0x55: {  	_ =	shalt  }
0x56: {  	_ =	shalt  }
0x57: {  	_ =	shalt  }
0x58: {  	_ =	shalt  }
0x59: {  	_ =	shalt  }
0x5a: {  	_ =	shalt  }
0x5b: {  	_ =	shalt  }
0x5c: {  	_ =	shalt  }
0x5d: {  	_ =	shalt  }
0x5e: {  	_ =	shalt  }
0x5f: {  	_ =	shalt  }
0x60: {  	_ =	shalt  }
0x61: {  	_ =	shalt  }
0x62: {  	_ =	shalt  }
0x63: {  	_ =	shalt  }
0x64: {  	_ =	shalt  }
0x65: {  	_ =	shalt  }
0x66: {  	_ =	shalt  }
0x67: {  	_ =	shalt  }
0x68: {  	_ =	shalt  }
0x69: {  	_ =	shalt  }
0x6a: {  	_ =	shalt  }
0x6b: {  	_ =	shalt  }
0x6c: {  	_ =	shalt  }
0x6d: {  	_ =	shalt  }
0x6e: {  	_ =	shalt  }
0x6f: {  	_ =	shalt  }
0x70: {  	_ =	shalt  }
0x71: {  	_ =	shalt  }
0x72: {  	_ =	shalt  }
0x73: {  	_ =	shalt  }
0x74: {  	_ =	shalt  }
0x75: {  	_ =	shalt  }
0x76: {  	_ =	shalt  }
0x77: {  	_ =	shalt  }
0x78: {  	_ =	shalt  }
0x79: {  	_ =	shalt  }
0x7a: {  	_ =	shalt  }
0x7b: {  	_ =	shalt  }
0x7c: {  	_ =	shalt  }
0x7d: {  	_ =	shalt  }
0x7e: {  	_ =	shalt  }
0x7f: {  	_ =	shalt  }
0x80: {  	_ =	shalt  }
0x81: {  	_ =	shalt  }
0x82: {  	_ =	shalt  }
0x83: {  	_ =	shalt  }
0x84: {  	_ =	shalt  }
0x85: {  	_ =	shalt  }
0x86: {  	_ =	shalt  }
0x87: {  	_ =	shalt  }
.Lfunc_end0:
.L_simem_size_0:
called_computation_lowered:
.L_overlay_start_0:
0x88: {  	s2 =	sld [smem:$0x3FD9]  }
0x89: {  	s3 =	sld [smem:$0x3FFE];
	_ =	sdelay $0x1  }
0x8a: {  	s1 =	srdreg.scid  }
0x8b: {  	s0 =	sand.u32 $0x1, s1  }
0x8c: {  	s16 =	sshll.u32 s0, $0xA;
	s2 =	sadd.s32 s3, s2  }
0x8d: {  	s2 =	sadd.s32 s2, s16  }
0x8e: {  	[smem:$0x3FBB] =	sst s2  }
0x8f: {  	_ = 	snop  }
0x90: {  	(tm) =	ssettm $0x1  }
0x91: {  	s17 =	sld [smem:$0x3FFB];
	_ =	sdelay $0x3  }
0x92: {  	_ =	strace s17  }
0x93: {  	s2 =	sld [smem:$0x3FFC];
	_ =	sdelay $0x3  }
0x94: {  	_ =	strace s2  }
0x95: {  	s2 =	sld [smem:$0x3FFD];
	_ =	sdelay $0x3  }
0x96: {  	_ =	strace s2  }
0x97: {  	_ =	strace $0x8FFFFFFF  }
0x98: {  	s18 =	sld [smem:$0x3FDB];
	_ =	sdelay $0x1  }
0x99: {  	s19 =	simm.s32 $_scs_section_size  }
0x9a: {  	s4 =	simm.s32 $_size__tile_overlayer_lowered;
	s5 =	simm.s32 $_tile_overlayer_lowered  }
0x9b: {  	s22 =	simm.s32 $0x1BFF;
	s21 =	sshll.u32 s5, $0x1;
	s2 =	sadd.s32 s19, s18  }
0x9c: {  	s6 =	simm.s32 $0x0;
	s20 =	sshll.u32 s4, $0x1;
	s4 =	sadd.s32 s21, s2  }
0x9d: {  	[timem:s6], [sflag:s22] =	dma.local [hbm:s4], s20  }
0x9e: {  	_ =	swait.ge [sflag:s22], s20  }
0x9f: {  	s3 =	ssub.s32 $0x0, s20;
	[sflag:s22] =	ssyncset.done $0x0  }
0xa0: {  	[sflag:s22] =	ssyncadd.s32 s3;
	_ =	sdelay $0x1  }
0xa1: {  	s23 =	simm.s32 $0x1B8B  }
0xa2: {  	_ =	swait.ge [sflag:s23], $0x1  }
0xa3: {  	[sflag:s23] =	ssyncset.done $0x0  }
0xa4: {  	s25 =	simm.s32 $0x1B8E;
	s24 =	sld [smem:$0x3FFE];
	[sflag:s23] =	ssyncadd.s32 $0xFFFFFFFF  }
0xa5: {  	s26 =	simm.s32 $execute0_lowered;
	[smem:$0x3FD2] =	sst s25  }
0xa6: {  	s4 =	sshll.u32 s26, $0x1;
	_ =	strace $0x80000046;
	[dreg:$0x1] =	wrdreg $0xFFFFFFFF  }
0xa7: {  	s28 =	simm.s32 $_size_execute0_lowered;
	s2 =	sadd.s32 s2, s4;
	[dreg:$0x0] =	wrdreg $0x0  }
0xa8: {  	s4 =	sshll.u32 s28, $0x1;
	[dreg:$0x2] =	wrdreg s2  }
0xa9: {  	[dreg:$0x3] =	wrdreg s4  }
0xaa: {  	[dreg:$0x4] =	wrdreg $0xC0  }
0xab: {  	_ =	task [dreg:s6], $0x5FFFF  }
0xac: {  	[dreg:$0x1] =	wrdreg $0xFFFFFFFF  }
0xad: {  	[dreg:$0x0] =	wrdreg $0x60  }
0xae: {  	[dreg:$0x2] =	wrdreg s24  }
0xaf: {  	[dreg:$0x3] =	wrdreg $0xEC000  }
0xb0: {  	[dreg:$0x4] =	wrdreg $0x18C000  }
0xb1: {  	[dreg:$0x5] =	wrdreg $0x9  }
0xb2: {  	_ =	task.clear_ibuf [dreg:s6], $0x6FFFF;
	_ =	strace $0x90000046  }
0xb3: {  	s29 =	simm.s32 $0x9;
	_ =	strace $0x80000048  }
0xb4: {  	_ =	swait.ge [sflag:s29], $0x1  }
0xb5: {  	[sflag:s29] =	ssyncadd.s32 $0xFFFFFFFF  }
0xb6: {  	_ =	strace $0x90000048  }
0xb7: {  	_ =	sfence  }
0xb8: {  	s30 =	sld [smem:$0x0];
	_ =	sdelay $0x2  }
0xb9: {  	s31 =	sshll.u32 s1, $0xD;
	s1 =	sshrl.u32 s1, $0x2  }
0xba: {  	s3 =	sand.u32 $0x4000, s31;
	s1 =	sadd.s32 s1, s30  }
0xbb: {  	s0 =	sor.u32 s3, s0;
	s1 =	sshll.u32 s1, $0x11  }
0xbc: {  	s0 =	sor.u32 s1, s0  }
0xbd: {  	s0 =	sadd.s32 $0x8F2B, s0  }
0xbe: {  	[sflag:s0] =	ssyncadd.remote.s32 $0x1  }
0xbf: {  	_ =	sfence.sel $0xFFFF  }
0xc0: {  	[dreg:$0x0] =	wrdreg $0xFFFFFFFF;
	(pc) =	sbr.abs _section_cstart, $3  }
0xc1: {  	[dreg:$0x1] =	wrdreg $0xFFFFFFFF  }
0xc2: {  	_ =	task.clear_ibuf [dreg:s6], $0x2FFFF;
	_ =	strace $0x9FFFFFFF  }
0xc3: {  	(tm) =	ssettm $0x7FFFFFFF  }
tec
execute0_lowered:
.L_overlay_start_1:
0x0: {  	(tag) =	ssettag $0x1  }
0x1: {  	s0 =	srdreg.scid  }
0x2: {  	s4 =	stileid.u32;
	s7 =	rddreg [dreg:$0x0]  }
0x3: {  	s2 =	rddreg [dreg:$0x1];
	s8 =	smul.u32 $0xA00, s4  }
0x4: {  	s3 =	rddreg [dreg:$0x2];
	s9 =	smul.u32 $0xA000, s4  }
0x5: {  	s5 =	simm.s32 $0x0;
	s28 =	simm.s32 $0x2;
	s10 =	smul.u32 $0x1400, s4  }
0x6: {  	s0 =	sand.u32 $0x1, s0;
	[smem:$0x7FF] =	sst s5;
	s11 =	smul.u32 $0x280, s4  }
0x7: {  	s5 =	sadd.s32 $0x16000, s7;
	s6 =	sadd.s32 $0x3E000, s7;
	s16 =	sadd.s32 $0x40800, s7  }
0x8: {  	s18 =	sadd.s32 $0x95A00, s7;
	s20 =	sshll.u32 s4, $0x6;
	s19 =	smul.u32 $0x5000, s4  }
0x9: {  	s1 =	sshll.u32 s0, $0x4;
	_ =	strace $0x80000047;
	s12 =	smul.u32 $0x2800, s0  }
0xa: {  	s15 =	ssub.s32 $0x2, s0;
	[dreg:$0x4] =	wrdreg s16;
	p0 =	sne.s32 s0, $0x0  }
0xb: {  	s16 =	simm.s32 $0x5;
	p1 =	seq.s32 s0, $0x0;
	s1 =	sor.u32 s4, s1  }
0xc: {  	s8 =	sadd.s32 s8, s7;
	s13 =	sshrl.u32 s9, $0x3;
	s14 =	sshrl.u32 s10, $0x3  }
0xd: {  	s17 =	sshrl.u32 s15, $0x1;
	s31 =	sadd.s32 s9, s2;
	s9 =	sor.u32 $0x1C05, s20  }
0xe: {  	s23 =	sshrl.u32 s19, $0x2;
	s20 =	simm.s32 $0x80;
	s1 =	smul.u32 $0xA00, s1  }
0xf: {  	s13 =	sadd.s32 s13, s7;
	s11 =	sadd.s32 s11, s12;
	s29 =	sadd.s32 s14, s7  }
0x10: {  	s15 =	ssub.s32 s15, s17;
	s24 =	sadd.s32 $0xC000, s8;
	s8 =	sadd.s32 s10, s3  }
0x11: {  	s4 =	sshrl.u32 s31, $0x3;
	s11 =	sshll.u32 s11, $0x3;
	[dreg:$0x8] =	wrdreg s24  }
0x12: {  	s21 =	sadd.s32 $0x54A00, s13;
	s22 =	sadd.s32 $0x68A00, s29;
	[dreg:$0xb] =	wrdreg s4  }
0x13: {  	s26 =	smax.u32 s15, $0x1;
	s24 =	simm.s32 $0x1;
	[dreg:$0x5] =	wrdreg s21  }
0x14: {  	s1 =	sadd.s32 s1, s7;
	s30 =	sadd.s32 s11, s7;
	[dreg:$0x6] =	wrdreg s22  }
0x15: {  	s7 =	sadd.s32 $0x93200, s7;
	s11 =	sadd.s32 s11, s3;
	[dreg:$0xa] =	wrdreg s26  }
0x16: {  	s21 =	simm.s32 $0xA000;
	s1 =	sadd.s32 $0x40A00, s1;
	s25 =	sadd.s32 $0x6B200, s30  }
0x17: {  	s29 =	sshrl.u32 s11, $0x3;
	[dreg:$0x7] =	wrdreg s1;
	s1 =	sadd.s32 s23, s3  }
0x18: {  	s7 =	smov.u32 @p1 s18;
	[dreg:$0x9] =	wrdreg s25;
	s1 =	sadd.s32 $0x14000, s1  }
0x19: {  	[dreg:$0xc] =	wrdreg s29;
	s30 =	sadd.s32 s7, s14;
	s1 =	smov.u32 @p1 s8  }
0x1a: {  	s22 =	simm.s32 $0xC000;
	[dreg:$0xd] =	wrdreg s30;
	s31 =	sshrl.u32 s1, $0x3  }
0x1b: {  	s26 =	simm.s32 $0x6;
	s1 =	simm.s32 $0x0;
	[dreg:$0xe] =	wrdreg s31  }
.LBB2_1:
0x1c: {  	s0 =	rddreg [dreg:$0x5]  }
0x1d: {  	[spmem:s4], [sflag:s9] =	dma.local [hbm:s0], $0x1400  }
0x1e: {  	_ =	swait.ge [sflag:s16], $0x1400  }
0x1f: {  	[sflag:s16] =	ssyncset.done $0x0;
	s13 =	rddreg [dreg:$0x6]  }
0x20: {  	s14 =	rddreg [dreg:$0xc];
	[sflag:s16] =	ssyncadd.s32 $0xFFFFEC00  }
0x21: {  	[spmem:s14], [sflag:s9] =	dma.local [hbm:s13], $0x280  }
0x22: {  	_ =	swait.ge [sflag:s16], $0x280  }
0x23: {  	s15 =	simm.s32 $0x0;
	[sflag:s16] =	ssyncset.done $0x0  }
0x24: {  	s7 =	simm.s32 $0xE800;
	s17 =	rddreg [dreg:$0x4];
	[sflag:s16] =	ssyncadd.s32 $0xFFFFFD80  }
0x25: {  	[tilespmem:s7], [sflag:$0x5] =	stream.linear.gather [hbm4b:s17+s15], $0x400, $0x38;
	[tilespmem:$0x1B400] =	vst v63  }
0x26: {  	_ =	swait.ge [sflag:s16], $0x400  }
0x27: {  	[sflag:s16] =	ssyncset.done $0x0  }
0x28: {  	s18 =	rddreg [dreg:$0x7];
	[sflag:s16] =	ssyncadd.s32 $0xFFFFFC00  }
0x29: {  	[tilespmem:s15], [sflag:$0x5] =	stream.linear.gather [hbm4b:s18+s15], $0x5000, $0x38;
	[tilespmem:$0x1B400] =	vst v63  }
0x2a: {  	_ =	swait.ge [sflag:s16], $0x5000  }
0x2b: {  	[sflag:s16] =	ssyncset.done $0x0  }
0x2c: {  	s23 =	simm.s32 $0x5000;
	s19 =	rddreg [dreg:$0x8];
	[sflag:s16] =	ssyncadd.s32 $0xFFFFB000  }
0x2d: {  	[tilespmem:s23], [sflag:$0x5] =	stream.linear.gather [hbm4b:s19+s15], $0x5000, $0x38;
	[tilespmem:$0x1B400] =	vst v63  }
0x2e: {  	_ =	swait.ge [sflag:s16], $0x5000  }
0x2f: {  	[sflag:s16] =	ssyncset.done $0x0  }
0x30: {  	[sflag:s16] =	ssyncadd.s32 $0xFFFFB000  }
0x31: {  	[bflag:$0x0] =	sbarrier.arrive $0xFFFF  }
0x32: {  	[tilespmem:s21], [sflag:$0x1] =	stream.indirect.gather [hbm4b:s5+s20], $0x40, s15, s20, $0xb8;
	[tilespmem:$0x1B400] =	vst v63  }
0x33: {  	s0 =	simm.s32 @!p0 $0x80;
	s7 =	simm.s32 @!p0 $0x0;
	s19 =	simm.s32 @!p0 $0xE000  }
0x34: {  	[tilespmem:s19], [sflag:$0x3] =	stream.indirect.gather @!p0 [hbm4b:s6+s0], $0x8, s7, s0, $0xb8;
	[tilespmem:$0x1B400] =	vst v63  }
0x35: {  	s18 =	simm.s32 @!p0 $0xE400  }
0x36: {  	[tilespmem:s18], [sflag:$0x4] =	stream.indirect.gather @!p0 [hbm4b:s6+s0], $0x8, s0, s0, $0xb8;
	[tilespmem:$0x1B400] =	vst v63  }
0x37: {  	s7 =	simm.s32 $0x80  }
0x38: {  	[tilespmem:s22], [sflag:$0x2] =	stream.indirect.gather [hbm4b:s5+s20], $0x40, s7, s20, $0xb8;
	[tilespmem:$0x1B400] =	vst v63  }
0x39: {  	_ =	swait.ge [sflag:s24], $0x2000  }
0x3a: {  	[sflag:s24] =	ssyncset.done $0x0  }
0x3b: {  	s11 =	simm.s32 $0x5000;
	[sflag:s24] =	ssyncadd.s32 $0xFFFFE000  }
0x3c: {  	[spmem:s2] =	stream.indirect.scatter.add.f32 [tilespmem:s21], [sflag:$0x6], $0x40, s11, s20, $0xb8;
	[tilespmem:$0x1B400] =	vst v63  }
0x3d: {  	_ =	swait.ge [sflag:s26], $0x2000  }
0x3e: {  	s29 =	simm.s32 @p0 $0xE800;
	s30 =	simm.s32 @p0 $0x6;
	[sflag:s26] =	ssyncset.done $0x0  }
0x3f: {  	s8 =	simm.s32 @p0 $0x0;
	s31 =	simm.s32 @p0 $0x80;
	[sflag:s26] =	ssyncadd.s32 $0xFFFFE000  }
0x40: {  	[spmem:s3] =	stream.indirect.scatter.add.f32 @p0 [tilespmem:s29], [sflag:$0x6], $0x8, s8, s31, $0xb8;
	[tilespmem:$0x1B400] =	vst v63  }
0x41: {  	_ =	swait.ge @p0 [sflag:s30], $0x400  }
0x42: {  	[sflag:s30] =	ssyncset.done @p0 $0x0  }
0x43: {  	s8 =	simm.s32 @!p0 $0x3;
	[sflag:s30] =	ssyncadd.s32 @p0 $0xFFFFFC00  }
0x44: {  	_ =	swait.ge @!p0 [sflag:s8], $0x400  }
0x45: {  	[sflag:s8] =	ssyncset.done @!p0 $0x0  }
0x46: {  	s10 =	simm.s32 @!p0 $0x6;
	[sflag:s8] =	ssyncadd.s32 @!p0 $0xFFFFFC00  }
0x47: {  	[spmem:s3] =	stream.indirect.scatter.add.f32 @!p0 [tilespmem:s19], [sflag:$0x6], $0x8, s11, s0, $0xb8;
	[tilespmem:$0x1B400] =	vst v63  }
0x48: {  	_ =	swait.ge @!p0 [sflag:s10], $0x400  }
0x49: {  	[sflag:s10] =	ssyncset.done @!p0 $0x0  }
0x4a: {  	s11 =	simm.s32 @!p0 $0x100;
	[sflag:s10] =	ssyncadd.s32 @!p0 $0xFFFFFC00  }
0x4b: {  	[tilespmem:s19], [sflag:$0x3] =	stream.indirect.gather @!p0 [hbm4b:s6+s0], $0x8, s11, s0, $0xb8;
	[tilespmem:$0x1B400] =	vst v63  }
0x4c: {  	s25 =	simm.s32 $0x100  }
0x4d: {  	[tilespmem:s21], [sflag:$0x1] =	stream.indirect.gather [hbm4b:s5+s20], $0x40, s25, s20, $0xb8;
	[tilespmem:$0x1B400] =	vst v63  }
0x4e: {  	_ =	swait.ge [sflag:s28], $0x2000  }
0x4f: {  	[sflag:s28] =	ssyncset.done $0x0  }
0x50: {  	s11 =	simm.s32 $0x5080;
	[sflag:s28] =	ssyncadd.s32 $0xFFFFE000  }
0x51: {  	[spmem:s2] =	stream.indirect.scatter.add.f32 [tilespmem:s22], [sflag:$0x6], $0x40, s11, s20, $0xb8;
	[tilespmem:$0x1B400] =	vst v63  }
0x52: {  	_ =	swait.ge [sflag:s26], $0x2000  }
0x53: {  	[sflag:s26] =	ssyncset.done $0x0  }
0x54: {  	s12 =	simm.s32 @p0 $0x5;
	[sflag:s26] =	ssyncadd.s32 $0xFFFFE000  }
0x55: {  	[spmem:s3] =	stream.indirect.scatter.add.f32 @p0 [tilespmem:s29], [sflag:$0x5], $0x8, s7, s31, $0xb8;
	[tilespmem:$0x1B400] =	vst v63  }
0x56: {  	_ =	swait.ge @p0 [sflag:s12], $0x400  }
0x57: {  	[sflag:s12] =	ssyncset.done @p0 $0x0  }
0x58: {  	s13 =	simm.s32 @!p0 $0x4;
	[sflag:s12] =	ssyncadd.s32 @p0 $0xFFFFFC00  }
0x59: {  	_ =	swait.ge @!p0 [sflag:s13], $0x400  }
0x5a: {  	[sflag:s13] =	ssyncset.done @!p0 $0x0  }
0x5b: {  	[sflag:s13] =	ssyncadd.s32 @!p0 $0xFFFFFC00  }
0x5c: {  	[spmem:s3] =	stream.indirect.scatter.add.f32 @!p0 [tilespmem:s18], [sflag:$0x6], $0x8, s11, s0, $0xb8;
	[tilespmem:$0x1B400] =	vst v63  }
0x5d: {  	_ =	swait.ge @!p0 [sflag:s10], $0x400  }
0x5e: {  	s14 =	simm.s32 $0x800;
	s17 =	simm.s32 @!p0 $0x180;
	[sflag:s10] =	ssyncset.done @!p0 $0x0  }
0x5f: {  	s7 =	simm.s32 $0x100;
	s11 =	simm.s32 $0x400;
	[sflag:s10] =	ssyncadd.s32 @!p0 $0xFFFFFC00  }
.LBB2_2:
0x60: {  	[tilespmem:s18], [sflag:$0x4] =	stream.indirect.gather @!p0 [hbm4b:s6+s0], $0x8, s17, s0, $0xb8;
	[tilespmem:$0x1B400] =	vst v63  }
0x61: {  	s23 =	smov.u32 s14  }
0x62: {  	s14 =	sadd.s32 $0x400, s14;
	s17 =	sadd.s32 $0x80, s7;
	s25 =	sshra.s32 s23, $0x2  }
0x63: {  	[tilespmem:s22], [sflag:$0x2] =	stream.indirect.gather [hbm4b:s5+s20], $0x40, s17, s20, $0xb8;
	[tilespmem:$0x1B400] =	vst v63  }
0x64: {  	p2 =	sne.s32 s14, $0x13C00;
	_ =	swait.ge [sflag:s24], $0x2000  }
0x65: {  	[sflag:s24] =	ssyncset.done $0x0  }
0x66: {  	s4 =	sadd.s32 $0x5000, s7;
	[sflag:s24] =	ssyncadd.s32 $0xFFFFE000  }
0x67: {  	[spmem:s2] =	stream.indirect.scatter.add.f32 [tilespmem:s21], [sflag:$0x6], $0x40, s4, s20, $0xb8;
	[tilespmem:$0x1B400] =	vst v63  }
0x68: {  	_ =	swait.ge [sflag:s26], $0x2000  }
0x69: {  	[sflag:s26] =	ssyncset.done $0x0  }
0x6a: {  	s15 =	sshra.s32 @p0 s11, $0x2;
	[sflag:s26] =	ssyncadd.s32 $0xFFFFE000  }
0x6b: {  	[spmem:s3] =	stream.indirect.scatter.add.f32 @p0 [tilespmem:s29], [sflag:$0x6], $0x8, s15, s31, $0xb8;
	[tilespmem:$0x1B400] =	vst v63  }
0x6c: {  	_ =	swait.ge @p0 [sflag:s30], $0x400  }
0x6d: {  	[sflag:s30] =	ssyncset.done @p0 $0x0  }
0x6e: {  	[sflag:s30] =	ssyncadd.s32 @p0 $0xFFFFFC00  }
0x6f: {  	_ =	swait.ge @!p0 [sflag:s8], $0x400  }
0x70: {  	[sflag:s8] =	ssyncset.done @!p0 $0x0  }
0x71: {  	[sflag:s8] =	ssyncadd.s32 @!p0 $0xFFFFFC00  }
0x72: {  	[spmem:s3] =	stream.indirect.scatter.add.f32 @!p0 [tilespmem:s19], [sflag:$0x6], $0x8, s4, s0, $0xb8;
	[tilespmem:$0x1B400] =	vst v63  }
0x73: {  	_ =	swait.ge @!p0 [sflag:s10], $0x400  }
0x74: {  	s4 =	sshra.s32 @!p0 s11, $0x2;
	s11 =	smov.u32 s23;
	[sflag:s10] =	ssyncset.done @!p0 $0x0  }
0x75: {  	s15 =	sadd.s32 @!p0 $0x100, s4;
	[sflag:s10] =	ssyncadd.s32 @!p0 $0xFFFFFC00  }
0x76: {  	[tilespmem:s19], [sflag:$0x3] =	stream.indirect.gather @!p0 [hbm4b:s6+s0], $0x8, s15, s0, $0xb8;
	[tilespmem:$0x1B400] =	vst v63  }
0x77: {  	s15 =	sadd.s32 $0x100, s7  }
0x78: {  	[tilespmem:s21], [sflag:$0x1] =	stream.indirect.gather [hbm4b:s5+s20], $0x40, s15, s20, $0xb8;
	[tilespmem:$0x1B400] =	vst v63  }
0x79: {  	_ =	swait.ge [sflag:s28], $0x2000  }
0x7a: {  	[sflag:s28] =	ssyncset.done $0x0  }
0x7b: {  	s15 =	sadd.s32 $0x5080, s7;
	s7 =	smov.u32 s25;
	[sflag:s28] =	ssyncadd.s32 $0xFFFFE000  }
0x7c: {  	[spmem:s2] =	stream.indirect.scatter.add.f32 [tilespmem:s22], [sflag:$0x6], $0x40, s15, s20, $0xb8;
	[tilespmem:$0x1B400] =	vst v63  }
0x7d: {  	_ =	swait.ge [sflag:s26], $0x2000  }
0x7e: {  	[sflag:s26] =	ssyncset.done $0x0  }
0x7f: {  	[sflag:s26] =	ssyncadd.s32 $0xFFFFE000  }
0x80: {  	[spmem:s3] =	stream.indirect.scatter.add.f32 @p0 [tilespmem:s29], [sflag:$0x5], $0x8, s17, s31, $0xb8;
	[tilespmem:$0x1B400] =	vst v63  }
0x81: {  	_ =	swait.ge @p0 [sflag:s12], $0x400  }
0x82: {  	[sflag:s12] =	ssyncset.done @p0 $0x0  }
0x83: {  	[sflag:s12] =	ssyncadd.s32 @p0 $0xFFFFFC00  }
0x84: {  	_ =	swait.ge @!p0 [sflag:s13], $0x400  }
0x85: {  	[sflag:s13] =	ssyncset.done @!p0 $0x0  }
.Ltmp0:
0x86: {  	[sflag:s13] =	ssyncadd.s32 @!p0 $0xFFFFFC00;
	(pc) =	sbr.rel @p2 .LBB2_2-.Ltmp0, $4  }
0x87: {  	[spmem:s3] =	stream.indirect.scatter.add.f32 @!p0 [tilespmem:s18], [sflag:$0x6], $0x8, s15, s0, $0xb8;
	[tilespmem:$0x1B400] =	vst v63  }
0x88: {  	_ =	swait.ge @!p0 [sflag:s10], $0x400  }
0x89: {  	[sflag:s10] =	ssyncset.done @!p0 $0x0  }
0x8a: {  	s17 =	sadd.s32 @!p0 $0x180, s4;
	[sflag:s10] =	ssyncadd.s32 @!p0 $0xFFFFFC00  }
0x8b: {  	[tilespmem:s18], [sflag:$0x4] =	stream.indirect.gather @!p0 [hbm4b:s6+s0], $0x8, s17, s0, $0xb8;
	[tilespmem:$0x1B400] =	vst v63  }
0x8c: {  	s4 =	sadd.s32 $0x80, s7  }
0x8d: {  	[tilespmem:s22], [sflag:$0x2] =	stream.indirect.gather [hbm4b:s5+s20], $0x40, s4, s20, $0xb8;
	[tilespmem:$0x1B400] =	vst v63  }
0x8e: {  	_ =	swait.ge [sflag:s24], $0x2000  }
0x8f: {  	[sflag:s24] =	ssyncset.done $0x0  }
0x90: {  	s8 =	sadd.s32 $0x5000, s7;
	[sflag:s24] =	ssyncadd.s32 $0xFFFFE000  }
0x91: {  	[spmem:s2] =	stream.indirect.scatter.add.f32 [tilespmem:s21], [sflag:$0x6], $0x40, s8, s20, $0xb8;
	[tilespmem:$0x1B400] =	vst v63  }
0x92: {  	_ =	swait.ge [sflag:s26], $0x2000  }
0x93: {  	s10 =	simm.s32 @p0 $0xE800;
	[sflag:s26] =	ssyncset.done $0x0  }
0x94: {  	s12 =	sshra.s32 @p0 s11, $0x2;
	s13 =	simm.s32 @p0 $0x80;
	[sflag:s26] =	ssyncadd.s32 $0xFFFFE000  }
0x95: {  	[spmem:s3] =	stream.indirect.scatter.add.f32 @p0 [tilespmem:s10], [sflag:$0x6], $0x8, s12, s13, $0xb8;
	[tilespmem:$0x1B400] =	vst v63  }
0x96: {  	s12 =	simm.s32 @p0 $0x6  }
0x97: {  	_ =	swait.ge @p0 [sflag:s12], $0x400  }
0x98: {  	[sflag:s12] =	ssyncset.done @p0 $0x0  }
0x99: {  	[sflag:s12] =	ssyncadd.s32 @p0 $0xFFFFFC00;
	s12 =	simm.s32 @!p0 $0x3  }
0x9a: {  	_ =	swait.ge @!p0 [sflag:s12], $0x400  }
0x9b: {  	[sflag:s12] =	ssyncset.done @!p0 $0x0  }
0x9c: {  	[sflag:s12] =	ssyncadd.s32 @!p0 $0xFFFFFC00;
	s12 =	simm.s32 @!p0 $0x6  }
0x9d: {  	[spmem:s3] =	stream.indirect.scatter.add.f32 @!p0 [tilespmem:s19], [sflag:$0x6], $0x8, s8, s0, $0xb8;
	[tilespmem:$0x1B400] =	vst v63  }
0x9e: {  	_ =	swait.ge @!p0 [sflag:s12], $0x400  }
0x9f: {  	s8 =	sshra.s32 @!p0 s11, $0x2;
	[sflag:s12] =	ssyncset.done @!p0 $0x0  }
0xa0: {  	s11 =	sadd.s32 @!p0 $0x100, s8;
	[sflag:s12] =	ssyncadd.s32 @!p0 $0xFFFFFC00  }
0xa1: {  	[tilespmem:s19], [sflag:$0x3] =	stream.indirect.gather @!p0 [hbm4b:s6+s0], $0x8, s11, s0, $0xb8;
	[tilespmem:$0x1B400] =	vst v63  }
0xa2: {  	s17 =	sadd.s32 $0x100, s7  }
0xa3: {  	[tilespmem:s21], [sflag:$0x1] =	stream.indirect.gather [hbm4b:s5+s20], $0x40, s17, s20, $0xb8;
	[tilespmem:$0x1B400] =	vst v63  }
0xa4: {  	_ =	swait.ge [sflag:s28], $0x2000  }
0xa5: {  	[sflag:s28] =	ssyncset.done $0x0  }
0xa6: {  	s7 =	sadd.s32 $0x5080, s7;
	[sflag:s28] =	ssyncadd.s32 $0xFFFFE000  }
0xa7: {  	[spmem:s2] =	stream.indirect.scatter.add.f32 [tilespmem:s22], [sflag:$0x6], $0x40, s7, s20, $0xb8;
	[tilespmem:$0x1B400] =	vst v63  }
0xa8: {  	_ =	swait.ge [sflag:s26], $0x2000  }
0xa9: {  	[sflag:s26] =	ssyncset.done $0x0  }
0xaa: {  	[sflag:s26] =	ssyncadd.s32 $0xFFFFE000  }
0xab: {  	[spmem:s3] =	stream.indirect.scatter.add.f32 @p0 [tilespmem:s10], [sflag:$0x5], $0x8, s4, s13, $0xb8;
	[tilespmem:$0x1B400] =	vst v63  }
0xac: {  	s4 =	simm.s32 @p0 $0x5  }
0xad: {  	_ =	swait.ge @p0 [sflag:s4], $0x400  }
0xae: {  	[sflag:s4] =	ssyncset.done @p0 $0x0  }
0xaf: {  	[sflag:s4] =	ssyncadd.s32 @p0 $0xFFFFFC00;
	s4 =	simm.s32 @!p0 $0x4  }
0xb0: {  	_ =	swait.ge @!p0 [sflag:s4], $0x400  }
0xb1: {  	[sflag:s4] =	ssyncset.done @!p0 $0x0  }
0xb2: {  	[sflag:s4] =	ssyncadd.s32 @!p0 $0xFFFFFC00  }
0xb3: {  	[spmem:s3] =	stream.indirect.scatter.add.f32 @!p0 [tilespmem:s18], [sflag:$0x6], $0x8, s7, s0, $0xb8;
	[tilespmem:$0x1B400] =	vst v63  }
0xb4: {  	_ =	swait.ge @!p0 [sflag:s12], $0x400  }
0xb5: {  	[sflag:s12] =	ssyncset.done @!p0 $0x0  }
0xb6: {  	s4 =	sadd.s32 @!p0 $0x180, s8;
	[sflag:s12] =	ssyncadd.s32 @!p0 $0xFFFFFC00  }
0xb7: {  	[tilespmem:s18], [sflag:$0x4] =	stream.indirect.gather @!p0 [hbm4b:s6+s0], $0x8, s4, s0, $0xb8;
	[tilespmem:$0x1B400] =	vst v63  }
0xb8: {  	s18 =	simm.s32 $0x4F80  }
0xb9: {  	[tilespmem:s22], [sflag:$0x2] =	stream.indirect.gather [hbm4b:s5+s20], $0x40, s18, s20, $0xb8;
	[tilespmem:$0x1B400] =	vst v63  }
0xba: {  	_ =	swait.ge [sflag:s24], $0x2000  }
0xbb: {  	[sflag:s24] =	ssyncset.done $0x0  }
0xbc: {  	s19 =	simm.s32 $0x9F00;
	[sflag:s24] =	ssyncadd.s32 $0xFFFFE000  }
0xbd: {  	[spmem:s2] =	stream.indirect.scatter.add.f32 [tilespmem:s21], [sflag:$0x6], $0x40, s19, s20, $0xb8;
	[tilespmem:$0x1B400] =	vst v63  }
0xbe: {  	_ =	swait.ge [sflag:s26], $0x2000  }
0xbf: {  	[sflag:s26] =	ssyncset.done $0x0  }
0xc0: {  	s0 =	simm.s32 @p1 $0x3;
	[sflag:s26] =	ssyncadd.s32 $0xFFFFE000  }
0xc1: {  	_ =	swait.ge @p1 [sflag:s0], $0x400  }
0xc2: {  	s7 =	simm.s32 @p1 $0xE000;
	[sflag:s0] =	ssyncset.done @p1 $0x0  }
0xc3: {  	s4 =	simm.s32 @p1 $0x9F00;
	[sflag:s0] =	ssyncadd.s32 @p1 $0xFFFFFC00;
	s0 =	simm.s32 @p1 $0x80  }
0xc4: {  	[spmem:s3] =	stream.indirect.scatter.add.f32 @p1 [tilespmem:s7], [sflag:$0x6], $0x8, s4, s0, $0xb8;
	[tilespmem:$0x1B400] =	vst v63  }
0xc5: {  	s8 =	simm.s32 @!p1 $0xE800;
	s4 =	simm.s32 @!p1 $0x80;
	s7 =	simm.s32 @!p1 $0x4F00  }
0xc6: {  	[spmem:s3] =	stream.indirect.scatter.add.f32 @!p1 [tilespmem:s8], [sflag:$0x6], $0x8, s7, s4, $0xb8;
	[tilespmem:$0x1B400] =	vst v63  }
0xc7: {  	_ =	swait.ge [sflag:s26], $0x400  }
0xc8: {  	[sflag:s26] =	ssyncset.done $0x0  }
0xc9: {  	[sflag:s26] =	ssyncadd.s32 $0xFFFFFC00  }
0xca: {  	_ =	swait.ge [sflag:s28], $0x2000  }
0xcb: {  	[sflag:s28] =	ssyncset.done $0x0  }
0xcc: {  	s23 =	simm.s32 $0x9F80;
	[sflag:s28] =	ssyncadd.s32 $0xFFFFE000  }
0xcd: {  	[spmem:s2] =	stream.indirect.scatter.add.f32 [tilespmem:s22], [sflag:$0x6], $0x40, s23, s20, $0xb8;
	[tilespmem:$0x1B400] =	vst v63  }
0xce: {  	_ =	swait.ge [sflag:s26], $0x2000  }
0xcf: {  	[sflag:s26] =	ssyncset.done $0x0  }
0xd0: {  	s7 =	simm.s32 @p1 $0x4;
	[sflag:s26] =	ssyncadd.s32 $0xFFFFE000  }
0xd1: {  	_ =	swait.ge @p1 [sflag:s7], $0x400  }
0xd2: {  	[sflag:s7] =	ssyncset.done @p1 $0x0  }
0xd3: {  	s10 =	simm.s32 @p1 $0xE400;
	[sflag:s7] =	ssyncadd.s32 @p1 $0xFFFFFC00;
	s7 =	simm.s32 @p1 $0x9F80  }
0xd4: {  	[spmem:s3] =	stream.indirect.scatter.add.f32 @p1 [tilespmem:s10], [sflag:$0x6], $0x8, s7, s0, $0xb8;
	[tilespmem:$0x1B400] =	vst v63  }
0xd5: {  	s0 =	simm.s32 @!p1 $0x4F80  }
0xd6: {  	[spmem:s3] =	stream.indirect.scatter.add.f32 @!p1 [tilespmem:s8], [sflag:$0x5], $0x8, s0, s4, $0xb8;
	[tilespmem:$0x1B400] =	vst v63  }
0xd7: {  	s0 =	simm.s32 @!p1 $0x5  }
0xd8: {  	s0 =	simm.s32 @p1 $0x6  }
0xd9: {  	_ =	swait.ge [sflag:s0], $0x400  }
0xda: {  	[sflag:s0] =	ssyncset.done $0x0  }
0xdb: {  	[sflag:s0] =	ssyncadd.s32 $0xFFFFFC00  }
0xdc: {  	[bflag:$0x0] =	sbarrier.arrive $0xFFFF  }
0xdd: {  	s25 =	rddreg [dreg:$0x9]  }
0xde: {  	s4 =	rddreg [dreg:$0xb]  }
0xdf: {  	[hbm:s25], [sflag:s9] =	dma.local [spmem:s4], $0x1400  }
0xe0: {  	_ =	swait.ge [sflag:s16], $0x1400  }
0xe1: {  	[sflag:s16] =	ssyncset.done $0x0;
	s29 =	rddreg [dreg:$0xd]  }
0xe2: {  	s30 =	rddreg [dreg:$0xe];
	[sflag:s16] =	ssyncadd.s32 $0xFFFFEC00  }
0xe3: {  	[hbm:s29], [sflag:s9] =	dma.local [spmem:s30], $0x280  }
0xe4: {  	_ =	swait.ge [sflag:s16], $0x280  }
0xe5: {  	s1 =	sadd.s32 $0x1, s1;
	s31 =	rddreg [dreg:$0xa]  }
0xe6: {  	p2 =	sne.s32 s1, s31  }
.Ltmp1:
0xe7: {  	_ = 	snop;
	(pc) =	sbr.rel @p2 .LBB2_1-.Ltmp1, $3  }
0xe8: {  	_ =	sdelay $0x1  }
0xe9: {  	[sflag:s16] =	ssyncset.done $0x0  }
0xea: {  	[sflag:s16] =	ssyncadd.s32 $0xFFFFFD80  }
0xeb: {  	_ =	sfence.sel $0x180000  }
0xec: {  	[bflag:$0x0] =	sbarrier.arrive $0xFFFF  }
0xed: {  	_ =	strace $0x90000047  }
0xee: {  	s0 =	stileid.u32;
	[bflag:$0x2] =	sbarrier.arrive $0xFFFF  }
0xef: {  	p0 =	sne.s32 s0, $0x0;
	s0 =	rddreg [dreg:$0x3]  }
0xf0: {  	s0 =	sadd.s32 @!p0 $0x100000, s0  }
0xf1: {  	[sflag:s0] =	ssyncadd.tile.s32 @!p0 $0x1;
	_ =	shalt  }
.Lfunc_end2:
_tile_overlayer_lowered:
.L_overlay_start_2:
0xf2: {  	(tag) =	ssettag $0x2  }
0xf3: {  	s0 =	rddreg [dreg:$0x0];
	s2 =	stileid.u32  }
0xf4: {  	s1 =	rddreg [dreg:$0x1];
	p0 =	sne.s32 s2, $0x0  }
0xf5: {  	s3 =	rddreg [dreg:$0x2];
	[bflag:$0x3] =	sbarrier.arrive $0xFFFF;
	s2 =	simm.s32 @!p0 $0x1C05  }
0xf6: {  	[timem:s3], [sflag:s2] =	dma.local @!p0 [hbm:s0], s1  }
0xf7: {  	s0 =	simm.s32 @!p0 $0x5  }
0xf8: {  	_ =	swait.ge @!p0 [sflag:s0], s1  }
0xf9: {  	s1 =	ssub.s32 @!p0 $0x0, s1;
	[sflag:s0] =	ssyncset.done @!p0 $0x0  }
0xfa: {  	[sflag:s0] =	ssyncadd.s32 @!p0 s1  }
0xfb: {  	[bflag:$0x3] =	sbarrier.arrive $0xFFFF  }
0xfc: {  	_ =	shalt  }

// kernel: kernel.13.cloned.1.call-start
scs
__scs_entry_jumppad:
0x0: {  	(pc) =	sbr.rel $0x88, $3  }
0x1: {  	(tag) =	ssettag $0x0;
	lr =	simm.s32 $0x1  }
0x2: {  	[smem:$0x3F94] =	sst lr;
	_ =	strace $0xD0000000  }
0x3: {  	_ = 	snop  }
0x4: {  	_ = 	snop  }
0x5: {  	_ = 	snop  }
0x6: {  	_ = 	snop  }
0x7: {  	_ = 	snop  }
__scs_overlays_trampoline_lowered:
0x8: {  	[smem:$0x3FA3] =	sst s0  }
0x9: {  	[smem:$0x3FA4] =	sst s1  }
0xa: {  	[smem:$0x3FA5] =	sst s2  }
0xb: {  	[smem:$0x3FA6] =	sst s3  }
0xc: {  	[smem:$0x3FA7] =	sst s4  }
0xd: {  	[smem:$0x3FA8] =	sst s5  }
0xe: {  	[smem:$0x3FA9] =	sst s6  }
0xf: {  	[smem:$0x3FAA] =	sst s7  }
0x10: {  	[smem:$0x3FAB] =	sst s8  }
0x11: {  	[smem:$0x3FAC] =	sst s9;
	s0 =	simm.s32 @!p0 $0x0  }
0x12: {  	s1 =	sld [smem:$0x3F92];
	s0 =	simm.s32 @p0 $0x1  }
0x13: {  	[smem:$0x3FAD] =	sst s0;
	s0 =	simm.s32 @!p1 $0x0  }
0x14: {  	s2 =	sld [smem:$0x3F91];
	s0 =	simm.s32 @p1 $0x1  }
0x15: {  	[smem:$0x3FAE] =	sst s0;
	s0 =	simm.s32 @!p2 $0x0  }
0x16: {  	s3 =	sld [smem:$0x3FDB];
	s0 =	simm.s32 @p2 $0x1  }
0x17: {  	s4 =	simm.s32 $0x1BF5;
	[smem:$0x3FB0] =	sst s0  }
0x18: {  	s0 =	sld [smem:$0x3F93];
	_ =	swait.ge [sflag:s4], $0x0  }
0x19: {  	s7 =	sld [smem:$0x3F94]  }
0x1a: {  	s8 =	sadd.s32 $0xFFFFE003, lr  }
0x1b: {  	s9 =	sadd.s32 $0xFFFFFEF7, lr;
	s5 =	simm.s32 $0xFFFFFFFF;
	p2 =	slt.u32 s8, $0xFFFFF086  }
0x1c: {  	p1 =	slt.u32 s9, $0xF7A;
	s5 =	simm.s32 @!p2 $0x0  }
0x1d: {  	s5 =	simm.s32 @p1 $0x1;
	p0 =	seq.s32 s7, s2  }
0x1e: {  	s7 =	smul.u32 @!p0 $0xF7A, s2;
	p2 =	seq.s32 @!p0 s5, $0x0  }
0x1f: {  	s9 =	smul.u32 $0xF7A, s1;
	s8 =	simm.s32 @!p0 $0x1BF5;
	p2 =	por !p2, p0  }
0x20: {  	[sflag:s8] =	ssyncset.s32 @!p0 $0xFFFFF086;
	s6 =	sadd.s32 @!p0 s3, s7;
	s7 =	simm.s32 @!p0 $0x108  }
0x21: {  	s3 =	sadd.s32 s3, s9;
	s6 =	sadd.s32 @!p0 $0x88, s6;
	s7 =	simm.s32 @p2 $0x1082  }
0x22: {  	[simem:s7], [sflag:s8] =	dma.local @!p0 [hbm:s6], $0xF7A  }
0x23: {  	s9 =	sor.u32 $0xD0000000, s2;
	s6 =	simm.s32 $0x108;
	_ =	swait.ge @!p0 [sflag:s8], $0x0  }
0x24: {  	s3 =	sadd.s32 $0x88, s3;
	s6 =	simm.s32 @!p1 $0x1082;
	[sflag:s4] =	ssyncset.s32 $0xFFFFF086  }
0x25: {  	[simem:s6], [sflag:s4] =	dma.local [hbm:s3], $0xF7A  }
0x26: {  	[smem:$0x3F94] =	sst s1;
	(tag) =	ssettag s2;
	_ =	strace s9  }
0x27: {  	s1 =	sld [smem:$0x3FA4]  }
0x28: {  	s2 =	sld [smem:$0x3FA5]  }
0x29: {  	s4 =	sld [smem:$0x3FA7]  }
0x2a: {  	p0 =	seq.s32 s5, $0x0;
	s5 =	sld [smem:$0x3FA8]  }
0x2b: {  	s6 =	sld [smem:$0x3FA9]  }
0x2c: {  	s7 =	sld [smem:$0x3FAA]  }
0x2d: {  	s3 =	simm.s32 $0x108;
	s8 =	sld [smem:$0x3FAB]  }
0x2e: {  	s3 =	simm.s32 @!p0 $0x1082;
	s9 =	sld [smem:$0x3FAC]  }
0x2f: {  	lr =	sadd.s32 s0, s3;
	s0 =	sld [smem:$0x3FA3]  }
0x30: {  	s3 =	sld [smem:$0x3FA6]  }
0x31: {  	[smem:$0x3FAF] =	sst s10  }
0x32: {  	s10 =	sld [smem:$0x3FAD];
	_ =	sdelay $0x3  }
0x33: {  	p0 =	seq.s32 s10, $0x1;
	s10 =	sld [smem:$0x3FAF];
	_ =	sdelay $0x3  }
0x34: {  	[smem:$0x3FAF] =	sst s10  }
0x35: {  	s10 =	sld [smem:$0x3FAE];
	_ =	sdelay $0x3  }
0x36: {  	p1 =	seq.s32 s10, $0x1;
	s10 =	sld [smem:$0x3FAF];
	_ =	sdelay $0x3  }
0x37: {  	[smem:$0x3FAF] =	sst s10  }
0x38: {  	s10 =	sld [smem:$0x3FB0]  }
0x39: {  	_ = 	snop;
	(pc) =	sbr.ind lr, $3  }
0x3a: {  	_ = 	snop  }
0x3b: {  	_ = 	snop  }
0x3c: {  	p2 =	seq.s32 s10, $0x1;
	s10 =	sld [smem:$0x3FAF]  }
0x3d: {  	_ =	shalt  }
0x3e: {  	_ =	shalt  }
0x3f: {  	_ =	shalt  }
0x40: {  	_ =	shalt  }
0x41: {  	_ =	shalt  }
0x42: {  	_ =	shalt  }
0x43: {  	_ =	shalt  }
0x44: {  	_ =	shalt  }
0x45: {  	_ =	shalt  }
0x46: {  	_ =	shalt  }
0x47: {  	_ =	shalt  }
0x48: {  	_ =	shalt  }
0x49: {  	_ =	shalt  }
0x4a: {  	_ =	shalt  }
0x4b: {  	_ =	shalt  }
0x4c: {  	_ =	shalt  }
0x4d: {  	_ =	shalt  }
0x4e: {  	_ =	shalt  }
0x4f: {  	_ =	shalt  }
0x50: {  	_ =	shalt  }
0x51: {  	_ =	shalt  }
0x52: {  	_ =	shalt  }
0x53: {  	_ =	shalt  }
0x54: {  	_ =	shalt  }
0x55: {  	_ =	shalt  }
0x56: {  	_ =	shalt  }
0x57: {  	_ =	shalt  }
0x58: {  	_ =	shalt  }
0x59: {  	_ =	shalt  }
0x5a: {  	_ =	shalt  }
0x5b: {  	_ =	shalt  }
0x5c: {  	_ =	shalt  }
0x5d: {  	_ =	shalt  }
0x5e: {  	_ =	shalt  }
0x5f: {  	_ =	shalt  }
0x60: {  	_ =	shalt  }
0x61: {  	_ =	shalt  }
0x62: {  	_ =	shalt  }
0x63: {  	_ =	shalt  }
0x64: {  	_ =	shalt  }
0x65: {  	_ =	shalt  }
0x66: {  	_ =	shalt  }
0x67: {  	_ =	shalt  }
0x68: {  	_ =	shalt  }
0x69: {  	_ =	shalt  }
0x6a: {  	_ =	shalt  }
0x6b: {  	_ =	shalt  }
0x6c: {  	_ =	shalt  }
0x6d: {  	_ =	shalt  }
0x6e: {  	_ =	shalt  }
0x6f: {  	_ =	shalt  }
0x70: {  	_ =	shalt  }
0x71: {  	_ =	shalt  }
0x72: {  	_ =	shalt  }
0x73: {  	_ =	shalt  }
0x74: {  	_ =	shalt  }
0x75: {  	_ =	shalt  }
0x76: {  	_ =	shalt  }
0x77: {  	_ =	shalt  }
0x78: {  	_ =	shalt  }
0x79: {  	_ =	shalt  }
0x7a: {  	_ =	shalt  }
0x7b: {  	_ =	shalt  }
0x7c: {  	_ =	shalt  }
0x7d: {  	_ =	shalt  }
0x7e: {  	_ =	shalt  }
0x7f: {  	_ =	shalt  }
0x80: {  	_ =	shalt  }
0x81: {  	_ =	shalt  }
0x82: {  	_ =	shalt  }
0x83: {  	_ =	shalt  }
0x84: {  	_ =	shalt  }
0x85: {  	_ =	shalt  }
0x86: {  	_ =	shalt  }
0x87: {  	_ =	shalt  }
.Lfunc_end0:
.L_simem_size_0:
called_computation.1_lowered:
.L_overlay_start_0:
0x88: {  	s2 =	sld [smem:$0x3FD9]  }
0x89: {  	s3 =	sld [smem:$0x3FFE];
	_ =	sdelay $0x1  }
0x8a: {  	s1 =	srdreg.scid  }
0x8b: {  	s0 =	sand.u32 $0x1, s1  }
0x8c: {  	s16 =	sshll.u32 s0, $0xA;
	s2 =	sadd.s32 s3, s2  }
0x8d: {  	s2 =	sadd.s32 s2, s16  }
0x8e: {  	[smem:$0x3FBB] =	sst s2  }
0x8f: {  	_ = 	snop  }
0x90: {  	(tm) =	ssettm $0x1  }
0x91: {  	s17 =	sld [smem:$0x3FFB];
	_ =	sdelay $0x3  }
0x92: {  	_ =	strace s17  }
0x93: {  	s2 =	sld [smem:$0x3FFC];
	_ =	sdelay $0x3  }
0x94: {  	_ =	strace s2  }
0x95: {  	s2 =	sld [smem:$0x3FFD];
	_ =	sdelay $0x3  }
0x96: {  	_ =	strace s2  }
0x97: {  	_ =	strace $0x8FFFFFFF  }
0x98: {  	s18 =	sld [smem:$0x3FDB];
	_ =	sdelay $0x1  }
0x99: {  	s19 =	simm.s32 $_scs_section_size  }
0x9a: {  	s4 =	simm.s32 $_size__tile_overlayer_lowered;
	s5 =	simm.s32 $_tile_overlayer_lowered  }
0x9b: {  	s22 =	simm.s32 $0x1BFF;
	s21 =	sshll.u32 s5, $0x1;
	s2 =	sadd.s32 s19, s18  }
0x9c: {  	s6 =	simm.s32 $0x0;
	s20 =	sshll.u32 s4, $0x1;
	s4 =	sadd.s32 s21, s2  }
0x9d: {  	[timem:s6], [sflag:s22] =	dma.local [hbm:s4], s20  }
0x9e: {  	_ =	swait.ge [sflag:s22], s20  }
0x9f: {  	s3 =	ssub.s32 $0x0, s20;
	[sflag:s22] =	ssyncset.done $0x0  }
0xa0: {  	[sflag:s22] =	ssyncadd.s32 s3;
	_ =	sdelay $0x1  }
0xa1: {  	s23 =	simm.s32 $0x1B8B  }
0xa2: {  	_ =	swait.ge [sflag:s23], $0x1  }
0xa3: {  	[sflag:s23] =	ssyncset.done $0x0  }
0xa4: {  	s25 =	simm.s32 $0x1B8E;
	s24 =	sld [smem:$0x3FFE];
	[sflag:s23] =	ssyncadd.s32 $0xFFFFFFFF  }
0xa5: {  	s26 =	simm.s32 $execute0_lowered;
	[smem:$0x3FD2] =	sst s25  }
0xa6: {  	s4 =	sshll.u32 s26, $0x1;
	_ =	strace $0x80000049;
	[dreg:$0x1] =	wrdreg $0xFFFFFFFF  }
0xa7: {  	s28 =	simm.s32 $_size_execute0_lowered;
	s2 =	sadd.s32 s2, s4;
	[dreg:$0x0] =	wrdreg $0x0  }
0xa8: {  	s4 =	sshll.u32 s28, $0x1;
	[dreg:$0x2] =	wrdreg s2  }
0xa9: {  	[dreg:$0x3] =	wrdreg s4  }
0xaa: {  	[dreg:$0x4] =	wrdreg $0xC0  }
0xab: {  	_ =	task [dreg:s6], $0x5FFFF  }
0xac: {  	[dreg:$0x1] =	wrdreg $0xFFFFFFFF  }
0xad: {  	[dreg:$0x0] =	wrdreg $0x60  }
0xae: {  	[dreg:$0x2] =	wrdreg s24  }
0xaf: {  	[dreg:$0x3] =	wrdreg $0xE0000  }
0xb0: {  	[dreg:$0x4] =	wrdreg $0x9  }
0xb1: {  	_ =	task.clear_ibuf [dreg:s6], $0x5FFFF;
	_ =	strace $0x90000049  }
0xb2: {  	s29 =	simm.s32 $0x9;
	_ =	strace $0x8000004B  }
0xb3: {  	_ =	swait.ge [sflag:s29], $0x1  }
0xb4: {  	[sflag:s29] =	ssyncadd.s32 $0xFFFFFFFF  }
0xb5: {  	_ =	strace $0x9000004B  }
0xb6: {  	_ =	sfence  }
0xb7: {  	s30 =	sld [smem:$0x0];
	_ =	sdelay $0x2  }
0xb8: {  	s31 =	sshll.u32 s1, $0xD;
	s1 =	sshrl.u32 s1, $0x2  }
0xb9: {  	s3 =	sand.u32 $0x4000, s31;
	s1 =	sadd.s32 s1, s30  }
0xba: {  	s0 =	sor.u32 s3, s0;
	s1 =	sshll.u32 s1, $0x11  }
0xbb: {  	s0 =	sor.u32 s1, s0  }
0xbc: {  	s0 =	sadd.s32 $0x8F2B, s0  }
0xbd: {  	[sflag:s0] =	ssyncadd.remote.s32 $0x1  }
0xbe: {  	_ =	sfence.sel $0xFFFF  }
0xbf: {  	[dreg:$0x0] =	wrdreg $0xFFFFFFFF;
	(pc) =	sbr.abs _section_cstart, $3  }
0xc0: {  	[dreg:$0x1] =	wrdreg $0xFFFFFFFF  }
0xc1: {  	_ =	task.clear_ibuf [dreg:s6], $0x2FFFF;
	_ =	strace $0x9FFFFFFF  }
0xc2: {  	(tm) =	ssettm $0x7FFFFFFF  }
0xc3: {  	_ =	shalt  }
tec
execute0_lowered:
.L_overlay_start_1:
0x0: {  	(tag) =	ssettag $0x1  }
0x1: {  	s5 =	rddreg [dreg:$0x0]  }
0x2: {  	s2 =	rddreg [dreg:$0x1]  }
0x3: {  	s0 =	rddreg [dreg:$0x2];
	s3 =	simm.s32 $0x0;
	s1 =	stileid.u32  }
0x4: {  	s8 =	srdreg.scid;
	s18 =	simm.s32 $0xC000;
	s19 =	simm.s32 $0x1  }
0x5: {  	s20 =	simm.s32 $0x2;
	s21 =	simm.s32 $0x4F80;
	s22 =	simm.s32 $0x9F00  }
0x6: {  	s23 =	simm.s32 $0x9F80;
	[smem:$0x7FF] =	sst s3;
	s7 =	smul.u32 $0xA000, s1  }
0x7: {  	s4 =	sadd.s32 $0xC0200, s5;
	s6 =	smul.u32 $0xA00, s1;
	s9 =	sadd.s32 $0x98200, s5  }
0x8: {  	s8 =	sand.u32 $0x1, s8;
	s13 =	smul.u32 $0x280, s1;
	s14 =	sadd.s32 $0x1B0200, s5  }
0x9: {  	s31 =	sshll.u32 s1, $0x6;
	_ =	strace $0x8000004A;
	s11 =	sshll.u32 s8, $0x4  }
0xa: {  	s12 =	ssub.s32 $0x2, s8;
	s15 =	smul.u32 $0x2800, s8;
	s8 =	sor.u32 $0x2, s8  }
0xb: {  	s10 =	sshrl.u32 s7, $0x3;
	s6 =	sadd.s32 s6, s5;
	s11 =	sor.u32 s1, s11  }
0xc: {  	s24 =	sshrl.u32 s12, $0x1;
	s16 =	sshll.u32 s8, $0x4;
	s8 =	smul.u32 $0x2800, s8  }
0xd: {  	s17 =	sadd.s32 s7, s2;
	s10 =	sadd.s32 s10, s5;
	s11 =	smul.u32 $0xA00, s11  }
0xe: {  	s12 =	ssub.s32 s12, s24;
	s5 =	sadd.s32 $0x2000, s6;
	s25 =	sor.u32 s1, s16  }
0xf: {  	s26 =	sadd.s32 s13, s15;
	s15 =	sshrl.u32 s17, $0x3;
	s16 =	simm.s32 $0x80  }
0x10: {  	s17 =	simm.s32 $0xA000;
	s24 =	simm.s32 $0x0;
	s28 =	smul.u32 $0xA00, s25  }
0x11: {  	s8 =	sadd.s32 s13, s8;
	s7 =	sadd.s32 $0x54A00, s10;
	s29 =	sshll.u32 s26, $0x3  }
0x12: {  	s13 =	simm.s32 $0x3;
	s6 =	sadd.s32 s9, s11;
	s30 =	sshll.u32 s8, $0x3  }
0x13: {  	s8 =	sadd.s32 s14, s29;
	s11 =	smax.u32 s12, $0x1;
	s12 =	simm.s32 $0x5000  }
0x14: {  	s9 =	sadd.s32 s9, s28;
	s10 =	sadd.s32 s14, s30;
	s14 =	sor.u32 $0x1C03, s31  }
.LBB2_1:
0x15: {  	[tilespmem:s12], [sflag:$0x3] =	stream.linear.gather [hbm4b:s5+s3], $0x5000, $0x38;
	[tilespmem:$0x18000] =	vst v63  }
0x16: {  	_ =	swait.ge [sflag:s13], $0x5000  }
0x17: {  	[sflag:s13] =	ssyncset.done $0x0  }
0x18: {  	[sflag:s13] =	ssyncadd.s32 $0xFFFFB000  }
0x19: {  	[tilespmem:s3], [sflag:$0x3] =	stream.linear.gather [hbm4b:s6+s3], $0x5000, $0x38;
	[tilespmem:$0x18000] =	vst v63  }
0x1a: {  	_ =	swait.ge [sflag:s13], $0x5000  }
0x1b: {  	[sflag:s13] =	ssyncset.done $0x0  }
0x1c: {  	[sflag:s13] =	ssyncadd.s32 $0xFFFFB000  }
0x1d: {  	[spmem:s15], [sflag:s14] =	dma.local [hbm:s7], $0x1400  }
0x1e: {  	_ =	swait.ge [sflag:s13], $0x1400  }
0x1f: {  	[sflag:s13] =	ssyncset.done $0x0  }
0x20: {  	[sflag:s13] =	ssyncadd.s32 $0xFFFFEC00  }
0x21: {  	[bflag:$0x0] =	sbarrier.arrive $0xFFFF  }
0x22: {  	[tilespmem:s17], [sflag:$0x1] =	stream.indirect.gather [hbm4b:s4+s16], $0x40, s3, s16, $0xb8;
	[tilespmem:$0x18000] =	vst v63  }
0x23: {  	s25 =	simm.s32 $0x80  }
0x24: {  	[tilespmem:s18], [sflag:$0x2] =	stream.indirect.gather [hbm4b:s4+s16], $0x40, s25, s16, $0xb8;
	[tilespmem:$0x18000] =	vst v63  }
0x25: {  	_ =	swait.ge [sflag:s19], $0x2000  }
0x26: {  	[sflag:s19] =	ssyncset.done $0x0  }
0x27: {  	s29 =	simm.s32 $0x5000;
	[sflag:s19] =	ssyncadd.s32 $0xFFFFE000  }
0x28: {  	[spmem:s2] =	stream.indirect.scatter.add.f32 [tilespmem:s17], [sflag:$0x3], $0x40, s29, s16, $0xb8;
	[tilespmem:$0x18000] =	vst v63  }
0x29: {  	_ =	swait.ge [sflag:s13], $0x2000  }
0x2a: {  	[sflag:s13] =	ssyncset.done $0x0  }
0x2b: {  	s30 =	simm.s32 $0x100;
	[sflag:s13] =	ssyncadd.s32 $0xFFFFE000  }
0x2c: {  	[tilespmem:s17], [sflag:$0x1] =	stream.indirect.gather [hbm4b:s4+s16], $0x40, s30, s16, $0xb8;
	[tilespmem:$0x18000] =	vst v63  }
0x2d: {  	_ =	swait.ge [sflag:s20], $0x2000  }
0x2e: {  	[sflag:s20] =	ssyncset.done $0x0  }
0x2f: {  	s31 =	simm.s32 $0x5080;
	[sflag:s20] =	ssyncadd.s32 $0xFFFFE000  }
0x30: {  	[spmem:s2] =	stream.indirect.scatter.add.f32 [tilespmem:s18], [sflag:$0x3], $0x40, s31, s16, $0xb8;
	[tilespmem:$0x18000] =	vst v63  }
0x31: {  	_ =	swait.ge [sflag:s13], $0x2000  }
0x32: {  	s26 =	simm.s32 $0x800;
	s25 =	simm.s32 $0x100;
	[sflag:s13] =	ssyncset.done $0x0  }
.LBB2_2:
0x33: {  	s28 =	sadd.s32 $0x80, s25  }
0x34: {  	[sflag:s13] =	ssyncadd.s32 $0xFFFFE000;
	s29 =	smov.u32 s26;
	s30 =	sadd.s32 $0x400, s26  }
0x35: {  	[tilespmem:s18], [sflag:$0x2] =	stream.indirect.gather [hbm4b:s4+s16], $0x40, s28, s16, $0xb8;
	[tilespmem:$0x18000] =	vst v63  }
0x36: {  	p0 =	sne.s32 s26, $0x13800;
	_ =	swait.ge [sflag:s19], $0x2000  }
0x37: {  	[sflag:s19] =	ssyncset.done $0x0  }
0x38: {  	s26 =	sadd.s32 $0x5000, s25;
	[sflag:s19] =	ssyncadd.s32 $0xFFFFE000  }
0x39: {  	[spmem:s2] =	stream.indirect.scatter.add.f32 [tilespmem:s17], [sflag:$0x3], $0x40, s26, s16, $0xb8;
	[tilespmem:$0x18000] =	vst v63  }
0x3a: {  	_ =	swait.ge [sflag:s13], $0x2000  }
0x3b: {  	[sflag:s13] =	ssyncset.done $0x0  }
0x3c: {  	s26 =	sadd.s32 $0x100, s25;
	[sflag:s13] =	ssyncadd.s32 $0xFFFFE000  }
0x3d: {  	[tilespmem:s17], [sflag:$0x1] =	stream.indirect.gather [hbm4b:s4+s16], $0x40, s26, s16, $0xb8;
	[tilespmem:$0x18000] =	vst v63  }
0x3e: {  	_ =	swait.ge [sflag:s20], $0x2000  }
.Ltmp0:
0x3f: {  	[sflag:s20] =	ssyncset.done $0x0;
	(pc) =	sbr.rel @p0 .LBB2_2-.Ltmp0, $4  }
0x40: {  	s25 =	sadd.s32 $0x5080, s25;
	[sflag:s20] =	ssyncadd.s32 $0xFFFFE000  }
0x41: {  	[spmem:s2] =	stream.indirect.scatter.add.f32 [tilespmem:s18], [sflag:$0x3], $0x40, s25, s16, $0xb8;
	[tilespmem:$0x18000] =	vst v63  }
0x42: {  	_ =	swait.ge [sflag:s13], $0x2000  }
0x43: {  	s26 =	smov.u32 s30;
	s25 =	sshra.s32 s29, $0x2;
	[sflag:s13] =	ssyncset.done $0x0  }
0x44: {  	s26 =	sadd.s32 $0x80, s25;
	[sflag:s13] =	ssyncadd.s32 $0xFFFFE000  }
0x45: {  	[tilespmem:s18], [sflag:$0x2] =	stream.indirect.gather [hbm4b:s4+s16], $0x40, s26, s16, $0xb8;
	[tilespmem:$0x18000] =	vst v63  }
0x46: {  	_ =	swait.ge [sflag:s19], $0x2000  }
0x47: {  	[sflag:s19] =	ssyncset.done $0x0  }
0x48: {  	s29 =	sadd.s32 $0x5000, s25;
	[sflag:s19] =	ssyncadd.s32 $0xFFFFE000  }
0x49: {  	[spmem:s2] =	stream.indirect.scatter.add.f32 [tilespmem:s17], [sflag:$0x3], $0x40, s29, s16, $0xb8;
	[tilespmem:$0x18000] =	vst v63  }
0x4a: {  	_ =	swait.ge [sflag:s13], $0x2000  }
0x4b: {  	[sflag:s13] =	ssyncset.done $0x0  }
0x4c: {  	s30 =	sadd.s32 $0x100, s25;
	[sflag:s13] =	ssyncadd.s32 $0xFFFFE000  }
0x4d: {  	[tilespmem:s17], [sflag:$0x1] =	stream.indirect.gather [hbm4b:s4+s16], $0x40, s30, s16, $0xb8;
	[tilespmem:$0x18000] =	vst v63  }
0x4e: {  	_ =	swait.ge [sflag:s20], $0x2000  }
0x4f: {  	[sflag:s20] =	ssyncset.done $0x0  }
0x50: {  	s31 =	sadd.s32 $0x5080, s25;
	[sflag:s20] =	ssyncadd.s32 $0xFFFFE000  }
0x51: {  	[spmem:s2] =	stream.indirect.scatter.add.f32 [tilespmem:s18], [sflag:$0x3], $0x40, s31, s16, $0xb8;
	[tilespmem:$0x18000] =	vst v63  }
0x52: {  	_ =	swait.ge [sflag:s13], $0x2000  }
0x53: {  	[sflag:s13] =	ssyncset.done $0x0  }
0x54: {  	[sflag:s13] =	ssyncadd.s32 $0xFFFFE000  }
0x55: {  	[tilespmem:s18], [sflag:$0x2] =	stream.indirect.gather [hbm4b:s4+s16], $0x40, s21, s16, $0xb8;
	[tilespmem:$0x18000] =	vst v63  }
0x56: {  	_ =	swait.ge [sflag:s19], $0x2000  }
0x57: {  	[sflag:s19] =	ssyncset.done $0x0  }
0x58: {  	[sflag:s19] =	ssyncadd.s32 $0xFFFFE000  }
0x59: {  	[spmem:s2] =	stream.indirect.scatter.add.f32 [tilespmem:s17], [sflag:$0x3], $0x40, s22, s16, $0xb8;
	[tilespmem:$0x18000] =	vst v63  }
0x5a: {  	_ =	swait.ge [sflag:s13], $0x2000  }
0x5b: {  	[sflag:s13] =	ssyncset.done $0x0  }
0x5c: {  	[sflag:s13] =	ssyncadd.s32 $0xFFFFE000  }
0x5d: {  	_ =	swait.ge [sflag:s20], $0x2000  }
0x5e: {  	[sflag:s20] =	ssyncset.done $0x0  }
0x5f: {  	[sflag:s20] =	ssyncadd.s32 $0xFFFFE000  }
0x60: {  	[spmem:s2] =	stream.indirect.scatter.add.f32 [tilespmem:s18], [sflag:$0x3], $0x40, s23, s16, $0xb8;
	[tilespmem:$0x18000] =	vst v63  }
0x61: {  	_ =	swait.ge [sflag:s13], $0x2000  }
0x62: {  	[sflag:s13] =	ssyncset.done $0x0  }
0x63: {  	[sflag:s13] =	ssyncadd.s32 $0xFFFFE000  }
0x64: {  	[bflag:$0x0] =	sbarrier.arrive $0xFFFF  }
0x65: {  	[hbm:s8], [sflag:s14] =	dma.local [spmem:s15], $0x1400  }
0x66: {  	_ =	swait.ge [sflag:s13], $0x1400  }
0x67: {  	[sflag:s13] =	ssyncset.done $0x0  }
0x68: {  	s26 =	simm.s32 $0x0;
	[sflag:s13] =	ssyncadd.s32 $0xFFFFEC00  }
0x69: {  	[tilespmem:s26], [sflag:$0x3] =	stream.linear.gather [hbm4b:s9+s26], $0x5000, $0x38;
	[tilespmem:$0x18000] =	vst v63  }
0x6a: {  	_ =	swait.ge [sflag:s13], $0x5000  }
0x6b: {  	[sflag:s13] =	ssyncset.done $0x0  }
0x6c: {  	[sflag:s13] =	ssyncadd.s32 $0xFFFFB000  }
0x6d: {  	[spmem:s15], [sflag:s14] =	dma.local [hbm:s7], $0x1400  }
0x6e: {  	_ =	swait.ge [sflag:s13], $0x1400  }
0x6f: {  	[sflag:s13] =	ssyncset.done $0x0  }
0x70: {  	[sflag:s13] =	ssyncadd.s32 $0xFFFFEC00  }
0x71: {  	[bflag:$0x0] =	sbarrier.arrive $0xFFFF  }
0x72: {  	[tilespmem:s17], [sflag:$0x1] =	stream.indirect.gather [hbm4b:s4+s16], $0x40, s26, s16, $0xb8;
	[tilespmem:$0x18000] =	vst v63  }
0x73: {  	s28 =	simm.s32 $0x80  }
0x74: {  	[tilespmem:s18], [sflag:$0x2] =	stream.indirect.gather [hbm4b:s4+s16], $0x40, s28, s16, $0xb8;
	[tilespmem:$0x18000] =	vst v63  }
0x75: {  	_ =	swait.ge [sflag:s19], $0x2000  }
0x76: {  	[sflag:s19] =	ssyncset.done $0x0  }
0x77: {  	s29 =	simm.s32 $0x5000;
	[sflag:s19] =	ssyncadd.s32 $0xFFFFE000  }
0x78: {  	[spmem:s2] =	stream.indirect.scatter.add.f32 [tilespmem:s17], [sflag:$0x3], $0x40, s29, s16, $0xb8;
	[tilespmem:$0x18000] =	vst v63  }
0x79: {  	_ =	swait.ge [sflag:s13], $0x2000  }
0x7a: {  	[sflag:s13] =	ssyncset.done $0x0  }
0x7b: {  	s30 =	simm.s32 $0x100;
	[sflag:s13] =	ssyncadd.s32 $0xFFFFE000  }
0x7c: {  	[tilespmem:s17], [sflag:$0x1] =	stream.indirect.gather [hbm4b:s4+s16], $0x40, s30, s16, $0xb8;
	[tilespmem:$0x18000] =	vst v63  }
0x7d: {  	_ =	swait.ge [sflag:s20], $0x2000  }
0x7e: {  	[sflag:s20] =	ssyncset.done $0x0  }
0x7f: {  	s31 =	simm.s32 $0x5080;
	[sflag:s20] =	ssyncadd.s32 $0xFFFFE000  }
0x80: {  	[spmem:s2] =	stream.indirect.scatter.add.f32 [tilespmem:s18], [sflag:$0x3], $0x40, s31, s16, $0xb8;
	[tilespmem:$0x18000] =	vst v63  }
0x81: {  	_ =	swait.ge [sflag:s13], $0x2000  }
0x82: {  	s25 =	simm.s32 $0x100;
	s26 =	simm.s32 $0x800;
	[sflag:s13] =	ssyncset.done $0x0  }
.LBB2_4:
0x83: {  	s28 =	sadd.s32 $0x80, s25  }
0x84: {  	[sflag:s13] =	ssyncadd.s32 $0xFFFFE000;
	s29 =	smov.u32 s26;
	s30 =	sadd.s32 $0x400, s26  }
0x85: {  	[tilespmem:s18], [sflag:$0x2] =	stream.indirect.gather [hbm4b:s4+s16], $0x40, s28, s16, $0xb8;
	[tilespmem:$0x18000] =	vst v63  }
0x86: {  	p0 =	sne.s32 s26, $0x13800;
	_ =	swait.ge [sflag:s19], $0x2000  }
0x87: {  	[sflag:s19] =	ssyncset.done $0x0  }
0x88: {  	s26 =	sadd.s32 $0x5000, s25;
	[sflag:s19] =	ssyncadd.s32 $0xFFFFE000  }
0x89: {  	[spmem:s2] =	stream.indirect.scatter.add.f32 [tilespmem:s17], [sflag:$0x3], $0x40, s26, s16, $0xb8;
	[tilespmem:$0x18000] =	vst v63  }
0x8a: {  	_ =	swait.ge [sflag:s13], $0x2000  }
0x8b: {  	[sflag:s13] =	ssyncset.done $0x0  }
0x8c: {  	s26 =	sadd.s32 $0x100, s25;
	[sflag:s13] =	ssyncadd.s32 $0xFFFFE000  }
0x8d: {  	[tilespmem:s17], [sflag:$0x1] =	stream.indirect.gather [hbm4b:s4+s16], $0x40, s26, s16, $0xb8;
	[tilespmem:$0x18000] =	vst v63  }
0x8e: {  	_ =	swait.ge [sflag:s20], $0x2000  }
.Ltmp1:
0x8f: {  	[sflag:s20] =	ssyncset.done $0x0;
	(pc) =	sbr.rel @p0 .LBB2_4-.Ltmp1, $4  }
0x90: {  	s25 =	sadd.s32 $0x5080, s25;
	[sflag:s20] =	ssyncadd.s32 $0xFFFFE000  }
0x91: {  	[spmem:s2] =	stream.indirect.scatter.add.f32 [tilespmem:s18], [sflag:$0x3], $0x40, s25, s16, $0xb8;
	[tilespmem:$0x18000] =	vst v63  }
0x92: {  	_ =	swait.ge [sflag:s13], $0x2000  }
0x93: {  	s26 =	smov.u32 s30;
	s25 =	sshra.s32 s29, $0x2;
	[sflag:s13] =	ssyncset.done $0x0  }
0x94: {  	s26 =	sadd.s32 $0x80, s25;
	[sflag:s13] =	ssyncadd.s32 $0xFFFFE000  }
0x95: {  	[tilespmem:s18], [sflag:$0x2] =	stream.indirect.gather [hbm4b:s4+s16], $0x40, s26, s16, $0xb8;
	[tilespmem:$0x18000] =	vst v63  }
0x96: {  	_ =	swait.ge [sflag:s19], $0x2000  }
0x97: {  	[sflag:s19] =	ssyncset.done $0x0  }
0x98: {  	s29 =	sadd.s32 $0x5000, s25;
	[sflag:s19] =	ssyncadd.s32 $0xFFFFE000  }
0x99: {  	[spmem:s2] =	stream.indirect.scatter.add.f32 [tilespmem:s17], [sflag:$0x3], $0x40, s29, s16, $0xb8;
	[tilespmem:$0x18000] =	vst v63  }
0x9a: {  	_ =	swait.ge [sflag:s13], $0x2000  }
0x9b: {  	[sflag:s13] =	ssyncset.done $0x0  }
0x9c: {  	s30 =	sadd.s32 $0x100, s25;
	[sflag:s13] =	ssyncadd.s32 $0xFFFFE000  }
0x9d: {  	[tilespmem:s17], [sflag:$0x1] =	stream.indirect.gather [hbm4b:s4+s16], $0x40, s30, s16, $0xb8;
	[tilespmem:$0x18000] =	vst v63  }
0x9e: {  	_ =	swait.ge [sflag:s20], $0x2000  }
0x9f: {  	[sflag:s20] =	ssyncset.done $0x0  }
0xa0: {  	s31 =	sadd.s32 $0x5080, s25;
	[sflag:s20] =	ssyncadd.s32 $0xFFFFE000  }
0xa1: {  	[spmem:s2] =	stream.indirect.scatter.add.f32 [tilespmem:s18], [sflag:$0x3], $0x40, s31, s16, $0xb8;
	[tilespmem:$0x18000] =	vst v63  }
0xa2: {  	_ =	swait.ge [sflag:s13], $0x2000  }
0xa3: {  	[sflag:s13] =	ssyncset.done $0x0  }
0xa4: {  	[sflag:s13] =	ssyncadd.s32 $0xFFFFE000  }
0xa5: {  	[tilespmem:s18], [sflag:$0x2] =	stream.indirect.gather [hbm4b:s4+s16], $0x40, s21, s16, $0xb8;
	[tilespmem:$0x18000] =	vst v63  }
0xa6: {  	_ =	swait.ge [sflag:s19], $0x2000  }
0xa7: {  	[sflag:s19] =	ssyncset.done $0x0  }
0xa8: {  	[sflag:s19] =	ssyncadd.s32 $0xFFFFE000  }
0xa9: {  	[spmem:s2] =	stream.indirect.scatter.add.f32 [tilespmem:s17], [sflag:$0x3], $0x40, s22, s16, $0xb8;
	[tilespmem:$0x18000] =	vst v63  }
0xaa: {  	_ =	swait.ge [sflag:s13], $0x2000  }
0xab: {  	[sflag:s13] =	ssyncset.done $0x0  }
0xac: {  	[sflag:s13] =	ssyncadd.s32 $0xFFFFE000  }
0xad: {  	_ =	swait.ge [sflag:s20], $0x2000  }
0xae: {  	[sflag:s20] =	ssyncset.done $0x0  }
0xaf: {  	[sflag:s20] =	ssyncadd.s32 $0xFFFFE000  }
0xb0: {  	[spmem:s2] =	stream.indirect.scatter.add.f32 [tilespmem:s18], [sflag:$0x3], $0x40, s23, s16, $0xb8;
	[tilespmem:$0x18000] =	vst v63  }
0xb1: {  	_ =	swait.ge [sflag:s13], $0x2000  }
0xb2: {  	s24 =	sadd.s32 $0x1, s24;
	[sflag:s13] =	ssyncset.done $0x0  }
0xb3: {  	p0 =	sne.s32 s24, s11;
	[sflag:s13] =	ssyncadd.s32 $0xFFFFE000  }
.Ltmp2:
0xb4: {  	[bflag:$0x0] =	sbarrier.arrive $0xFFFF;
	(pc) =	sbr.rel @p0 .LBB2_1-.Ltmp2, $4  }
0xb5: {  	[hbm:s10], [sflag:s14] =	dma.local [spmem:s15], $0x1400  }
0xb6: {  	_ =	swait.ge [sflag:s13], $0x1400  }
0xb7: {  	[sflag:s13] =	ssyncset.done $0x0  }
0xb8: {  	[sflag:s13] =	ssyncadd.s32 $0xFFFFEC00  }
0xb9: {  	_ =	sfence.sel $0x180000  }
0xba: {  	[bflag:$0x0] =	sbarrier.arrive $0xFFFF  }
0xbb: {  	p0 =	sne.s32 s1, $0x0;
	_ =	strace $0x9000004A  }
0xbc: {  	s0 =	sadd.s32 @!p0 $0x100000, s0;
	[bflag:$0x2] =	sbarrier.arrive $0xFFFF  }
0xbd: {  	[sflag:s0] =	ssyncadd.tile.s32 @!p0 $0x1;
	_ =	shalt  }
.Lfunc_end2:
_tile_overlayer_lowered:
.L_overlay_start_2:
0xbe: {  	(tag) =	ssettag $0x2  }
0xbf: {  	s0 =	rddreg [dreg:$0x0];
	s2 =	stileid.u32  }
0xc0: {  	s1 =	rddreg [dreg:$0x1];
	p0 =	sne.s32 s2, $0x0  }
0xc1: {  	s3 =	rddreg [dreg:$0x2];
	[bflag:$0x3] =	sbarrier.arrive $0xFFFF;
	s2 =	simm.s32 @!p0 $0x1C03  }
0xc2: {  	[timem:s3], [sflag:s2] =	dma.local @!p0 [hbm:s0], s1  }
0xc3: {  	s0 =	simm.s32 @!p0 $0x3  }
0xc4: {  	_ =	swait.ge @!p0 [sflag:s0], s1  }
0xc5: {  	s1 =	ssub.s32 @!p0 $0x0, s1;
	[sflag:s0] =	ssyncset.done @!p0 $0x0  }
0xc6: {  	[sflag:s0] =	ssyncadd.s32 @!p0 s1  }
0xc7: {  	[bflag:$0x3] =	sbarrier.arrive $0xFFFF  }
0xc8: {  	_ =	shalt  }

// kernel: kernel.16.cloned.1.call-start
scs
__scs_entry_jumppad:
0x0: {  	(pc) =	sbr.rel $0x88, $3  }
0x1: {  	(tag) =	ssettag $0x0;
	lr =	simm.s32 $0x1  }
0x2: {  	[smem:$0x3F94] =	sst lr;
	_ =	strace $0xD0000000  }
0x3: {  	_ = 	snop  }
0x4: {  	_ = 	snop  }
0x5: {  	_ = 	snop  }
0x6: {  	_ = 	snop  }
0x7: {  	_ = 	snop  }
__scs_overlays_trampoline_lowered:
0x8: {  	[smem:$0x3FA3] =	sst s0  }
0x9: {  	[smem:$0x3FA4] =	sst s1  }
0xa: {  	[smem:$0x3FA5] =	sst s2  }
0xb: {  	[smem:$0x3FA6] =	sst s3  }
0xc: {  	[smem:$0x3FA7] =	sst s4  }
0xd: {  	[smem:$0x3FA8] =	sst s5  }
0xe: {  	[smem:$0x3FA9] =	sst s6  }
0xf: {  	[smem:$0x3FAA] =	sst s7  }
0x10: {  	[smem:$0x3FAB] =	sst s8  }
0x11: {  	[smem:$0x3FAC] =	sst s9;
	s0 =	simm.s32 @!p0 $0x0  }
0x12: {  	s1 =	sld [smem:$0x3F92];
	s0 =	simm.s32 @p0 $0x1  }
0x13: {  	[smem:$0x3FAD] =	sst s0;
	s0 =	simm.s32 @!p1 $0x0  }
0x14: {  	s2 =	sld [smem:$0x3F91];
	s0 =	simm.s32 @p1 $0x1  }
0x15: {  	[smem:$0x3FAE] =	sst s0;
	s0 =	simm.s32 @!p2 $0x0  }
0x16: {  	s3 =	sld [smem:$0x3FDB];
	s0 =	simm.s32 @p2 $0x1  }
0x17: {  	s4 =	simm.s32 $0x1BF5;
	[smem:$0x3FB0] =	sst s0  }
0x18: {  	s0 =	sld [smem:$0x3F93];
	_ =	swait.ge [sflag:s4], $0x0  }
0x19: {  	s7 =	sld [smem:$0x3F94]  }
0x1a: {  	s8 =	sadd.s32 $0xFFFFE003, lr  }
0x1b: {  	s9 =	sadd.s32 $0xFFFFFEF7, lr;
	s5 =	simm.s32 $0xFFFFFFFF;
	p2 =	slt.u32 s8, $0xFFFFF086  }
0x1c: {  	p1 =	slt.u32 s9, $0xF7A;
	s5 =	simm.s32 @!p2 $0x0  }
0x1d: {  	s5 =	simm.s32 @p1 $0x1;
	p0 =	seq.s32 s7, s2  }
0x1e: {  	s7 =	smul.u32 @!p0 $0xF7A, s2;
	p2 =	seq.s32 @!p0 s5, $0x0  }
0x1f: {  	s9 =	smul.u32 $0xF7A, s1;
	s8 =	simm.s32 @!p0 $0x1BF5;
	p2 =	por !p2, p0  }
0x20: {  	[sflag:s8] =	ssyncset.s32 @!p0 $0xFFFFF086;
	s6 =	sadd.s32 @!p0 s3, s7;
	s7 =	simm.s32 @!p0 $0x108  }
0x21: {  	s3 =	sadd.s32 s3, s9;
	s6 =	sadd.s32 @!p0 $0x88, s6;
	s7 =	simm.s32 @p2 $0x1082  }
0x22: {  	[simem:s7], [sflag:s8] =	dma.local @!p0 [hbm:s6], $0xF7A  }
0x23: {  	s9 =	sor.u32 $0xD0000000, s2;
	s6 =	simm.s32 $0x108;
	_ =	swait.ge @!p0 [sflag:s8], $0x0  }
0x24: {  	s3 =	sadd.s32 $0x88, s3;
	s6 =	simm.s32 @!p1 $0x1082;
	[sflag:s4] =	ssyncset.s32 $0xFFFFF086  }
0x25: {  	[simem:s6], [sflag:s4] =	dma.local [hbm:s3], $0xF7A  }
0x26: {  	[smem:$0x3F94] =	sst s1;
	(tag) =	ssettag s2;
	_ =	strace s9  }
0x27: {  	s1 =	sld [smem:$0x3FA4]  }
0x28: {  	s2 =	sld [smem:$0x3FA5]  }
0x29: {  	s4 =	sld [smem:$0x3FA7]  }
0x2a: {  	p0 =	seq.s32 s5, $0x0;
	s5 =	sld [smem:$0x3FA8]  }
0x2b: {  	s6 =	sld [smem:$0x3FA9]  }
0x2c: {  	s7 =	sld [smem:$0x3FAA]  }
0x2d: {  	s3 =	simm.s32 $0x108;
	s8 =	sld [smem:$0x3FAB]  }
0x2e: {  	s3 =	simm.s32 @!p0 $0x1082;
	s9 =	sld [smem:$0x3FAC]  }
0x2f: {  	lr =	sadd.s32 s0, s3;
	s0 =	sld [smem:$0x3FA3]  }
0x30: {  	s3 =	sld [smem:$0x3FA6]  }
0x31: {  	[smem:$0x3FAF] =	sst s10  }
0x32: {  	s10 =	sld [smem:$0x3FAD];
	_ =	sdelay $0x3  }
0x33: {  	p0 =	seq.s32 s10, $0x1;
	s10 =	sld [smem:$0x3FAF];
	_ =	sdelay $0x3  }
0x34: {  	[smem:$0x3FAF] =	sst s10  }
0x35: {  	s10 =	sld [smem:$0x3FAE];
	_ =	sdelay $0x3  }
0x36: {  	p1 =	seq.s32 s10, $0x1;
	s10 =	sld [smem:$0x3FAF];
	_ =	sdelay $0x3  }
0x37: {  	[smem:$0x3FAF] =	sst s10  }
0x38: {  	s10 =	sld [smem:$0x3FB0]  }
0x39: {  	_ = 	snop;
	(pc) =	sbr.ind lr, $3  }
0x3a: {  	_ = 	snop  }
0x3b: {  	_ = 	snop  }
0x3c: {  	p2 =	seq.s32 s10, $0x1;
	s10 =	sld [smem:$0x3FAF]  }
0x3d: {  	_ =	shalt  }
0x3e: {  	_ =	shalt  }
0x3f: {  	_ =	shalt  }
0x40: {  	_ =	shalt  }
0x41: {  	_ =	shalt  }
0x42: {  	_ =	shalt  }
0x43: {  	_ =	shalt  }
0x44: {  	_ =	shalt  }
0x45: {  	_ =	shalt  }
0x46: {  	_ =	shalt  }
0x47: {  	_ =	shalt  }
0x48: {  	_ =	shalt  }
0x49: {  	_ =	shalt  }
0x4a: {  	_ =	shalt  }
0x4b: {  	_ =	shalt  }
0x4c: {  	_ =	shalt  }
0x4d: {  	_ =	shalt  }
0x4e: {  	_ =	shalt  }
0x4f: {  	_ =	shalt  }
0x50: {  	_ =	shalt  }
0x51: {  	_ =	shalt  }
0x52: {  	_ =	shalt  }
0x53: {  	_ =	shalt  }
0x54: {  	_ =	shalt  }
0x55: {  	_ =	shalt  }
0x56: {  	_ =	shalt  }
0x57: {  	_ =	shalt  }
0x58: {  	_ =	shalt  }
0x59: {  	_ =	shalt  }
0x5a: {  	_ =	shalt  }
0x5b: {  	_ =	shalt  }
0x5c: {  	_ =	shalt  }
0x5d: {  	_ =	shalt  }
0x5e: {  	_ =	shalt  }
0x5f: {  	_ =	shalt  }
0x60: {  	_ =	shalt  }
0x61: {  	_ =	shalt  }
0x62: {  	_ =	shalt  }
0x63: {  	_ =	shalt  }
0x64: {  	_ =	shalt  }
0x65: {  	_ =	shalt  }
0x66: {  	_ =	shalt  }
0x67: {  	_ =	shalt  }
0x68: {  	_ =	shalt  }
0x69: {  	_ =	shalt  }
0x6a: {  	_ =	shalt  }
0x6b: {  	_ =	shalt  }
0x6c: {  	_ =	shalt  }
0x6d: {  	_ =	shalt  }
0x6e: {  	_ =	shalt  }
0x6f: {  	_ =	shalt  }
0x70: {  	_ =	shalt  }
0x71: {  	_ =	shalt  }
0x72: {  	_ =	shalt  }
0x73: {  	_ =	shalt  }
0x74: {  	_ =	shalt  }
0x75: {  	_ =	shalt  }
0x76: {  	_ =	shalt  }
0x77: {  	_ =	shalt  }
0x78: {  	_ =	shalt  }
0x79: {  	_ =	shalt  }
0x7a: {  	_ =	shalt  }
0x7b: {  	_ =	shalt  }
0x7c: {  	_ =	shalt  }
0x7d: {  	_ =	shalt  }
0x7e: {  	_ =	shalt  }
0x7f: {  	_ =	shalt  }
0x80: {  	_ =	shalt  }
0x81: {  	_ =	shalt  }
0x82: {  	_ =	shalt  }
0x83: {  	_ =	shalt  }
0x84: {  	_ =	shalt  }
0x85: {  	_ =	shalt  }
0x86: {  	_ =	shalt  }
0x87: {  	_ =	shalt  }
.Lfunc_end0:
.L_simem_size_0:
called_computation.2_lowered:
.L_overlay_start_0:
0x88: {  	s2 =	sld [smem:$0x3FD9]  }
0x89: {  	s3 =	sld [smem:$0x3FFE];
	_ =	sdelay $0x1  }
0x8a: {  	s1 =	srdreg.scid  }
0x8b: {  	s0 =	sand.u32 $0x1, s1  }
0x8c: {  	s16 =	sshll.u32 s0, $0xA;
	s2 =	sadd.s32 s3, s2  }
0x8d: {  	s2 =	sadd.s32 s2, s16  }
0x8e: {  	[smem:$0x3FBB] =	sst s2  }
0x8f: {  	_ = 	snop  }
0x90: {  	(tm) =	ssettm $0x1  }
0x91: {  	s17 =	sld [smem:$0x3FFB];
	_ =	sdelay $0x3  }
0x92: {  	_ =	strace s17  }
0x93: {  	s2 =	sld [smem:$0x3FFC];
	_ =	sdelay $0x3  }
0x94: {  	_ =	strace s2  }
0x95: {  	s2 =	sld [smem:$0x3FFD];
	_ =	sdelay $0x3  }
0x96: {  	_ =	strace s2  }
0x97: {  	_ =	strace $0x8FFFFFFF  }
0x98: {  	s18 =	sld [smem:$0x3FDB];
	_ =	sdelay $0x1  }
0x99: {  	s19 =	simm.s32 $_scs_section_size  }
0x9a: {  	s4 =	simm.s32 $_size__tile_overlayer_lowered;
	s5 =	simm.s32 $_tile_overlayer_lowered  }
0x9b: {  	s22 =	simm.s32 $0x1BFF;
	s21 =	sshll.u32 s5, $0x1;
	s2 =	sadd.s32 s19, s18  }
0x9c: {  	s6 =	simm.s32 $0x0;
	s20 =	sshll.u32 s4, $0x1;
	s4 =	sadd.s32 s21, s2  }
0x9d: {  	[timem:s6], [sflag:s22] =	dma.local [hbm:s4], s20  }
0x9e: {  	_ =	swait.ge [sflag:s22], s20  }
0x9f: {  	s3 =	ssub.s32 $0x0, s20;
	[sflag:s22] =	ssyncset.done $0x0  }
0xa0: {  	[sflag:s22] =	ssyncadd.s32 s3;
	_ =	sdelay $0x1  }
0xa1: {  	s23 =	simm.s32 $0x1B8B  }
0xa2: {  	_ =	swait.ge [sflag:s23], $0x1  }
0xa3: {  	[sflag:s23] =	ssyncset.done $0x0  }
0xa4: {  	s25 =	simm.s32 $0x1B8E;
	s24 =	sld [smem:$0x3FFE];
	[sflag:s23] =	ssyncadd.s32 $0xFFFFFFFF  }
0xa5: {  	s26 =	simm.s32 $execute0_lowered;
	[smem:$0x3FD2] =	sst s25  }
0xa6: {  	s4 =	sshll.u32 s26, $0x1;
	_ =	strace $0x8000004C;
	[dreg:$0x1] =	wrdreg $0xFFFFFFFF  }
0xa7: {  	s28 =	simm.s32 $_size_execute0_lowered;
	s2 =	sadd.s32 s2, s4;
	[dreg:$0x0] =	wrdreg $0x0  }
0xa8: {  	s4 =	sshll.u32 s28, $0x1;
	[dreg:$0x2] =	wrdreg s2  }
0xa9: {  	[dreg:$0x3] =	wrdreg s4  }
0xaa: {  	[dreg:$0x4] =	wrdreg $0xC0  }
0xab: {  	_ =	task [dreg:s6], $0x5FFFF  }
0xac: {  	[dreg:$0x1] =	wrdreg $0xFFFFFFFF  }
0xad: {  	[dreg:$0x0] =	wrdreg $0x60  }
0xae: {  	[dreg:$0x2] =	wrdreg s24  }
0xaf: {  	[dreg:$0x3] =	wrdreg $0xE0000  }
0xb0: {  	[dreg:$0x4] =	wrdreg $0x9  }
0xb1: {  	_ =	task.clear_ibuf [dreg:s6], $0x5FFFF;
	_ =	strace $0x9000004C  }
0xb2: {  	s29 =	simm.s32 $0x9;
	_ =	strace $0x8000004E  }
0xb3: {  	_ =	swait.ge [sflag:s29], $0x1  }
0xb4: {  	[sflag:s29] =	ssyncadd.s32 $0xFFFFFFFF  }
0xb5: {  	_ =	strace $0x9000004E  }
0xb6: {  	_ =	sfence  }
0xb7: {  	s30 =	sld [smem:$0x0];
	_ =	sdelay $0x2  }
0xb8: {  	s31 =	sshll.u32 s1, $0xD;
	s1 =	sshrl.u32 s1, $0x2  }
0xb9: {  	s3 =	sand.u32 $0x4000, s31;
	s1 =	sadd.s32 s1, s30  }
0xba: {  	s0 =	sor.u32 s3, s0;
	s1 =	sshll.u32 s1, $0x11  }
0xbb: {  	s0 =	sor.u32 s1, s0  }
0xbc: {  	s0 =	sadd.s32 $0x8F2B, s0  }
0xbd: {  	[sflag:s0] =	ssyncadd.remote.s32 $0x1  }
0xbe: {  	_ =	sfence.sel $0xFFFF  }
0xbf: {  	[dreg:$0x0] =	wrdreg $0xFFFFFFFF;
	(pc) =	sbr.abs _section_cstart, $3  }
0xc0: {  	[dreg:$0x1] =	wrdreg $0xFFFFFFFF  }
0xc1: {  	_ =	task.clear_ibuf [dreg:s6], $0x2FFFF;
	_ =	strace $0x9FFFFFFF  }
0xc2: {  	(tm) =	ssettm $0x7FFFFFFF  }
0xc3: {  	_ =	shalt  }
tec
execute0_lowered:
.L_overlay_start_1:
0x0: {  	(tag) =	ssettag $0x1  }
0x1: {  	s5 =	rddreg [dreg:$0x0]  }
0x2: {  	s2 =	rddreg [dreg:$0x1]  }
0x3: {  	s0 =	rddreg [dreg:$0x2];
	s3 =	simm.s32 $0x0;
	s1 =	stileid.u32  }
0x4: {  	s8 =	srdreg.scid;
	s18 =	simm.s32 $0xC000;
	s19 =	simm.s32 $0x1  }
0x5: {  	s20 =	simm.s32 $0x2;
	s21 =	simm.s32 $0x4F80;
	s22 =	simm.s32 $0x9F00  }
0x6: {  	s23 =	simm.s32 $0x9F80;
	[smem:$0x7FF] =	sst s3;
	s7 =	smul.u32 $0xA000, s1  }
0x7: {  	s4 =	sadd.s32 $0xC0200, s5;
	s6 =	smul.u32 $0xA00, s1;
	s9 =	sadd.s32 $0x98200, s5  }
0x8: {  	s8 =	sand.u32 $0x1, s8;
	s13 =	smul.u32 $0x280, s1;
	s14 =	sadd.s32 $0x110200, s5  }
0x9: {  	s31 =	sshll.u32 s1, $0x6;
	_ =	strace $0x8000004D;
	s11 =	sshll.u32 s8, $0x4  }
0xa: {  	s12 =	ssub.s32 $0x2, s8;
	s15 =	smul.u32 $0x2800, s8;
	s8 =	sor.u32 $0x2, s8  }
0xb: {  	s10 =	sshrl.u32 s7, $0x3;
	s6 =	sadd.s32 s6, s5;
	s11 =	sor.u32 s1, s11  }
0xc: {  	s24 =	sshrl.u32 s12, $0x1;
	s16 =	sshll.u32 s8, $0x4;
	s8 =	smul.u32 $0x2800, s8  }
0xd: {  	s17 =	sadd.s32 s7, s2;
	s10 =	sadd.s32 s10, s5;
	s11 =	smul.u32 $0xA00, s11  }
0xe: {  	s12 =	ssub.s32 s12, s24;
	s5 =	sadd.s32 $0x2000, s6;
	s25 =	sor.u32 s1, s16  }
0xf: {  	s26 =	sadd.s32 s13, s15;
	s15 =	sshrl.u32 s17, $0x3;
	s16 =	simm.s32 $0x80  }
0x10: {  	s17 =	simm.s32 $0xA000;
	s24 =	simm.s32 $0x0;
	s28 =	smul.u32 $0xA00, s25  }
0x11: {  	s8 =	sadd.s32 s13, s8;
	s7 =	sadd.s32 $0x54A00, s10;
	s29 =	sshll.u32 s26, $0x3  }
0x12: {  	s13 =	simm.s32 $0x3;
	s6 =	sadd.s32 s9, s11;
	s30 =	sshll.u32 s8, $0x3  }
0x13: {  	s8 =	sadd.s32 s14, s29;
	s11 =	smax.u32 s12, $0x1;
	s12 =	simm.s32 $0x5000  }
0x14: {  	s9 =	sadd.s32 s9, s28;
	s10 =	sadd.s32 s14, s30;
	s14 =	sor.u32 $0x1C03, s31  }
.LBB2_1:
0x15: {  	[tilespmem:s12], [sflag:$0x3] =	stream.linear.gather [hbm4b:s5+s3], $0x5000, $0x38;
	[tilespmem:$0x18000] =	vst v63  }
0x16: {  	_ =	swait.ge [sflag:s13], $0x5000  }
0x17: {  	[sflag:s13] =	ssyncset.done $0x0  }
0x18: {  	[sflag:s13] =	ssyncadd.s32 $0xFFFFB000  }
0x19: {  	[tilespmem:s3], [sflag:$0x3] =	stream.linear.gather [hbm4b:s6+s3], $0x5000, $0x38;
	[tilespmem:$0x18000] =	vst v63  }
0x1a: {  	_ =	swait.ge [sflag:s13], $0x5000  }
0x1b: {  	[sflag:s13] =	ssyncset.done $0x0  }
0x1c: {  	[sflag:s13] =	ssyncadd.s32 $0xFFFFB000  }
0x1d: {  	[spmem:s15], [sflag:s14] =	dma.local [hbm:s7], $0x1400  }
0x1e: {  	_ =	swait.ge [sflag:s13], $0x1400  }
0x1f: {  	[sflag:s13] =	ssyncset.done $0x0  }
0x20: {  	[sflag:s13] =	ssyncadd.s32 $0xFFFFEC00  }
0x21: {  	[bflag:$0x0] =	sbarrier.arrive $0xFFFF  }
0x22: {  	[tilespmem:s17], [sflag:$0x1] =	stream.indirect.gather [hbm4b:s4+s16], $0x40, s3, s16, $0xb8;
	[tilespmem:$0x18000] =	vst v63  }
0x23: {  	s25 =	simm.s32 $0x80  }
0x24: {  	[tilespmem:s18], [sflag:$0x2] =	stream.indirect.gather [hbm4b:s4+s16], $0x40, s25, s16, $0xb8;
	[tilespmem:$0x18000] =	vst v63  }
0x25: {  	_ =	swait.ge [sflag:s19], $0x2000  }
0x26: {  	[sflag:s19] =	ssyncset.done $0x0  }
0x27: {  	s29 =	simm.s32 $0x5000;
	[sflag:s19] =	ssyncadd.s32 $0xFFFFE000  }
0x28: {  	[spmem:s2] =	stream.indirect.scatter.add.f32 [tilespmem:s17], [sflag:$0x3], $0x40, s29, s16, $0xb8;
	[tilespmem:$0x18000] =	vst v63  }
0x29: {  	_ =	swait.ge [sflag:s13], $0x2000  }
0x2a: {  	[sflag:s13] =	ssyncset.done $0x0  }
0x2b: {  	s30 =	simm.s32 $0x100;
	[sflag:s13] =	ssyncadd.s32 $0xFFFFE000  }
0x2c: {  	[tilespmem:s17], [sflag:$0x1] =	stream.indirect.gather [hbm4b:s4+s16], $0x40, s30, s16, $0xb8;
	[tilespmem:$0x18000] =	vst v63  }
0x2d: {  	_ =	swait.ge [sflag:s20], $0x2000  }
0x2e: {  	[sflag:s20] =	ssyncset.done $0x0  }
0x2f: {  	s31 =	simm.s32 $0x5080;
	[sflag:s20] =	ssyncadd.s32 $0xFFFFE000  }
0x30: {  	[spmem:s2] =	stream.indirect.scatter.add.f32 [tilespmem:s18], [sflag:$0x3], $0x40, s31, s16, $0xb8;
	[tilespmem:$0x18000] =	vst v63  }
0x31: {  	_ =	swait.ge [sflag:s13], $0x2000  }
0x32: {  	s26 =	simm.s32 $0x800;
	s25 =	simm.s32 $0x100;
	[sflag:s13] =	ssyncset.done $0x0  }
.LBB2_2:
0x33: {  	s28 =	sadd.s32 $0x80, s25  }
0x34: {  	[sflag:s13] =	ssyncadd.s32 $0xFFFFE000;
	s29 =	smov.u32 s26;
	s30 =	sadd.s32 $0x400, s26  }
0x35: {  	[tilespmem:s18], [sflag:$0x2] =	stream.indirect.gather [hbm4b:s4+s16], $0x40, s28, s16, $0xb8;
	[tilespmem:$0x18000] =	vst v63  }
0x36: {  	p0 =	sne.s32 s26, $0x13800;
	_ =	swait.ge [sflag:s19], $0x2000  }
0x37: {  	[sflag:s19] =	ssyncset.done $0x0  }
0x38: {  	s26 =	sadd.s32 $0x5000, s25;
	[sflag:s19] =	ssyncadd.s32 $0xFFFFE000  }
0x39: {  	[spmem:s2] =	stream.indirect.scatter.add.f32 [tilespmem:s17], [sflag:$0x3], $0x40, s26, s16, $0xb8;
	[tilespmem:$0x18000] =	vst v63  }
0x3a: {  	_ =	swait.ge [sflag:s13], $0x2000  }
0x3b: {  	[sflag:s13] =	ssyncset.done $0x0  }
0x3c: {  	s26 =	sadd.s32 $0x100, s25;
	[sflag:s13] =	ssyncadd.s32 $0xFFFFE000  }
0x3d: {  	[tilespmem:s17], [sflag:$0x1] =	stream.indirect.gather [hbm4b:s4+s16], $0x40, s26, s16, $0xb8;
	[tilespmem:$0x18000] =	vst v63  }
0x3e: {  	_ =	swait.ge [sflag:s20], $0x2000  }
.Ltmp0:
0x3f: {  	[sflag:s20] =	ssyncset.done $0x0;
	(pc) =	sbr.rel @p0 .LBB2_2-.Ltmp0, $4  }
0x40: {  	s25 =	sadd.s32 $0x5080, s25;
	[sflag:s20] =	ssyncadd.s32 $0xFFFFE000  }
0x41: {  	[spmem:s2] =	stream.indirect.scatter.add.f32 [tilespmem:s18], [sflag:$0x3], $0x40, s25, s16, $0xb8;
	[tilespmem:$0x18000] =	vst v63  }
0x42: {  	_ =	swait.ge [sflag:s13], $0x2000  }
0x43: {  	s26 =	smov.u32 s30;
	s25 =	sshra.s32 s29, $0x2;
	[sflag:s13] =	ssyncset.done $0x0  }
0x44: {  	s26 =	sadd.s32 $0x80, s25;
	[sflag:s13] =	ssyncadd.s32 $0xFFFFE000  }
0x45: {  	[tilespmem:s18], [sflag:$0x2] =	stream.indirect.gather [hbm4b:s4+s16], $0x40, s26, s16, $0xb8;
	[tilespmem:$0x18000] =	vst v63  }
0x46: {  	_ =	swait.ge [sflag:s19], $0x2000  }
0x47: {  	[sflag:s19] =	ssyncset.done $0x0  }
0x48: {  	s29 =	sadd.s32 $0x5000, s25;
	[sflag:s19] =	ssyncadd.s32 $0xFFFFE000  }
0x49: {  	[spmem:s2] =	stream.indirect.scatter.add.f32 [tilespmem:s17], [sflag:$0x3], $0x40, s29, s16, $0xb8;
	[tilespmem:$0x18000] =	vst v63  }
0x4a: {  	_ =	swait.ge [sflag:s13], $0x2000  }
0x4b: {  	[sflag:s13] =	ssyncset.done $0x0  }
0x4c: {  	s30 =	sadd.s32 $0x100, s25;
	[sflag:s13] =	ssyncadd.s32 $0xFFFFE000  }
0x4d: {  	[tilespmem:s17], [sflag:$0x1] =	stream.indirect.gather [hbm4b:s4+s16], $0x40, s30, s16, $0xb8;
	[tilespmem:$0x18000] =	vst v63  }
0x4e: {  	_ =	swait.ge [sflag:s20], $0x2000  }
0x4f: {  	[sflag:s20] =	ssyncset.done $0x0  }
0x50: {  	s31 =	sadd.s32 $0x5080, s25;
	[sflag:s20] =	ssyncadd.s32 $0xFFFFE000  }
0x51: {  	[spmem:s2] =	stream.indirect.scatter.add.f32 [tilespmem:s18], [sflag:$0x3], $0x40, s31, s16, $0xb8;
	[tilespmem:$0x18000] =	vst v63  }
0x52: {  	_ =	swait.ge [sflag:s13], $0x2000  }
0x53: {  	[sflag:s13] =	ssyncset.done $0x0  }
0x54: {  	[sflag:s13] =	ssyncadd.s32 $0xFFFFE000  }
0x55: {  	[tilespmem:s18], [sflag:$0x2] =	stream.indirect.gather [hbm4b:s4+s16], $0x40, s21, s16, $0xb8;
	[tilespmem:$0x18000] =	vst v63  }
0x56: {  	_ =	swait.ge [sflag:s19], $0x2000  }
0x57: {  	[sflag:s19] =	ssyncset.done $0x0  }
0x58: {  	[sflag:s19] =	ssyncadd.s32 $0xFFFFE000  }
0x59: {  	[spmem:s2] =	stream.indirect.scatter.add.f32 [tilespmem:s17], [sflag:$0x3], $0x40, s22, s16, $0xb8;
	[tilespmem:$0x18000] =	vst v63  }
0x5a: {  	_ =	swait.ge [sflag:s13], $0x2000  }
0x5b: {  	[sflag:s13] =	ssyncset.done $0x0  }
0x5c: {  	[sflag:s13] =	ssyncadd.s32 $0xFFFFE000  }
0x5d: {  	_ =	swait.ge [sflag:s20], $0x2000  }
0x5e: {  	[sflag:s20] =	ssyncset.done $0x0  }
0x5f: {  	[sflag:s20] =	ssyncadd.s32 $0xFFFFE000  }
0x60: {  	[spmem:s2] =	stream.indirect.scatter.add.f32 [tilespmem:s18], [sflag:$0x3], $0x40, s23, s16, $0xb8;
	[tilespmem:$0x18000] =	vst v63  }
0x61: {  	_ =	swait.ge [sflag:s13], $0x2000  }
0x62: {  	[sflag:s13] =	ssyncset.done $0x0  }
0x63: {  	[sflag:s13] =	ssyncadd.s32 $0xFFFFE000  }
0x64: {  	[bflag:$0x0] =	sbarrier.arrive $0xFFFF  }
0x65: {  	[hbm:s8], [sflag:s14] =	dma.local [spmem:s15], $0x1400  }
0x66: {  	_ =	swait.ge [sflag:s13], $0x1400  }
0x67: {  	[sflag:s13] =	ssyncset.done $0x0  }
0x68: {  	s26 =	simm.s32 $0x0;
	[sflag:s13] =	ssyncadd.s32 $0xFFFFEC00  }
0x69: {  	[tilespmem:s26], [sflag:$0x3] =	stream.linear.gather [hbm4b:s9+s26], $0x5000, $0x38;
	[tilespmem:$0x18000] =	vst v63  }
0x6a: {  	_ =	swait.ge [sflag:s13], $0x5000  }
0x6b: {  	[sflag:s13] =	ssyncset.done $0x0  }
0x6c: {  	[sflag:s13] =	ssyncadd.s32 $0xFFFFB000  }
0x6d: {  	[spmem:s15], [sflag:s14] =	dma.local [hbm:s7], $0x1400  }
0x6e: {  	_ =	swait.ge [sflag:s13], $0x1400  }
0x6f: {  	[sflag:s13] =	ssyncset.done $0x0  }
0x70: {  	[sflag:s13] =	ssyncadd.s32 $0xFFFFEC00  }
0x71: {  	[bflag:$0x0] =	sbarrier.arrive $0xFFFF  }
0x72: {  	[tilespmem:s17], [sflag:$0x1] =	stream.indirect.gather [hbm4b:s4+s16], $0x40, s26, s16, $0xb8;
	[tilespmem:$0x18000] =	vst v63  }
0x73: {  	s28 =	simm.s32 $0x80  }
0x74: {  	[tilespmem:s18], [sflag:$0x2] =	stream.indirect.gather [hbm4b:s4+s16], $0x40, s28, s16, $0xb8;
	[tilespmem:$0x18000] =	vst v63  }
0x75: {  	_ =	swait.ge [sflag:s19], $0x2000  }
0x76: {  	[sflag:s19] =	ssyncset.done $0x0  }
0x77: {  	s29 =	simm.s32 $0x5000;
	[sflag:s19] =	ssyncadd.s32 $0xFFFFE000  }
0x78: {  	[spmem:s2] =	stream.indirect.scatter.add.f32 [tilespmem:s17], [sflag:$0x3], $0x40, s29, s16, $0xb8;
	[tilespmem:$0x18000] =	vst v63  }
0x79: {  	_ =	swait.ge [sflag:s13], $0x2000  }
0x7a: {  	[sflag:s13] =	ssyncset.done $0x0  }
0x7b: {  	s30 =	simm.s32 $0x100;
	[sflag:s13] =	ssyncadd.s32 $0xFFFFE000  }
0x7c: {  	[tilespmem:s17], [sflag:$0x1] =	stream.indirect.gather [hbm4b:s4+s16], $0x40, s30, s16, $0xb8;
	[tilespmem:$0x18000] =	vst v63  }
0x7d: {  	_ =	swait.ge [sflag:s20], $0x2000  }
0x7e: {  	[sflag:s20] =	ssyncset.done $0x0  }
0x7f: {  	s31 =	simm.s32 $0x5080;
	[sflag:s20] =	ssyncadd.s32 $0xFFFFE000  }
0x80: {  	[spmem:s2] =	stream.indirect.scatter.add.f32 [tilespmem:s18], [sflag:$0x3], $0x40, s31, s16, $0xb8;
	[tilespmem:$0x18000] =	vst v63  }
0x81: {  	_ =	swait.ge [sflag:s13], $0x2000  }
0x82: {  	s25 =	simm.s32 $0x100;
	s26 =	simm.s32 $0x800;
	[sflag:s13] =	ssyncset.done $0x0  }
.LBB2_4:
0x83: {  	s28 =	sadd.s32 $0x80, s25  }
0x84: {  	[sflag:s13] =	ssyncadd.s32 $0xFFFFE000;
	s29 =	smov.u32 s26;
	s30 =	sadd.s32 $0x400, s26  }
0x85: {  	[tilespmem:s18], [sflag:$0x2] =	stream.indirect.gather [hbm4b:s4+s16], $0x40, s28, s16, $0xb8;
	[tilespmem:$0x18000] =	vst v63  }
0x86: {  	p0 =	sne.s32 s26, $0x13800;
	_ =	swait.ge [sflag:s19], $0x2000  }
0x87: {  	[sflag:s19] =	ssyncset.done $0x0  }
0x88: {  	s26 =	sadd.s32 $0x5000, s25;
	[sflag:s19] =	ssyncadd.s32 $0xFFFFE000  }
0x89: {  	[spmem:s2] =	stream.indirect.scatter.add.f32 [tilespmem:s17], [sflag:$0x3], $0x40, s26, s16, $0xb8;
	[tilespmem:$0x18000] =	vst v63  }
0x8a: {  	_ =	swait.ge [sflag:s13], $0x2000  }
0x8b: {  	[sflag:s13] =	ssyncset.done $0x0  }
0x8c: {  	s26 =	sadd.s32 $0x100, s25;
	[sflag:s13] =	ssyncadd.s32 $0xFFFFE000  }
0x8d: {  	[tilespmem:s17], [sflag:$0x1] =	stream.indirect.gather [hbm4b:s4+s16], $0x40, s26, s16, $0xb8;
	[tilespmem:$0x18000] =	vst v63  }
0x8e: {  	_ =	swait.ge [sflag:s20], $0x2000  }
.Ltmp1:
0x8f: {  	[sflag:s20] =	ssyncset.done $0x0;
	(pc) =	sbr.rel @p0 .LBB2_4-.Ltmp1, $4  }
0x90: {  	s25 =	sadd.s32 $0x5080, s25;
	[sflag:s20] =	ssyncadd.s32 $0xFFFFE000  }
0x91: {  	[spmem:s2] =	stream.indirect.scatter.add.f32 [tilespmem:s18], [sflag:$0x3], $0x40, s25, s16, $0xb8;
	[tilespmem:$0x18000] =	vst v63  }
0x92: {  	_ =	swait.ge [sflag:s13], $0x2000  }
0x93: {  	s26 =	smov.u32 s30;
	s25 =	sshra.s32 s29, $0x2;
	[sflag:s13] =	ssyncset.done $0x0  }
0x94: {  	s26 =	sadd.s32 $0x80, s25;
	[sflag:s13] =	ssyncadd.s32 $0xFFFFE000  }
0x95: {  	[tilespmem:s18], [sflag:$0x2] =	stream.indirect.gather [hbm4b:s4+s16], $0x40, s26, s16, $0xb8;
	[tilespmem:$0x18000] =	vst v63  }
0x96: {  	_ =	swait.ge [sflag:s19], $0x2000  }
0x97: {  	[sflag:s19] =	ssyncset.done $0x0  }
0x98: {  	s29 =	sadd.s32 $0x5000, s25;
	[sflag:s19] =	ssyncadd.s32 $0xFFFFE000  }
0x99: {  	[spmem:s2] =	stream.indirect.scatter.add.f32 [tilespmem:s17], [sflag:$0x3], $0x40, s29, s16, $0xb8;
	[tilespmem:$0x18000] =	vst v63  }
0x9a: {  	_ =	swait.ge [sflag:s13], $0x2000  }
0x9b: {  	[sflag:s13] =	ssyncset.done $0x0  }
0x9c: {  	s30 =	sadd.s32 $0x100, s25;
	[sflag:s13] =	ssyncadd.s32 $0xFFFFE000  }
0x9d: {  	[tilespmem:s17], [sflag:$0x1] =	stream.indirect.gather [hbm4b:s4+s16], $0x40, s30, s16, $0xb8;
	[tilespmem:$0x18000] =	vst v63  }
0x9e: {  	_ =	swait.ge [sflag:s20], $0x2000  }
0x9f: {  	[sflag:s20] =	ssyncset.done $0x0  }
0xa0: {  	s31 =	sadd.s32 $0x5080, s25;
	[sflag:s20] =	ssyncadd.s32 $0xFFFFE000  }
0xa1: {  	[spmem:s2] =	stream.indirect.scatter.add.f32 [tilespmem:s18], [sflag:$0x3], $0x40, s31, s16, $0xb8;
	[tilespmem:$0x18000] =	vst v63  }
0xa2: {  	_ =	swait.ge [sflag:s13], $0x2000  }
0xa3: {  	[sflag:s13] =	ssyncset.done $0x0  }
0xa4: {  	[sflag:s13] =	ssyncadd.s32 $0xFFFFE000  }
0xa5: {  	[tilespmem:s18], [sflag:$0x2] =	stream.indirect.gather [hbm4b:s4+s16], $0x40, s21, s16, $0xb8;
	[tilespmem:$0x18000] =	vst v63  }
0xa6: {  	_ =	swait.ge [sflag:s19], $0x2000  }
0xa7: {  	[sflag:s19] =	ssyncset.done $0x0  }
0xa8: {  	[sflag:s19] =	ssyncadd.s32 $0xFFFFE000  }
0xa9: {  	[spmem:s2] =	stream.indirect.scatter.add.f32 [tilespmem:s17], [sflag:$0x3], $0x40, s22, s16, $0xb8;
	[tilespmem:$0x18000] =	vst v63  }
0xaa: {  	_ =	swait.ge [sflag:s13], $0x2000  }
0xab: {  	[sflag:s13] =	ssyncset.done $0x0  }
0xac: {  	[sflag:s13] =	ssyncadd.s32 $0xFFFFE000  }
0xad: {  	_ =	swait.ge [sflag:s20], $0x2000  }
0xae: {  	[sflag:s20] =	ssyncset.done $0x0  }
0xaf: {  	[sflag:s20] =	ssyncadd.s32 $0xFFFFE000  }
0xb0: {  	[spmem:s2] =	stream.indirect.scatter.add.f32 [tilespmem:s18], [sflag:$0x3], $0x40, s23, s16, $0xb8;
	[tilespmem:$0x18000] =	vst v63  }
0xb1: {  	_ =	swait.ge [sflag:s13], $0x2000  }
0xb2: {  	s24 =	sadd.s32 $0x1, s24;
	[sflag:s13] =	ssyncset.done $0x0  }
0xb3: {  	p0 =	sne.s32 s24, s11;
	[sflag:s13] =	ssyncadd.s32 $0xFFFFE000  }
.Ltmp2:
0xb4: {  	[bflag:$0x0] =	sbarrier.arrive $0xFFFF;
	(pc) =	sbr.rel @p0 .LBB2_1-.Ltmp2, $4  }
0xb5: {  	[hbm:s10], [sflag:s14] =	dma.local [spmem:s15], $0x1400  }
0xb6: {  	_ =	swait.ge [sflag:s13], $0x1400  }
0xb7: {  	[sflag:s13] =	ssyncset.done $0x0  }
0xb8: {  	[sflag:s13] =	ssyncadd.s32 $0xFFFFEC00  }
0xb9: {  	_ =	sfence.sel $0x180000  }
0xba: {  	[bflag:$0x0] =	sbarrier.arrive $0xFFFF  }
0xbb: {  	p0 =	sne.s32 s1, $0x0;
	_ =	strace $0x9000004D  }
0xbc: {  	s0 =	sadd.s32 @!p0 $0x100000, s0;
	[bflag:$0x2] =	sbarrier.arrive $0xFFFF  }
0xbd: {  	[sflag:s0] =	ssyncadd.tile.s32 @!p0 $0x1;
	_ =	shalt  }
.Lfunc_end2:
_tile_overlayer_lowered:
.L_overlay_start_2:
0xbe: {  	(tag) =	ssettag $0x2  }
0xbf: {  	s0 =	rddreg [dreg:$0x0];
	s2 =	stileid.u32  }
0xc0: {  	s1 =	rddreg [dreg:$0x1];
	p0 =	sne.s32 s2, $0x0  }
0xc1: {  	s3 =	rddreg [dreg:$0x2];
	[bflag:$0x3] =	sbarrier.arrive $0xFFFF;
	s2 =	simm.s32 @!p0 $0x1C03  }
0xc2: {  	[timem:s3], [sflag:s2] =	dma.local @!p0 [hbm:s0], s1  }
0xc3: {  	s0 =	simm.s32 @!p0 $0x3  }
0xc4: {  	_ =	swait.ge @!p0 [sflag:s0], s1  }
0xc5: {  	s1 =	ssub.s32 @!p0 $0x0, s1;
	[sflag:s0] =	ssyncset.done @!p0 $0x0  }
0xc6: {  	[sflag:s0] =	ssyncadd.s32 @!p0 s1  }
0xc7: {  	[bflag:$0x3] =	sbarrier.arrive $0xFFFF  }
0xc8: {  	_ =	shalt  }

// kernel: kernel.19.cloned.1.call-start
scs
__scs_entry_jumppad:
0x0: {  	(pc) =	sbr.rel $0x88, $3  }
0x1: {  	(tag) =	ssettag $0x0;
	lr =	simm.s32 $0x1  }
0x2: {  	[smem:$0x3F94] =	sst lr;
	_ =	strace $0xD0000000  }
0x3: {  	_ = 	snop  }
0x4: {  	_ = 	snop  }
0x5: {  	_ = 	snop  }
0x6: {  	_ = 	snop  }
0x7: {  	_ = 	snop  }
__scs_overlays_trampoline_lowered:
0x8: {  	[smem:$0x3FA3] =	sst s0  }
0x9: {  	[smem:$0x3FA4] =	sst s1  }
0xa: {  	[smem:$0x3FA5] =	sst s2  }
0xb: {  	[smem:$0x3FA6] =	sst s3  }
0xc: {  	[smem:$0x3FA7] =	sst s4  }
0xd: {  	[smem:$0x3FA8] =	sst s5  }
0xe: {  	[smem:$0x3FA9] =	sst s6  }
0xf: {  	[smem:$0x3FAA] =	sst s7  }
0x10: {  	[smem:$0x3FAB] =	sst s8  }
0x11: {  	[smem:$0x3FAC] =	sst s9;
	s0 =	simm.s32 @!p0 $0x0  }
0x12: {  	s1 =	sld [smem:$0x3F92];
	s0 =	simm.s32 @p0 $0x1  }
0x13: {  	[smem:$0x3FAD] =	sst s0;
	s0 =	simm.s32 @!p1 $0x0  }
0x14: {  	s2 =	sld [smem:$0x3F91];
	s0 =	simm.s32 @p1 $0x1  }
0x15: {  	[smem:$0x3FAE] =	sst s0;
	s0 =	simm.s32 @!p2 $0x0  }
0x16: {  	s3 =	sld [smem:$0x3FDB];
	s0 =	simm.s32 @p2 $0x1  }
0x17: {  	s4 =	simm.s32 $0x1BF5;
	[smem:$0x3FB0] =	sst s0  }
0x18: {  	s0 =	sld [smem:$0x3F93];
	_ =	swait.ge [sflag:s4], $0x0  }
0x19: {  	s7 =	sld [smem:$0x3F94]  }
0x1a: {  	s8 =	sadd.s32 $0xFFFFE003, lr  }
0x1b: {  	s9 =	sadd.s32 $0xFFFFFEF7, lr;
	s5 =	simm.s32 $0xFFFFFFFF;
	p2 =	slt.u32 s8, $0xFFFFF086  }
0x1c: {  	p1 =	slt.u32 s9, $0xF7A;
	s5 =	simm.s32 @!p2 $0x0  }
0x1d: {  	s5 =	simm.s32 @p1 $0x1;
	p0 =	seq.s32 s7, s2  }
0x1e: {  	s7 =	smul.u32 @!p0 $0xF7A, s2;
	p2 =	seq.s32 @!p0 s5, $0x0  }
0x1f: {  	s9 =	smul.u32 $0xF7A, s1;
	s8 =	simm.s32 @!p0 $0x1BF5;
	p2 =	por !p2, p0  }
0x20: {  	[sflag:s8] =	ssyncset.s32 @!p0 $0xFFFFF086;
	s6 =	sadd.s32 @!p0 s3, s7;
	s7 =	simm.s32 @!p0 $0x108  }
0x21: {  	s3 =	sadd.s32 s3, s9;
	s6 =	sadd.s32 @!p0 $0x88, s6;
	s7 =	simm.s32 @p2 $0x1082  }
0x22: {  	[simem:s7], [sflag:s8] =	dma.local @!p0 [hbm:s6], $0xF7A  }
0x23: {  	s9 =	sor.u32 $0xD0000000, s2;
	s6 =	simm.s32 $0x108;
	_ =	swait.ge @!p0 [sflag:s8], $0x0  }
0x24: {  	s3 =	sadd.s32 $0x88, s3;
	s6 =	simm.s32 @!p1 $0x1082;
	[sflag:s4] =	ssyncset.s32 $0xFFFFF086  }
0x25: {  	[simem:s6], [sflag:s4] =	dma.local [hbm:s3], $0xF7A  }
0x26: {  	[smem:$0x3F94] =	sst s1;
	(tag) =	ssettag s2;
	_ =	strace s9  }
0x27: {  	s1 =	sld [smem:$0x3FA4]  }
0x28: {  	s2 =	sld [smem:$0x3FA5]  }
0x29: {  	s4 =	sld [smem:$0x3FA7]  }
0x2a: {  	p0 =	seq.s32 s5, $0x0;
	s5 =	sld [smem:$0x3FA8]  }
0x2b: {  	s6 =	sld [smem:$0x3FA9]  }
0x2c: {  	s7 =	sld [smem:$0x3FAA]  }
0x2d: {  	s3 =	simm.s32 $0x108;
	s8 =	sld [smem:$0x3FAB]  }
0x2e: {  	s3 =	simm.s32 @!p0 $0x1082;
	s9 =	sld [smem:$0x3FAC]  }
0x2f: {  	lr =	sadd.s32 s0, s3;
	s0 =	sld [smem:$0x3FA3]  }
0x30: {  	s3 =	sld [smem:$0x3FA6]  }
0x31: {  	[smem:$0x3FAF] =	sst s10  }
0x32: {  	s10 =	sld [smem:$0x3FAD];
	_ =	sdelay $0x3  }
0x33: {  	p0 =	seq.s32 s10, $0x1;
	s10 =	sld [smem:$0x3FAF];
	_ =	sdelay $0x3  }
0x34: {  	[smem:$0x3FAF] =	sst s10  }
0x35: {  	s10 =	sld [smem:$0x3FAE];
	_ =	sdelay $0x3  }
0x36: {  	p1 =	seq.s32 s10, $0x1;
	s10 =	sld [smem:$0x3FAF];
	_ =	sdelay $0x3  }
0x37: {  	[smem:$0x3FAF] =	sst s10  }
0x38: {  	s10 =	sld [smem:$0x3FB0]  }
0x39: {  	_ = 	snop;
	(pc) =	sbr.ind lr, $3  }
0x3a: {  	_ = 	snop  }
0x3b: {  	_ = 	snop  }
0x3c: {  	p2 =	seq.s32 s10, $0x1;
	s10 =	sld [smem:$0x3FAF]  }
0x3d: {  	_ =	shalt  }
0x3e: {  	_ =	shalt  }
0x3f: {  	_ =	shalt  }
0x40: {  	_ =	shalt  }
0x41: {  	_ =	shalt  }
0x42: {  	_ =	shalt  }
0x43: {  	_ =	shalt  }
0x44: {  	_ =	shalt  }
0x45: {  	_ =	shalt  }
0x46: {  	_ =	shalt  }
0x47: {  	_ =	shalt  }
0x48: {  	_ =	shalt  }
0x49: {  	_ =	shalt  }
0x4a: {  	_ =	shalt  }
0x4b: {  	_ =	shalt  }
0x4c: {  	_ =	shalt  }
0x4d: {  	_ =	shalt  }
0x4e: {  	_ =	shalt  }
0x4f: {  	_ =	shalt  }
0x50: {  	_ =	shalt  }
0x51: {  	_ =	shalt  }
0x52: {  	_ =	shalt  }
0x53: {  	_ =	shalt  }
0x54: {  	_ =	shalt  }
0x55: {  	_ =	shalt  }
0x56: {  	_ =	shalt  }
0x57: {  	_ =	shalt  }
0x58: {  	_ =	shalt  }
0x59: {  	_ =	shalt  }
0x5a: {  	_ =	shalt  }
0x5b: {  	_ =	shalt  }
0x5c: {  	_ =	shalt  }
0x5d: {  	_ =	shalt  }
0x5e: {  	_ =	shalt  }
0x5f: {  	_ =	shalt  }
0x60: {  	_ =	shalt  }
0x61: {  	_ =	shalt  }
0x62: {  	_ =	shalt  }
0x63: {  	_ =	shalt  }
0x64: {  	_ =	shalt  }
0x65: {  	_ =	shalt  }
0x66: {  	_ =	shalt  }
0x67: {  	_ =	shalt  }
0x68: {  	_ =	shalt  }
0x69: {  	_ =	shalt  }
0x6a: {  	_ =	shalt  }
0x6b: {  	_ =	shalt  }
0x6c: {  	_ =	shalt  }
0x6d: {  	_ =	shalt  }
0x6e: {  	_ =	shalt  }
0x6f: {  	_ =	shalt  }
0x70: {  	_ =	shalt  }
0x71: {  	_ =	shalt  }
0x72: {  	_ =	shalt  }
0x73: {  	_ =	shalt  }
0x74: {  	_ =	shalt  }
0x75: {  	_ =	shalt  }
0x76: {  	_ =	shalt  }
0x77: {  	_ =	shalt  }
0x78: {  	_ =	shalt  }
0x79: {  	_ =	shalt  }
0x7a: {  	_ =	shalt  }
0x7b: {  	_ =	shalt  }
0x7c: {  	_ =	shalt  }
0x7d: {  	_ =	shalt  }
0x7e: {  	_ =	shalt  }
0x7f: {  	_ =	shalt  }
0x80: {  	_ =	shalt  }
0x81: {  	_ =	shalt  }
0x82: {  	_ =	shalt  }
0x83: {  	_ =	shalt  }
0x84: {  	_ =	shalt  }
0x85: {  	_ =	shalt  }
0x86: {  	_ =	shalt  }
0x87: {  	_ =	shalt  }
.Lfunc_end0:
.L_simem_size_0:
called_computation.3_lowered:
.L_overlay_start_0:
0x88: {  	s2 =	sld [smem:$0x3FD9]  }
0x89: {  	s3 =	sld [smem:$0x3FFE];
	_ =	sdelay $0x1  }
0x8a: {  	s1 =	srdreg.scid  }
0x8b: {  	s0 =	sand.u32 $0x1, s1  }
0x8c: {  	s16 =	sshll.u32 s0, $0xA;
	s2 =	sadd.s32 s3, s2  }
0x8d: {  	s2 =	sadd.s32 s2, s16  }
0x8e: {  	[smem:$0x3FBB] =	sst s2  }
0x8f: {  	_ = 	snop  }
0x90: {  	(tm) =	ssettm $0x1  }
0x91: {  	s17 =	sld [smem:$0x3FFB];
	_ =	sdelay $0x3  }
0x92: {  	_ =	strace s17  }
0x93: {  	s2 =	sld [smem:$0x3FFC];
	_ =	sdelay $0x3  }
0x94: {  	_ =	strace s2  }
0x95: {  	s2 =	sld [smem:$0x3FFD];
	_ =	sdelay $0x3  }
0x96: {  	_ =	strace s2  }
0x97: {  	_ =	strace $0x8FFFFFFF  }
0x98: {  	s18 =	sld [smem:$0x3FDB];
	_ =	sdelay $0x1  }
0x99: {  	s19 =	simm.s32 $_scs_section_size  }
0x9a: {  	s4 =	simm.s32 $_size__tile_overlayer_lowered;
	s5 =	simm.s32 $_tile_overlayer_lowered  }
0x9b: {  	s22 =	simm.s32 $0x1BFF;
	s21 =	sshll.u32 s5, $0x1;
	s2 =	sadd.s32 s19, s18  }
0x9c: {  	s6 =	simm.s32 $0x0;
	s20 =	sshll.u32 s4, $0x1;
	s4 =	sadd.s32 s21, s2  }
0x9d: {  	[timem:s6], [sflag:s22] =	dma.local [hbm:s4], s20  }
0x9e: {  	_ =	swait.ge [sflag:s22], s20  }
0x9f: {  	s3 =	ssub.s32 $0x0, s20;
	[sflag:s22] =	ssyncset.done $0x0  }
0xa0: {  	[sflag:s22] =	ssyncadd.s32 s3;
	_ =	sdelay $0x1  }
0xa1: {  	s23 =	simm.s32 $0x1B8B  }
0xa2: {  	_ =	swait.ge [sflag:s23], $0x1  }
0xa3: {  	[sflag:s23] =	ssyncset.done $0x0  }
0xa4: {  	s25 =	simm.s32 $0x1B8E;
	s24 =	sld [smem:$0x3FFE];
	[sflag:s23] =	ssyncadd.s32 $0xFFFFFFFF  }
0xa5: {  	s26 =	simm.s32 $execute0_lowered;
	[smem:$0x3FD2] =	sst s25  }
0xa6: {  	s4 =	sshll.u32 s26, $0x1;
	_ =	strace $0x8000004F;
	[dreg:$0x1] =	wrdreg $0xFFFFFFFF  }
0xa7: {  	s28 =	simm.s32 $_size_execute0_lowered;
	s2 =	sadd.s32 s2, s4;
	[dreg:$0x0] =	wrdreg $0x0  }
0xa8: {  	s4 =	sshll.u32 s28, $0x1;
	[dreg:$0x2] =	wrdreg s2  }
0xa9: {  	[dreg:$0x3] =	wrdreg s4  }
0xaa: {  	[dreg:$0x4] =	wrdreg $0xC0  }
0xab: {  	_ =	task [dreg:s6], $0x5FFFF  }
0xac: {  	[dreg:$0x1] =	wrdreg $0xFFFFFFFF  }
0xad: {  	[dreg:$0x0] =	wrdreg $0x60  }
0xae: {  	[dreg:$0x2] =	wrdreg s24  }
0xaf: {  	[dreg:$0x3] =	wrdreg $0xE0000  }
0xb0: {  	[dreg:$0x4] =	wrdreg $0x9  }
0xb1: {  	_ =	task.clear_ibuf [dreg:s6], $0x5FFFF;
	_ =	strace $0x9000004F  }
0xb2: {  	s29 =	simm.s32 $0x9;
	_ =	strace $0x80000051  }
0xb3: {  	_ =	swait.ge [sflag:s29], $0x1  }
0xb4: {  	[sflag:s29] =	ssyncadd.s32 $0xFFFFFFFF  }
0xb5: {  	_ =	strace $0x90000051  }
0xb6: {  	_ =	sfence  }
0xb7: {  	s30 =	sld [smem:$0x0];
	_ =	sdelay $0x2  }
0xb8: {  	s31 =	sshll.u32 s1, $0xD;
	s1 =	sshrl.u32 s1, $0x2  }
0xb9: {  	s3 =	sand.u32 $0x4000, s31;
	s1 =	sadd.s32 s1, s30  }
0xba: {  	s0 =	sor.u32 s3, s0;
	s1 =	sshll.u32 s1, $0x11  }
0xbb: {  	s0 =	sor.u32 s1, s0  }
0xbc: {  	s0 =	sadd.s32 $0x8F2B, s0  }
0xbd: {  	[sflag:s0] =	ssyncadd.remote.s32 $0x1  }
0xbe: {  	_ =	sfence.sel $0xFFFF  }
0xbf: {  	[dreg:$0x0] =	wrdreg $0xFFFFFFFF;
	(pc) =	sbr.abs _section_cstart, $3  }
0xc0: {  	[dreg:$0x1] =	wrdreg $0xFFFFFFFF  }
0xc1: {  	_ =	task.clear_ibuf [dreg:s6], $0x2FFFF;
	_ =	strace $0x9FFFFFFF  }
0xc2: {  	(tm) =	ssettm $0x7FFFFFFF  }
0xc3: {  	_ =	shalt  }
tec
execute0_lowered:
.L_overlay_start_1:
0x0: {  	(tag) =	ssettag $0x1  }
0x1: {  	s5 =	rddreg [dreg:$0x0]  }
0x2: {  	s2 =	rddreg [dreg:$0x1]  }
0x3: {  	s0 =	rddreg [dreg:$0x2];
	s3 =	simm.s32 $0x0;
	s1 =	stileid.u32  }
0x4: {  	s8 =	srdreg.scid;
	s18 =	simm.s32 $0xC000;
	s19 =	simm.s32 $0x1  }
0x5: {  	s20 =	simm.s32 $0x2;
	s21 =	simm.s32 $0x4F80;
	s22 =	simm.s32 $0x9F00  }
0x6: {  	s23 =	simm.s32 $0x9F80;
	[smem:$0x7FF] =	sst s3;
	s7 =	smul.u32 $0xA000, s1  }
0x7: {  	s4 =	sadd.s32 $0x160200, s5;
	s6 =	smul.u32 $0xA00, s1;
	s9 =	sadd.s32 $0x98200, s5  }
0x8: {  	s8 =	sand.u32 $0x1, s8;
	s13 =	smul.u32 $0x280, s1;
	s14 =	sadd.s32 $0x1B0200, s5  }
0x9: {  	s31 =	sshll.u32 s1, $0x6;
	_ =	strace $0x80000050;
	s11 =	sshll.u32 s8, $0x4  }
0xa: {  	s12 =	ssub.s32 $0x2, s8;
	s15 =	smul.u32 $0x2800, s8;
	s8 =	sor.u32 $0x2, s8  }
0xb: {  	s10 =	sshrl.u32 s7, $0x3;
	s6 =	sadd.s32 s6, s5;
	s11 =	sor.u32 s1, s11  }
0xc: {  	s24 =	sshrl.u32 s12, $0x1;
	s16 =	sshll.u32 s8, $0x4;
	s8 =	smul.u32 $0x2800, s8  }
0xd: {  	s17 =	sadd.s32 s7, s2;
	s10 =	sadd.s32 s10, s5;
	s11 =	smul.u32 $0xA00, s11  }
0xe: {  	s12 =	ssub.s32 s12, s24;
	s5 =	sadd.s32 $0x2000, s6;
	s25 =	sor.u32 s1, s16  }
0xf: {  	s26 =	sadd.s32 s13, s15;
	s15 =	sshrl.u32 s17, $0x3;
	s16 =	simm.s32 $0x80  }
0x10: {  	s17 =	simm.s32 $0xA000;
	s24 =	simm.s32 $0x0;
	s28 =	smul.u32 $0xA00, s25  }
0x11: {  	s8 =	sadd.s32 s13, s8;
	s7 =	sadd.s32 $0x54A00, s10;
	s29 =	sshll.u32 s26, $0x3  }
0x12: {  	s13 =	simm.s32 $0x3;
	s6 =	sadd.s32 s9, s11;
	s30 =	sshll.u32 s8, $0x3  }
0x13: {  	s8 =	sadd.s32 s14, s29;
	s11 =	smax.u32 s12, $0x1;
	s12 =	simm.s32 $0x5000  }
0x14: {  	s9 =	sadd.s32 s9, s28;
	s10 =	sadd.s32 s14, s30;
	s14 =	sor.u32 $0x1C03, s31  }
.LBB2_1:
0x15: {  	[tilespmem:s12], [sflag:$0x3] =	stream.linear.gather [hbm4b:s5+s3], $0x5000, $0x38;
	[tilespmem:$0x18000] =	vst v63  }
0x16: {  	_ =	swait.ge [sflag:s13], $0x5000  }
0x17: {  	[sflag:s13] =	ssyncset.done $0x0  }
0x18: {  	[sflag:s13] =	ssyncadd.s32 $0xFFFFB000  }
0x19: {  	[tilespmem:s3], [sflag:$0x3] =	stream.linear.gather [hbm4b:s6+s3], $0x5000, $0x38;
	[tilespmem:$0x18000] =	vst v63  }
0x1a: {  	_ =	swait.ge [sflag:s13], $0x5000  }
0x1b: {  	[sflag:s13] =	ssyncset.done $0x0  }
0x1c: {  	[sflag:s13] =	ssyncadd.s32 $0xFFFFB000  }
0x1d: {  	[spmem:s15], [sflag:s14] =	dma.local [hbm:s7], $0x1400  }
0x1e: {  	_ =	swait.ge [sflag:s13], $0x1400  }
0x1f: {  	[sflag:s13] =	ssyncset.done $0x0  }
0x20: {  	[sflag:s13] =	ssyncadd.s32 $0xFFFFEC00  }
0x21: {  	[bflag:$0x0] =	sbarrier.arrive $0xFFFF  }
0x22: {  	[tilespmem:s17], [sflag:$0x1] =	stream.indirect.gather [hbm4b:s4+s16], $0x40, s3, s16, $0xb8;
	[tilespmem:$0x18000] =	vst v63  }
0x23: {  	s25 =	simm.s32 $0x80  }
0x24: {  	[tilespmem:s18], [sflag:$0x2] =	stream.indirect.gather [hbm4b:s4+s16], $0x40, s25, s16, $0xb8;
	[tilespmem:$0x18000] =	vst v63  }
0x25: {  	_ =	swait.ge [sflag:s19], $0x2000  }
0x26: {  	[sflag:s19] =	ssyncset.done $0x0  }
0x27: {  	s29 =	simm.s32 $0x5000;
	[sflag:s19] =	ssyncadd.s32 $0xFFFFE000  }
0x28: {  	[spmem:s2] =	stream.indirect.scatter.add.f32 [tilespmem:s17], [sflag:$0x3], $0x40, s29, s16, $0xb8;
	[tilespmem:$0x18000] =	vst v63  }
0x29: {  	_ =	swait.ge [sflag:s13], $0x2000  }
0x2a: {  	[sflag:s13] =	ssyncset.done $0x0  }
0x2b: {  	s30 =	simm.s32 $0x100;
	[sflag:s13] =	ssyncadd.s32 $0xFFFFE000  }
0x2c: {  	[tilespmem:s17], [sflag:$0x1] =	stream.indirect.gather [hbm4b:s4+s16], $0x40, s30, s16, $0xb8;
	[tilespmem:$0x18000] =	vst v63  }
0x2d: {  	_ =	swait.ge [sflag:s20], $0x2000  }
0x2e: {  	[sflag:s20] =	ssyncset.done $0x0  }
0x2f: {  	s31 =	simm.s32 $0x5080;
	[sflag:s20] =	ssyncadd.s32 $0xFFFFE000  }
0x30: {  	[spmem:s2] =	stream.indirect.scatter.add.f32 [tilespmem:s18], [sflag:$0x3], $0x40, s31, s16, $0xb8;
	[tilespmem:$0x18000] =	vst v63  }
0x31: {  	_ =	swait.ge [sflag:s13], $0x2000  }
0x32: {  	s26 =	simm.s32 $0x800;
	s25 =	simm.s32 $0x100;
	[sflag:s13] =	ssyncset.done $0x0  }
.LBB2_2:
0x33: {  	s28 =	sadd.s32 $0x80, s25  }
0x34: {  	[sflag:s13] =	ssyncadd.s32 $0xFFFFE000;
	s29 =	smov.u32 s26;
	s30 =	sadd.s32 $0x400, s26  }
0x35: {  	[tilespmem:s18], [sflag:$0x2] =	stream.indirect.gather [hbm4b:s4+s16], $0x40, s28, s16, $0xb8;
	[tilespmem:$0x18000] =	vst v63  }
0x36: {  	p0 =	sne.s32 s26, $0x13800;
	_ =	swait.ge [sflag:s19], $0x2000  }
0x37: {  	[sflag:s19] =	ssyncset.done $0x0  }
0x38: {  	s26 =	sadd.s32 $0x5000, s25;
	[sflag:s19] =	ssyncadd.s32 $0xFFFFE000  }
0x39: {  	[spmem:s2] =	stream.indirect.scatter.add.f32 [tilespmem:s17], [sflag:$0x3], $0x40, s26, s16, $0xb8;
	[tilespmem:$0x18000] =	vst v63  }
0x3a: {  	_ =	swait.ge [sflag:s13], $0x2000  }
0x3b: {  	[sflag:s13] =	ssyncset.done $0x0  }
0x3c: {  	s26 =	sadd.s32 $0x100, s25;
	[sflag:s13] =	ssyncadd.s32 $0xFFFFE000  }
0x3d: {  	[tilespmem:s17], [sflag:$0x1] =	stream.indirect.gather [hbm4b:s4+s16], $0x40, s26, s16, $0xb8;
	[tilespmem:$0x18000] =	vst v63  }
0x3e: {  	_ =	swait.ge [sflag:s20], $0x2000  }
.Ltmp0:
0x3f: {  	[sflag:s20] =	ssyncset.done $0x0;
	(pc) =	sbr.rel @p0 .LBB2_2-.Ltmp0, $4  }
0x40: {  	s25 =	sadd.s32 $0x5080, s25;
	[sflag:s20] =	ssyncadd.s32 $0xFFFFE000  }
0x41: {  	[spmem:s2] =	stream.indirect.scatter.add.f32 [tilespmem:s18], [sflag:$0x3], $0x40, s25, s16, $0xb8;
	[tilespmem:$0x18000] =	vst v63  }
0x42: {  	_ =	swait.ge [sflag:s13], $0x2000  }
0x43: {  	s26 =	smov.u32 s30;
	s25 =	sshra.s32 s29, $0x2;
	[sflag:s13] =	ssyncset.done $0x0  }
0x44: {  	s26 =	sadd.s32 $0x80, s25;
	[sflag:s13] =	ssyncadd.s32 $0xFFFFE000  }
0x45: {  	[tilespmem:s18], [sflag:$0x2] =	stream.indirect.gather [hbm4b:s4+s16], $0x40, s26, s16, $0xb8;
	[tilespmem:$0x18000] =	vst v63  }
0x46: {  	_ =	swait.ge [sflag:s19], $0x2000  }
0x47: {  	[sflag:s19] =	ssyncset.done $0x0  }
0x48: {  	s29 =	sadd.s32 $0x5000, s25;
	[sflag:s19] =	ssyncadd.s32 $0xFFFFE000  }
0x49: {  	[spmem:s2] =	stream.indirect.scatter.add.f32 [tilespmem:s17], [sflag:$0x3], $0x40, s29, s16, $0xb8;
	[tilespmem:$0x18000] =	vst v63  }
0x4a: {  	_ =	swait.ge [sflag:s13], $0x2000  }
0x4b: {  	[sflag:s13] =	ssyncset.done $0x0  }
0x4c: {  	s30 =	sadd.s32 $0x100, s25;
	[sflag:s13] =	ssyncadd.s32 $0xFFFFE000  }
0x4d: {  	[tilespmem:s17], [sflag:$0x1] =	stream.indirect.gather [hbm4b:s4+s16], $0x40, s30, s16, $0xb8;
	[tilespmem:$0x18000] =	vst v63  }
0x4e: {  	_ =	swait.ge [sflag:s20], $0x2000  }
0x4f: {  	[sflag:s20] =	ssyncset.done $0x0  }
0x50: {  	s31 =	sadd.s32 $0x5080, s25;
	[sflag:s20] =	ssyncadd.s32 $0xFFFFE000  }
0x51: {  	[spmem:s2] =	stream.indirect.scatter.add.f32 [tilespmem:s18], [sflag:$0x3], $0x40, s31, s16, $0xb8;
	[tilespmem:$0x18000] =	vst v63  }
0x52: {  	_ =	swait.ge [sflag:s13], $0x2000  }
0x53: {  	[sflag:s13] =	ssyncset.done $0x0  }
0x54: {  	[sflag:s13] =	ssyncadd.s32 $0xFFFFE000  }
0x55: {  	[tilespmem:s18], [sflag:$0x2] =	stream.indirect.gather [hbm4b:s4+s16], $0x40, s21, s16, $0xb8;
	[tilespmem:$0x18000] =	vst v63  }
0x56: {  	_ =	swait.ge [sflag:s19], $0x2000  }
0x57: {  	[sflag:s19] =	ssyncset.done $0x0  }
0x58: {  	[sflag:s19] =	ssyncadd.s32 $0xFFFFE000  }
0x59: {  	[spmem:s2] =	stream.indirect.scatter.add.f32 [tilespmem:s17], [sflag:$0x3], $0x40, s22, s16, $0xb8;
	[tilespmem:$0x18000] =	vst v63  }
0x5a: {  	_ =	swait.ge [sflag:s13], $0x2000  }
0x5b: {  	[sflag:s13] =	ssyncset.done $0x0  }
0x5c: {  	[sflag:s13] =	ssyncadd.s32 $0xFFFFE000  }
0x5d: {  	_ =	swait.ge [sflag:s20], $0x2000  }
0x5e: {  	[sflag:s20] =	ssyncset.done $0x0  }
0x5f: {  	[sflag:s20] =	ssyncadd.s32 $0xFFFFE000  }
0x60: {  	[spmem:s2] =	stream.indirect.scatter.add.f32 [tilespmem:s18], [sflag:$0x3], $0x40, s23, s16, $0xb8;
	[tilespmem:$0x18000] =	vst v63  }
0x61: {  	_ =	swait.ge [sflag:s13], $0x2000  }
0x62: {  	[sflag:s13] =	ssyncset.done $0x0  }
0x63: {  	[sflag:s13] =	ssyncadd.s32 $0xFFFFE000  }
0x64: {  	[bflag:$0x0] =	sbarrier.arrive $0xFFFF  }
0x65: {  	[hbm:s8], [sflag:s14] =	dma.local [spmem:s15], $0x1400  }
0x66: {  	_ =	swait.ge [sflag:s13], $0x1400  }
0x67: {  	[sflag:s13] =	ssyncset.done $0x0  }
0x68: {  	s26 =	simm.s32 $0x0;
	[sflag:s13] =	ssyncadd.s32 $0xFFFFEC00  }
0x69: {  	[tilespmem:s26], [sflag:$0x3] =	stream.linear.gather [hbm4b:s9+s26], $0x5000, $0x38;
	[tilespmem:$0x18000] =	vst v63  }
0x6a: {  	_ =	swait.ge [sflag:s13], $0x5000  }
0x6b: {  	[sflag:s13] =	ssyncset.done $0x0  }
0x6c: {  	[sflag:s13] =	ssyncadd.s32 $0xFFFFB000  }
0x6d: {  	[spmem:s15], [sflag:s14] =	dma.local [hbm:s7], $0x1400  }
0x6e: {  	_ =	swait.ge [sflag:s13], $0x1400  }
0x6f: {  	[sflag:s13] =	ssyncset.done $0x0  }
0x70: {  	[sflag:s13] =	ssyncadd.s32 $0xFFFFEC00  }
0x71: {  	[bflag:$0x0] =	sbarrier.arrive $0xFFFF  }
0x72: {  	[tilespmem:s17], [sflag:$0x1] =	stream.indirect.gather [hbm4b:s4+s16], $0x40, s26, s16, $0xb8;
	[tilespmem:$0x18000] =	vst v63  }
0x73: {  	s28 =	simm.s32 $0x80  }
0x74: {  	[tilespmem:s18], [sflag:$0x2] =	stream.indirect.gather [hbm4b:s4+s16], $0x40, s28, s16, $0xb8;
	[tilespmem:$0x18000] =	vst v63  }
0x75: {  	_ =	swait.ge [sflag:s19], $0x2000  }
0x76: {  	[sflag:s19] =	ssyncset.done $0x0  }
0x77: {  	s29 =	simm.s32 $0x5000;
	[sflag:s19] =	ssyncadd.s32 $0xFFFFE000  }
0x78: {  	[spmem:s2] =	stream.indirect.scatter.add.f32 [tilespmem:s17], [sflag:$0x3], $0x40, s29, s16, $0xb8;
	[tilespmem:$0x18000] =	vst v63  }
0x79: {  	_ =	swait.ge [sflag:s13], $0x2000  }
0x7a: {  	[sflag:s13] =	ssyncset.done $0x0  }
0x7b: {  	s30 =	simm.s32 $0x100;
	[sflag:s13] =	ssyncadd.s32 $0xFFFFE000  }
0x7c: {  	[tilespmem:s17], [sflag:$0x1] =	stream.indirect.gather [hbm4b:s4+s16], $0x40, s30, s16, $0xb8;
	[tilespmem:$0x18000] =	vst v63  }
0x7d: {  	_ =	swait.ge [sflag:s20], $0x2000  }
0x7e: {  	[sflag:s20] =	ssyncset.done $0x0  }
0x7f: {  	s31 =	simm.s32 $0x5080;
	[sflag:s20] =	ssyncadd.s32 $0xFFFFE000  }
0x80: {  	[spmem:s2] =	stream.indirect.scatter.add.f32 [tilespmem:s18], [sflag:$0x3], $0x40, s31, s16, $0xb8;
	[tilespmem:$0x18000] =	vst v63  }
0x81: {  	_ =	swait.ge [sflag:s13], $0x2000  }
0x82: {  	s25 =	simm.s32 $0x100;
	s26 =	simm.s32 $0x800;
	[sflag:s13] =	ssyncset.done $0x0  }
.LBB2_4:
0x83: {  	s28 =	sadd.s32 $0x80, s25  }
0x84: {  	[sflag:s13] =	ssyncadd.s32 $0xFFFFE000;
	s29 =	smov.u32 s26;
	s30 =	sadd.s32 $0x400, s26  }
0x85: {  	[tilespmem:s18], [sflag:$0x2] =	stream.indirect.gather [hbm4b:s4+s16], $0x40, s28, s16, $0xb8;
	[tilespmem:$0x18000] =	vst v63  }
0x86: {  	p0 =	sne.s32 s26, $0x13800;
	_ =	swait.ge [sflag:s19], $0x2000  }
0x87: {  	[sflag:s19] =	ssyncset.done $0x0  }
0x88: {  	s26 =	sadd.s32 $0x5000, s25;
	[sflag:s19] =	ssyncadd.s32 $0xFFFFE000  }
0x89: {  	[spmem:s2] =	stream.indirect.scatter.add.f32 [tilespmem:s17], [sflag:$0x3], $0x40, s26, s16, $0xb8;
	[tilespmem:$0x18000] =	vst v63  }
0x8a: {  	_ =	swait.ge [sflag:s13], $0x2000  }
0x8b: {  	[sflag:s13] =	ssyncset.done $0x0  }
0x8c: {  	s26 =	sadd.s32 $0x100, s25;
	[sflag:s13] =	ssyncadd.s32 $0xFFFFE000  }
0x8d: {  	[tilespmem:s17], [sflag:$0x1] =	stream.indirect.gather [hbm4b:s4+s16], $0x40, s26, s16, $0xb8;
	[tilespmem:$0x18000] =	vst v63  }
0x8e: {  	_ =	swait.ge [sflag:s20], $0x2000  }
.Ltmp1:
0x8f: {  	[sflag:s20] =	ssyncset.done $0x0;
	(pc) =	sbr.rel @p0 .LBB2_4-.Ltmp1, $4  }
0x90: {  	s25 =	sadd.s32 $0x5080, s25;
	[sflag:s20] =	ssyncadd.s32 $0xFFFFE000  }
0x91: {  	[spmem:s2] =	stream.indirect.scatter.add.f32 [tilespmem:s18], [sflag:$0x3], $0x40, s25, s16, $0xb8;
	[tilespmem:$0x18000] =	vst v63  }
0x92: {  	_ =	swait.ge [sflag:s13], $0x2000  }
0x93: {  	s26 =	smov.u32 s30;
	s25 =	sshra.s32 s29, $0x2;
	[sflag:s13] =	ssyncset.done $0x0  }
0x94: {  	s26 =	sadd.s32 $0x80, s25;
	[sflag:s13] =	ssyncadd.s32 $0xFFFFE000  }
0x95: {  	[tilespmem:s18], [sflag:$0x2] =	stream.indirect.gather [hbm4b:s4+s16], $0x40, s26, s16, $0xb8;
	[tilespmem:$0x18000] =	vst v63  }
0x96: {  	_ =	swait.ge [sflag:s19], $0x2000  }
0x97: {  	[sflag:s19] =	ssyncset.done $0x0  }
0x98: {  	s29 =	sadd.s32 $0x5000, s25;
	[sflag:s19] =	ssyncadd.s32 $0xFFFFE000  }
0x99: {  	[spmem:s2] =	stream.indirect.scatter.add.f32 [tilespmem:s17], [sflag:$0x3], $0x40, s29, s16, $0xb8;
	[tilespmem:$0x18000] =	vst v63  }
0x9a: {  	_ =	swait.ge [sflag:s13], $0x2000  }
0x9b: {  	[sflag:s13] =	ssyncset.done $0x0  }
0x9c: {  	s30 =	sadd.s32 $0x100, s25;
	[sflag:s13] =	ssyncadd.s32 $0xFFFFE000  }
0x9d: {  	[tilespmem:s17], [sflag:$0x1] =	stream.indirect.gather [hbm4b:s4+s16], $0x40, s30, s16, $0xb8;
	[tilespmem:$0x18000] =	vst v63  }
0x9e: {  	_ =	swait.ge [sflag:s20], $0x2000  }
0x9f: {  	[sflag:s20] =	ssyncset.done $0x0  }
0xa0: {  	s31 =	sadd.s32 $0x5080, s25;
	[sflag:s20] =	ssyncadd.s32 $0xFFFFE000  }
0xa1: {  	[spmem:s2] =	stream.indirect.scatter.add.f32 [tilespmem:s18], [sflag:$0x3], $0x40, s31, s16, $0xb8;
	[tilespmem:$0x18000] =	vst v63  }
0xa2: {  	_ =	swait.ge [sflag:s13], $0x2000  }
0xa3: {  	[sflag:s13] =	ssyncset.done $0x0  }
0xa4: {  	[sflag:s13] =	ssyncadd.s32 $0xFFFFE000  }
0xa5: {  	[tilespmem:s18], [sflag:$0x2] =	stream.indirect.gather [hbm4b:s4+s16], $0x40, s21, s16, $0xb8;
	[tilespmem:$0x18000] =	vst v63  }
0xa6: {  	_ =	swait.ge [sflag:s19], $0x2000  }
0xa7: {  	[sflag:s19] =	ssyncset.done $0x0  }
0xa8: {  	[sflag:s19] =	ssyncadd.s32 $0xFFFFE000  }
0xa9: {  	[spmem:s2] =	stream.indirect.scatter.add.f32 [tilespmem:s17], [sflag:$0x3], $0x40, s22, s16, $0xb8;
	[tilespmem:$0x18000] =	vst v63  }
0xaa: {  	_ =	swait.ge [sflag:s13], $0x2000  }
0xab: {  	[sflag:s13] =	ssyncset.done $0x0  }
0xac: {  	[sflag:s13] =	ssyncadd.s32 $0xFFFFE000  }
0xad: {  	_ =	swait.ge [sflag:s20], $0x2000  }
0xae: {  	[sflag:s20] =	ssyncset.done $0x0  }
0xaf: {  	[sflag:s20] =	ssyncadd.s32 $0xFFFFE000  }
0xb0: {  	[spmem:s2] =	stream.indirect.scatter.add.f32 [tilespmem:s18], [sflag:$0x3], $0x40, s23, s16, $0xb8;
	[tilespmem:$0x18000] =	vst v63  }
0xb1: {  	_ =	swait.ge [sflag:s13], $0x2000  }
0xb2: {  	s24 =	sadd.s32 $0x1, s24;
	[sflag:s13] =	ssyncset.done $0x0  }
0xb3: {  	p0 =	sne.s32 s24, s11;
	[sflag:s13] =	ssyncadd.s32 $0xFFFFE000  }
.Ltmp2:
0xb4: {  	[bflag:$0x0] =	sbarrier.arrive $0xFFFF;
	(pc) =	sbr.rel @p0 .LBB2_1-.Ltmp2, $4  }
0xb5: {  	[hbm:s10], [sflag:s14] =	dma.local [spmem:s15], $0x1400  }
0xb6: {  	_ =	swait.ge [sflag:s13], $0x1400  }
0xb7: {  	[sflag:s13] =	ssyncset.done $0x0  }
0xb8: {  	[sflag:s13] =	ssyncadd.s32 $0xFFFFEC00  }
0xb9: {  	_ =	sfence.sel $0x180000  }
0xba: {  	[bflag:$0x0] =	sbarrier.arrive $0xFFFF  }
0xbb: {  	p0 =	sne.s32 s1, $0x0;
	_ =	strace $0x90000050  }
0xbc: {  	s0 =	sadd.s32 @!p0 $0x100000, s0;
	[bflag:$0x2] =	sbarrier.arrive $0xFFFF  }
0xbd: {  	[sflag:s0] =	ssyncadd.tile.s32 @!p0 $0x1;
	_ =	shalt  }
.Lfunc_end2:
_tile_overlayer_lowered:
.L_overlay_start_2:
0xbe: {  	(tag) =	ssettag $0x2  }
0xbf: {  	s0 =	rddreg [dreg:$0x0];
	s2 =	stileid.u32  }
0xc0: {  	s1 =	rddreg [dreg:$0x1];
	p0 =	sne.s32 s2, $0x0  }
0xc1: {  	s3 =	rddreg [dreg:$0x2];
	[bflag:$0x3] =	sbarrier.arrive $0xFFFF;
	s2 =	simm.s32 @!p0 $0x1C03  }
0xc2: {  	[timem:s3], [sflag:s2] =	dma.local @!p0 [hbm:s0], s1  }
0xc3: {  	s0 =	simm.s32 @!p0 $0x3  }
0xc4: {  	_ =	swait.ge @!p0 [sflag:s0], s1  }
0xc5: {  	s1 =	ssub.s32 @!p0 $0x0, s1;
	[sflag:s0] =	ssyncset.done @!p0 $0x0  }
0xc6: {  	[sflag:s0] =	ssyncadd.s32 @!p0 s1  }
0xc7: {  	[bflag:$0x3] =	sbarrier.arrive $0xFFFF  }
0xc8: {  	_ =	shalt  }

</sc_bundles>
